<compile_context>
chip_gen: v7x
topology: tpu7x:2x2x1
jax: 0.10.2.dev20260603
libtpu: 0.0.44.dev20260713+nightly
codegen_flags: <defaults>
</compile_context>

<pallas_src>
import functools

import jax
import jax.numpy as jnp
from jax import lax
from jax.experimental import pallas as pl
from jax.experimental.pallas import tpu as pltpu
from jax.experimental.pallas import tpu_sc as plsc

N = 10000
E = 320000
D = 128
H = 16
NG = 64
NCLS = 2

NC, NS, L = 2, 16, 16
NW = NC * NS
EROW = 128
RPT = 80
EPAD = NW * RPT * EROW
NPAD = 10112
STRIPE = NPAD // NS
TRASH = 10008
ZROW = 10000

DEG_K = 8


def _deg_body(dst_hbm, ones_hbm, zeros_hbm, out_hbm, idx_v, ones_v, acc_sh,
              ssem):
    c = lax.axis_index("c")
    s = lax.axis_index("s")
    wid = s * NC + c
    pltpu.sync_copy(zeros_hbm, acc_sh.at[pl.ds(s * STRIPE, STRIPE)])
    pltpu.sync_copy(ones_hbm, ones_v)
    pltpu.sync_copy(dst_hbm.at[pl.ds(wid * RPT, RPT)], idx_v)
    plsc.subcore_barrier()

    def body(i, carry):
        descs = [
            pltpu.async_copy(ones_v, acc_sh.at[idx_v.at[i * DEG_K + j]],
                             ssem, add=True)
            for j in range(DEG_K)
        ]
        for d in descs:
            d.wait()
        return carry

    lax.fori_loop(0, RPT // DEG_K, body, 0)
    plsc.subcore_barrier()
    pltpu.sync_copy(
        acc_sh.at[pl.ds(s * STRIPE, STRIPE)],
        out_hbm.at[c, pl.ds(s * STRIPE, STRIPE)],
    )


MP_K = 4
MP_NB2 = RPT // (2 * MP_K)


def _mp_body(g_hbm, src_hbm, dst_hbm, zeros_hbm, out_hbm,
             src_v, dst_v, buf_a, buf_b, acc_sh, gs_a, gs_b, ss_a, ss_b):
    c = lax.axis_index("c")
    s = lax.axis_index("s")
    wid = s * NC + c
    pltpu.sync_copy(zeros_hbm, acc_sh.at[pl.ds(s * STRIPE, STRIPE)])
    pltpu.sync_copy(src_hbm.at[pl.ds(wid * RPT, RPT)], src_v)
    pltpu.sync_copy(dst_hbm.at[pl.ds(wid * RPT, RPT)], dst_v)
    plsc.subcore_barrier()

    def fire_g(blk, buf, sem):
        return [
            pltpu.async_copy(g_hbm.at[src_v.at[blk * MP_K + j]],
                             buf.at[pl.ds(j * EROW, EROW)], sem)
            for j in range(MP_K)
        ]

    def fire_s(blk, buf, sem):
        return [
            pltpu.async_copy(buf.at[pl.ds(j * EROW, EROW)],
                             acc_sh.at[dst_v.at[blk * MP_K + j]], sem,
                             add=True)
            for j in range(MP_K)
        ]

    def body(i, carry):
        b0 = 2 * i
        b1 = b0 + 1
        g_a = fire_g(b0, buf_a, gs_a)
        g_b = fire_g(b1, buf_b, gs_b)
        for d in g_a:
            d.wait()
        s_a = fire_s(b0, buf_a, ss_a)
        for d in g_b:
            d.wait()
        s_b = fire_s(b1, buf_b, ss_b)
        for d in s_a:
            d.wait()
        for d in s_b:
            d.wait()
        return carry

    lax.fori_loop(0, MP_NB2, body, 0)
    plsc.subcore_barrier()
    pltpu.sync_copy(
        acc_sh.at[pl.ds(s * STRIPE, STRIPE)],
        out_hbm.at[c, pl.ds(s * STRIPE, STRIPE)],
    )


def _t1_body(x_ref, w1_ref, dego_ref, g1_ref, dinv_ref):
    deg = dego_ref[0] + dego_ref[1] + 1.0
    dinv = lax.rsqrt(deg)
    h = jnp.dot(x_ref[...], w1_ref[...], preferred_element_type=jnp.float32)
    rid = lax.broadcasted_iota(jnp.int32, (NPAD, H), 0)
    mask = rid < N
    g1_ref[...] = jnp.where(mask, h * dinv, 0.0)
    dinv_ref[...] = jnp.where(mask, dinv, 0.0)


def _t2_body(agg_ref, g1_ref, dinv_ref, w2_ref, b1_ref, g2_ref):
    aggs = agg_ref[0] + agg_ref[1]
    dinv = dinv_ref[...]
    z = jnp.maximum(dinv * (aggs + g1_ref[...]) + b1_ref[...], 0.0)
    h2 = jnp.dot(z, w2_ref[...], preferred_element_type=jnp.float32)
    rid = lax.broadcasted_iota(jnp.int32, (NPAD, H), 0)
    g2_ref[...] = jnp.where(rid < N, h2 * dinv, 0.0)


def _t3_body(agg_ref, g2_ref, dinv_ref, b2_ref, batch_ref, wfc_ref, bfc_ref,
             out_ref):
    aggs = agg_ref[0] + agg_ref[1]
    z = jnp.maximum(dinv_ref[...] * (aggs + g2_ref[...]) + b2_ref[...], 0.0)
    seg = lax.broadcasted_iota(jnp.int32, (NG, NPAD), 0)
    onehot = jnp.where(seg == batch_ref[...], 1.0, 0.0)
    sums = jnp.dot(onehot, z, preferred_element_type=jnp.float32)
    cnts = jnp.sum(onehot, axis=1, keepdims=True)
    pooled = sums / jnp.maximum(cnts, 1.0)
    out_ref[...] = (
        jnp.dot(pooled, wfc_ref[...], preferred_element_type=jnp.float32)
        + bfc_ref[...]
    )


@functools.lru_cache(maxsize=None)
def _sc_kernels():
    mesh = plsc.VectorSubcoreMesh(core_axis_name="c", subcore_axis_name="s")
    params = pltpu.CompilerParams(use_tc_tiling_on_sc=False)
    deg = pl.kernel(
        _deg_body,
        out_type=jax.ShapeDtypeStruct((NC, NPAD, H), jnp.float32),
        mesh=mesh,
        scratch_types=[
            pltpu.VMEM((RPT, EROW), jnp.int32),
            pltpu.VMEM((EROW, H), jnp.float32),
            pltpu.VMEM_SHARED((NPAD, H), jnp.float32),
            pltpu.SemaphoreType.DMA,
        ],
        compiler_params=params,
    )
    mp = pl.kernel(
        _mp_body,
        out_type=jax.ShapeDtypeStruct((NC, NPAD, H), jnp.float32),
        mesh=mesh,
        scratch_types=[
            pltpu.VMEM((RPT, EROW), jnp.int32),
            pltpu.VMEM((RPT, EROW), jnp.int32),
            pltpu.VMEM((MP_K * EROW, H), jnp.float32),
            pltpu.VMEM((MP_K * EROW, H), jnp.float32),
            pltpu.VMEM_SHARED((NPAD, H), jnp.float32),
            pltpu.SemaphoreType.DMA,
            pltpu.SemaphoreType.DMA,
            pltpu.SemaphoreType.DMA,
            pltpu.SemaphoreType.DMA,
        ],
        compiler_params=params,
    )
    return deg, mp


_t1_call = pl.pallas_call(
    _t1_body,
    out_shape=(
        jax.ShapeDtypeStruct((NPAD, H), jnp.float32),
        jax.ShapeDtypeStruct((NPAD, H), jnp.float32),
    ),
)

_t2_call = pl.pallas_call(
    _t2_body,
    out_shape=jax.ShapeDtypeStruct((NPAD, H), jnp.float32),
)

_t3_call = pl.pallas_call(
    _t3_body,
    out_shape=jax.ShapeDtypeStruct((NG, NCLS), jnp.float32),
)


@jax.jit
def kernel(x, edge_index, batch, W1, b1, W2, b2, Wfc, bfc):
    src = edge_index[0]
    dst = edge_index[1]
    pad_e = EPAD - E
    srcp = jnp.concatenate(
        [src, jnp.full((pad_e,), ZROW, jnp.int32)]).reshape(NW * RPT, EROW)
    dstp = jnp.concatenate(
        [dst, jnp.full((pad_e,), TRASH, jnp.int32)]).reshape(NW * RPT, EROW)
    zeros_stripe = jnp.zeros((STRIPE, H), jnp.float32)
    ones_rows = jnp.ones((EROW, H), jnp.float32)
    xp = jnp.pad(x, ((0, NPAD - N), (0, 0)))
    batchp = jnp.concatenate(
        [batch, jnp.full((NPAD - N,), NG, jnp.int32)]).reshape(1, NPAD)

    deg_kernel, mp_kernel = _sc_kernels()
    dego = deg_kernel(dstp, ones_rows, zeros_stripe)
    g1, dinv = _t1_call(xp, W1, dego)
    agg1 = mp_kernel(g1, srcp, dstp, zeros_stripe)
    g2 = _t2_call(agg1, g1, dinv, W2, b1.reshape(1, H))
    agg2 = mp_kernel(g2, srcp, dstp, zeros_stripe)
    return _t3_call(agg2, g2, dinv, b2.reshape(1, H), batchp, Wfc,
                    bfc.reshape(1, NCLS))

# --- scband reference (transcript-rebuilt; emitter-appended) ---
"""Pipeline reference for scband-gcnmodel-31602369364021 (READ-ONLY COPY).

The authoritative reference and input builder live on the scoring server;
editing this copy changes nothing except your own understanding.
"""

import jax, jax.numpy as jnp
import numpy as np

N_NODES = 10000
N_EDGES = 320000
D_FEAT = 128
HIDDEN = 16
N_CLASSES = 2
N_GRAPHS = 64


def setup_inputs(seed: int = 0):
    key = jax.random.key(seed)
    ks = jax.random.split(key, 10)
    x = jax.random.normal(ks[0], (N_NODES, D_FEAT), dtype=jnp.float32)
    edge_index = jax.random.randint(ks[1], (2, N_EDGES), 0, N_NODES, dtype=jnp.int32)
    batch = jnp.sort(jax.random.randint(ks[2], (N_NODES,), 0, N_GRAPHS, dtype=jnp.int32))
    W1 = jax.random.normal(ks[3], (D_FEAT, HIDDEN), dtype=jnp.float32) / np.sqrt(D_FEAT)
    b1 = jnp.zeros((HIDDEN,), dtype=jnp.float32)
    W2 = jax.random.normal(ks[4], (HIDDEN, HIDDEN), dtype=jnp.float32) / np.sqrt(HIDDEN)
    b2 = jnp.zeros((HIDDEN,), dtype=jnp.float32)
    Wfc = jax.random.normal(ks[5], (HIDDEN, N_CLASSES), dtype=jnp.float32) / np.sqrt(HIDDEN)
    bfc = jnp.zeros((N_CLASSES,), dtype=jnp.float32)
    return {"x": x, "edge_index": edge_index, "batch": batch, "W1": W1, "b1": b1, "W2": W2, "b2": b2, "Wfc": Wfc, "bfc": bfc}


def _gcn_conv(x, src, dst, W, b):
    # PyG GCNConv: x' = D^{-1/2} (A + I) D^{-1/2} X W + b
    n = x.shape[0]
    loop = jnp.arange(n, dtype=src.dtype)
    s = jnp.concatenate([src, loop])
    d = jnp.concatenate([dst, loop])
    deg = jnp.zeros((n,), dtype=jnp.float32).at[d].add(1.0)
    dinv = jnp.where(deg > 0, jax.lax.rsqrt(jnp.maximum(deg, 1e-12)), 0.0)
    norm = dinv[s] * dinv[d]
    h = x @ W
    msg = h[s] * norm[:, None]
    out = jnp.zeros((n, W.shape[1]), dtype=jnp.float32).at[d].add(msg)
    return out + b


def reference(x, edge_index, batch, W1, b1, W2, b2, Wfc, bfc):
    src, dst = edge_index[0], edge_index[1]
    h = _gcn_conv(x, src, dst, W1, b1)
    h = jax.nn.relu(h)
    # dropout(p=0.5) is identity in eval/reference mode
    h = _gcn_conv(h, src, dst, W2, b2)
    h = jax.nn.relu(h)
    sums = jax.ops.segment_sum(h, batch, num_segments=N_GRAPHS)
    cnts = jax.ops.segment_sum(jnp.ones((h.shape[0],), dtype=jnp.float32), batch, num_segments=N_GRAPHS)
    pooled = sums / jnp.maximum(cnts, 1.0)[:, None]
    return pooled @ Wfc + bfc

if __name__ == "__main__":
    import jax
    _d = setup_inputs()
    print(jax.jit(kernel)(*tuple(_d.values())))

</pallas_src>

<mosaic_0001>
#map = affine_map<(d0, d1) -> (0, 0)>
#map1 = affine_map<(d0, d1) -> (0, 0, 0)>
module attributes {stable_mosaic.version = 14 : i64} {
  func.func @_mp_body(%arg0: i32, %arg1: i32, %arg2: memref<10112x16xf32, #tpu.memory_space<hbm>>, %arg3: memref<2560x128xi32, #tpu.memory_space<hbm>>, %arg4: memref<2560x128xi32, #tpu.memory_space<hbm>>, %arg5: memref<632x16xf32, #tpu.memory_space<hbm>>, %arg6: memref<2x10112x16xf32, #tpu.memory_space<hbm>>, %arg7: memref<80x128xi32, #tpu.memory_space<vmem>>, %arg8: memref<80x128xi32, #tpu.memory_space<vmem>>, %arg9: memref<512x16xf32, #tpu.memory_space<vmem>>, %arg10: memref<512x16xf32, #tpu.memory_space<vmem>>, %arg11: memref<10112x16xf32, #tpu.memory_space<vmem_shared>>, %arg12: memref<!tpu.dma_semaphore, #tpu.memory_space<semaphore_mem>>, %arg13: memref<!tpu.dma_semaphore, #tpu.memory_space<semaphore_mem>>, %arg14: memref<!tpu.dma_semaphore, #tpu.memory_space<semaphore_mem>>, %arg15: memref<!tpu.dma_semaphore, #tpu.memory_space<semaphore_mem>>) attributes {dimension_semantics = [#tpu.dimension_semantics<core_parallel>, #tpu.dimension_semantics<subcore_parallel>], iteration_bounds = array<i64: 2, 16>, scalar_prefetch = 0 : i64, scratch_operands = 9 : i64, tpu.core_type = #tpu.core_type<sc_vector_subcore>, window_params = [{transform_indices = #map}, {transform_indices = #map}, {transform_indices = #map}, {transform_indices = #map}, {transform_indices = #map1}]} {
    %mul3A = arith.constant 2 : i32
    %mul3A_0 = arith.muli %arg1, %mul3A : i32
    %add3A = arith.addi %mul3A_0, %arg0 : i32
    %mul3A_1 = arith.constant 632 : i32
    %mul3A_2 = arith.muli %arg1, %mul3A_1 : i32
    "tpu.region"() ({
      %run_scoped3A = tpu.sem_alloc : memref<!tpu.dma_semaphore, #tpu.memory_space<semaphore_mem>>
      %dma_start3A = arith.constant 0 : i32
      %dma_start3A_17 = tpu.memref_slice %arg11[%mul3A_2, %dma_start3A] : memref<10112x16xf32, #tpu.memory_space<vmem_shared>> -> memref<632x16xf32, #tpu.memory_space<vmem_shared>>
      tpu.enqueue_dma source(%arg5 : memref<632x16xf32, #tpu.memory_space<hbm>>) target(%dma_start3A_17 : memref<632x16xf32, #tpu.memory_space<vmem_shared>>) target_semaphore(%run_scoped3A : memref<!tpu.dma_semaphore, #tpu.memory_space<semaphore_mem>>)
      %dma_wait3A = arith.constant 0 : i32
      %dma_wait3A_18 = tpu.memref_slice %arg11[%mul3A_2, %dma_wait3A] : memref<10112x16xf32, #tpu.memory_space<vmem_shared>> -> memref<632x16xf32, #tpu.memory_space<vmem_shared>>
      tpu.wait_dma2 semaphore(%run_scoped3A : memref<!tpu.dma_semaphore, #tpu.memory_space<semaphore_mem>>) src(%arg5 : memref<632x16xf32, #tpu.memory_space<hbm>>) dst(%dma_wait3A_18 : memref<632x16xf32, #tpu.memory_space<vmem_shared>>)
      tpu.yield
    }) : () -> ()
    %mul3A_3 = arith.constant 80 : i32
    %mul3A_4 = arith.muli %add3A, %mul3A_3 : i32
    "tpu.region"() ({
      %run_scoped3A = tpu.sem_alloc : memref<!tpu.dma_semaphore, #tpu.memory_space<semaphore_mem>>
      %dma_start3A = arith.constant 0 : i32
      %dma_start3A_17 = tpu.memref_slice %arg3[%mul3A_4, %dma_start3A] : memref<2560x128xi32, #tpu.memory_space<hbm>> -> memref<80x128xi32, #tpu.memory_space<hbm>>
      %dma_start3A_18 = arith.constant 0 : i32
      %dma_start3A_19 = tpu.memref_slice %arg3[%mul3A_4, %dma_start3A_18] : memref<2560x128xi32, #tpu.memory_space<hbm>> -> memref<80x128xi32, #tpu.memory_space<hbm>>
      tpu.enqueue_dma source(%dma_start3A_19 : memref<80x128xi32, #tpu.memory_space<hbm>>) target(%arg7 : memref<80x128xi32, #tpu.memory_space<vmem>>) target_semaphore(%run_scoped3A : memref<!tpu.dma_semaphore, #tpu.memory_space<semaphore_mem>>)
      %dma_wait3A = arith.constant 0 : i32
      %dma_wait3A_20 = tpu.memref_slice %arg3[%mul3A_4, %dma_wait3A] : memref<2560x128xi32, #tpu.memory_space<hbm>> -> memref<80x128xi32, #tpu.memory_space<hbm>>
      %dma_wait3A_21 = arith.constant 0 : i32
      %dma_wait3A_22 = tpu.memref_slice %arg3[%mul3A_4, %dma_wait3A_21] : memref<2560x128xi32, #tpu.memory_space<hbm>> -> memref<80x128xi32, #tpu.memory_space<hbm>>
      tpu.wait_dma2 semaphore(%run_scoped3A : memref<!tpu.dma_semaphore, #tpu.memory_space<semaphore_mem>>) src(%dma_wait3A_22 : memref<80x128xi32, #tpu.memory_space<hbm>>) dst(%arg7 : memref<80x128xi32, #tpu.memory_space<vmem>>)
      tpu.yield
    }) : () -> ()
    %mul3A_5 = arith.constant 80 : i32
    %mul3A_6 = arith.muli %add3A, %mul3A_5 : i32
    "tpu.region"() ({
      %run_scoped3A = tpu.sem_alloc : memref<!tpu.dma_semaphore, #tpu.memory_space<semaphore_mem>>
      %dma_start3A = arith.constant 0 : i32
      %dma_start3A_17 = tpu.memref_slice %arg4[%mul3A_6, %dma_start3A] : memref<2560x128xi32, #tpu.memory_space<hbm>> -> memref<80x128xi32, #tpu.memory_space<hbm>>
      %dma_start3A_18 = arith.constant 0 : i32
      %dma_start3A_19 = tpu.memref_slice %arg4[%mul3A_6, %dma_start3A_18] : memref<2560x128xi32, #tpu.memory_space<hbm>> -> memref<80x128xi32, #tpu.memory_space<hbm>>
      tpu.enqueue_dma source(%dma_start3A_19 : memref<80x128xi32, #tpu.memory_space<hbm>>) target(%arg8 : memref<80x128xi32, #tpu.memory_space<vmem>>) target_semaphore(%run_scoped3A : memref<!tpu.dma_semaphore, #tpu.memory_space<semaphore_mem>>)
      %dma_wait3A = arith.constant 0 : i32
      %dma_wait3A_20 = tpu.memref_slice %arg4[%mul3A_6, %dma_wait3A] : memref<2560x128xi32, #tpu.memory_space<hbm>> -> memref<80x128xi32, #tpu.memory_space<hbm>>
      %dma_wait3A_21 = arith.constant 0 : i32
      %dma_wait3A_22 = tpu.memref_slice %arg4[%mul3A_6, %dma_wait3A_21] : memref<2560x128xi32, #tpu.memory_space<hbm>> -> memref<80x128xi32, #tpu.memory_space<hbm>>
      tpu.wait_dma2 semaphore(%run_scoped3A : memref<!tpu.dma_semaphore, #tpu.memory_space<semaphore_mem>>) src(%dma_wait3A_22 : memref<80x128xi32, #tpu.memory_space<hbm>>) dst(%arg8 : memref<80x128xi32, #tpu.memory_space<vmem>>)
      tpu.yield
    }) : () -> ()
    %barrier3A = arith.constant 0 : index
    tpu.barrier barrier_id(%barrier3A)
    %scan3A = arith.constant 0 : i32
    %scan3A_7 = arith.constant 0 : i32
    %scan3A_8 = arith.constant 10 : i32
    %scan3A_9 = arith.addi %scan3A_7, %scan3A_8 : i32
    %scan3A_10 = arith.constant 1 : i32
    scf.for %scan3A_17 = %scan3A_7 to %scan3A_9 step %scan3A_10  : i32 {
      %mul3A_18 = arith.constant 2 : i32
      %mul3A_19 = arith.muli %mul3A_18, %scan3A_17 : i32
      %add3A_20 = arith.constant 1 : i32
      %add3A_21 = arith.addi %mul3A_19, %add3A_20 : i32
      %mul3A_22 = arith.constant 4 : i32
      %mul3A_23 = arith.muli %mul3A_19, %mul3A_22 : i32
      %add3A_24 = arith.constant 0 : i32
      %add3A_25 = arith.addi %mul3A_23, %add3A_24 : i32
      %dma_start3A = arith.constant 0 : i32
      %dma_start3A_26 = arith.constant 0 : i32
      %dma_start3A_27 = tpu.memref_slice %arg9[%dma_start3A, %dma_start3A_26] : memref<512x16xf32, #tpu.memory_space<vmem>> -> memref<128x16xf32, #tpu.memory_space<vmem>>
      %dma_start3A_28 = arith.constant 0 : i32
      %dma_start3A_29 = tpu.memref_slice %arg7[%add3A_25, %dma_start3A_28] : memref<80x128xi32, #tpu.memory_space<vmem>> -> memref<1x128xi32, #tpu.memory_space<vmem>>
      %dma_start3A_30 = tpu.memref_squeeze %dma_start3A_29 : memref<1x128xi32, #tpu.memory_space<vmem>> -> memref<128xi32, #tpu.memory_space<vmem>>
      %dma_start3A_31 = arith.constant 0 : i32
      %dma_start3A_32 = arith.constant 0 : i32
      %dma_start3A_33 = tpu.memref_slice %arg2[%dma_start3A_31, %dma_start3A_32] : memref<10112x16xf32, #tpu.memory_space<hbm>> -> memref<10112x16xf32, #tpu.memory_space<hbm>>
      tpu.enqueue_indirect_dma source(%dma_start3A_33 : memref<10112x16xf32, #tpu.memory_space<hbm>>) target(%dma_start3A_27 : memref<128x16xf32, #tpu.memory_space<vmem>>) offsets(%dma_start3A_30 : memref<128xi32, #tpu.memory_space<vmem>>) semaphore(%arg12 : memref<!tpu.dma_semaphore, #tpu.memory_space<semaphore_mem>>)
      %mul3A_34 = arith.constant 4 : i32
      %mul3A_35 = arith.muli %mul3A_19, %mul3A_34 : i32
      %add3A_36 = arith.constant 1 : i32
      %add3A_37 = arith.addi %mul3A_35, %add3A_36 : i32
      %dma_start3A_38 = arith.constant 128 : i32
      %dma_start3A_39 = arith.constant 0 : i32
      %dma_start3A_40 = tpu.memref_slice %arg9[%dma_start3A_38, %dma_start3A_39] : memref<512x16xf32, #tpu.memory_space<vmem>> -> memref<128x16xf32, #tpu.memory_space<vmem>>
      %dma_start3A_41 = arith.constant 0 : i32
      %dma_start3A_42 = tpu.memref_slice %arg7[%add3A_37, %dma_start3A_41] : memref<80x128xi32, #tpu.memory_space<vmem>> -> memref<1x128xi32, #tpu.memory_space<vmem>>
      %dma_start3A_43 = tpu.memref_squeeze %dma_start3A_42 : memref<1x128xi32, #tpu.memory_space<vmem>> -> memref<128xi32, #tpu.memory_space<vmem>>
      %dma_start3A_44 = arith.constant 0 : i32
      %dma_start3A_45 = arith.constant 0 : i32
      %dma_start3A_46 = tpu.memref_slice %arg2[%dma_start3A_44, %dma_start3A_45] : memref<10112x16xf32, #tpu.memory_space<hbm>> -> memref<10112x16xf32, #tpu.memory_space<hbm>>
      tpu.enqueue_indirect_dma source(%dma_start3A_46 : memref<10112x16xf32, #tpu.memory_space<hbm>>) target(%dma_start3A_40 : memref<128x16xf32, #tpu.memory_space<vmem>>) offsets(%dma_start3A_43 : memref<128xi32, #tpu.memory_space<vmem>>) semaphore(%arg12 : memref<!tpu.dma_semaphore, #tpu.memory_space<semaphore_mem>>)
      %mul3A_47 = arith.constant 4 : i32
      %mul3A_48 = arith.muli %mul3A_19, %mul3A_47 : i32
      %add3A_49 = arith.constant 2 : i32
      %add3A_50 = arith.addi %mul3A_48, %add3A_49 : i32
      %dma_start3A_51 = arith.constant 256 : i32
      %dma_start3A_52 = arith.constant 0 : i32
      %dma_start3A_53 = tpu.memref_slice %arg9[%dma_start3A_51, %dma_start3A_52] : memref<512x16xf32, #tpu.memory_space<vmem>> -> memref<128x16xf32, #tpu.memory_space<vmem>>
      %dma_start3A_54 = arith.constant 0 : i32
      %dma_start3A_55 = tpu.memref_slice %arg7[%add3A_50, %dma_start3A_54] : memref<80x128xi32, #tpu.memory_space<vmem>> -> memref<1x128xi32, #tpu.memory_space<vmem>>
      %dma_start3A_56 = tpu.memref_squeeze %dma_start3A_55 : memref<1x128xi32, #tpu.memory_space<vmem>> -> memref<128xi32, #tpu.memory_space<vmem>>
      %dma_start3A_57 = arith.constant 0 : i32
      %dma_start3A_58 = arith.constant 0 : i32
      %dma_start3A_59 = tpu.memref_slice %arg2[%dma_start3A_57, %dma_start3A_58] : memref<10112x16xf32, #tpu.memory_space<hbm>> -> memref<10112x16xf32, #tpu.memory_space<hbm>>
      tpu.enqueue_indirect_dma source(%dma_start3A_59 : memref<10112x16xf32, #tpu.memory_space<hbm>>) target(%dma_start3A_53 : memref<128x16xf32, #tpu.memory_space<vmem>>) offsets(%dma_start3A_56 : memref<128xi32, #tpu.memory_space<vmem>>) semaphore(%arg12 : memref<!tpu.dma_semaphore, #tpu.memory_space<semaphore_mem>>)
      %mul3A_60 = arith.constant 4 : i32
      %mul3A_61 = arith.muli %mul3A_19, %mul3A_60 : i32
      %add3A_62 = arith.constant 3 : i32
      %add3A_63 = arith.addi %mul3A_61, %add3A_62 : i32
      %dma_start3A_64 = arith.constant 384 : i32
      %dma_start3A_65 = arith.constant 0 : i32
      %dma_start3A_66 = tpu.memref_slice %arg9[%dma_start3A_64, %dma_start3A_65] : memref<512x16xf32, #tpu.memory_space<vmem>> -> memref<128x16xf32, #tpu.memory_space<vmem>>
      %dma_start3A_67 = arith.constant 0 : i32
      %dma_start3A_68 = tpu.memref_slice %arg7[%add3A_63, %dma_start3A_67] : memref<80x128xi32, #tpu.memory_space<vmem>> -> memref<1x128xi32, #tpu.memory_space<vmem>>
      %dma_start3A_69 = tpu.memref_squeeze %dma_start3A_68 : memref<1x128xi32, #tpu.memory_space<vmem>> -> memref<128xi32, #tpu.memory_space<vmem>>
      %dma_start3A_70 = arith.constant 0 : i32
      %dma_start3A_71 = arith.constant 0 : i32
      %dma_start3A_72 = tpu.memref_slice %arg2[%dma_start3A_70, %dma_start3A_71] : memref<10112x16xf32, #tpu.memory_space<hbm>> -> memref<10112x16xf32, #tpu.memory_space<hbm>>
      tpu.enqueue_indirect_dma source(%dma_start3A_72 : memref<10112x16xf32, #tpu.memory_space<hbm>>) target(%dma_start3A_66 : memref<128x16xf32, #tpu.memory_space<vmem>>) offsets(%dma_start3A_69 : memref<128xi32, #tpu.memory_space<vmem>>) semaphore(%arg12 : memref<!tpu.dma_semaphore, #tpu.memory_space<semaphore_mem>>)
      %mul3A_73 = arith.constant 4 : i32
      %mul3A_74 = arith.muli %add3A_21, %mul3A_73 : i32
      %add3A_75 = arith.constant 0 : i32
      %add3A_76 = arith.addi %mul3A_74, %add3A_75 : i32
      %dma_start3A_77 = arith.constant 0 : i32
      %dma_start3A_78 = arith.constant 0 : i32
      %dma_start3A_79 = tpu.memref_slice %arg10[%dma_start3A_77, %dma_start3A_78] : memref<512x16xf32, #tpu.memory_space<vmem>> -> memref<128x16xf32, #tpu.memory_space<vmem>>
      %dma_start3A_80 = arith.constant 0 : i32
      %dma_start3A_81 = tpu.memref_slice %arg7[%add3A_76, %dma_start3A_80] : memref<80x128xi32, #tpu.memory_space<vmem>> -> memref<1x128xi32, #tpu.memory_space<vmem>>
      %dma_start3A_82 = tpu.memref_squeeze %dma_start3A_81 : memref<1x128xi32, #tpu.memory_space<vmem>> -> memref<128xi32, #tpu.memory_space<vmem>>
      %dma_start3A_83 = arith.constant 0 : i32
      %dma_start3A_84 = arith.constant 0 : i32
      %dma_start3A_85 = tpu.memref_slice %arg2[%dma_start3A_83, %dma_start3A_84] : memref<10112x16xf32, #tpu.memory_space<hbm>> -> memref<10112x16xf32, #tpu.memory_space<hbm>>
      tpu.enqueue_indirect_dma source(%dma_start3A_85 : memref<10112x16xf32, #tpu.memory_space<hbm>>) target(%dma_start3A_79 : memref<128x16xf32, #tpu.memory_space<vmem>>) offsets(%dma_start3A_82 : memref<128xi32, #tpu.memory_space<vmem>>) semaphore(%arg13 : memref<!tpu.dma_semaphore, #tpu.memory_space<semaphore_mem>>)
      %mul3A_86 = arith.constant 4 : i32
      %mul3A_87 = arith.muli %add3A_21, %mul3A_86 : i32
      %add3A_88 = arith.constant 1 : i32
      %add3A_89 = arith.addi %mul3A_87, %add3A_88 : i32
      %dma_start3A_90 = arith.constant 128 : i32
      %dma_start3A_91 = arith.constant 0 : i32
      %dma_start3A_92 = tpu.memref_slice %arg10[%dma_start3A_90, %dma_start3A_91] : memref<512x16xf32, #tpu.memory_space<vmem>> -> memref<128x16xf32, #tpu.memory_space<vmem>>
      %dma_start3A_93 = arith.constant 0 : i32
      %dma_start3A_94 = tpu.memref_slice %arg7[%add3A_89, %dma_start3A_93] : memref<80x128xi32, #tpu.memory_space<vmem>> -> memref<1x128xi32, #tpu.memory_space<vmem>>
      %dma_start3A_95 = tpu.memref_squeeze %dma_start3A_94 : memref<1x128xi32, #tpu.memory_space<vmem>> -> memref<128xi32, #tpu.memory_space<vmem>>
      %dma_start3A_96 = arith.constant 0 : i32
      %dma_start3A_97 = arith.constant 0 : i32
      %dma_start3A_98 = tpu.memref_slice %arg2[%dma_start3A_96, %dma_start3A_97] : memref<10112x16xf32, #tpu.memory_space<hbm>> -> memref<10112x16xf32, #tpu.memory_space<hbm>>
      tpu.enqueue_indirect_dma source(%dma_start3A_98 : memref<10112x16xf32, #tpu.memory_space<hbm>>) target(%dma_start3A_92 : memref<128x16xf32, #tpu.memory_space<vmem>>) offsets(%dma_start3A_95 : memref<128xi32, #tpu.memory_space<vmem>>) semaphore(%arg13 : memref<!tpu.dma_semaphore, #tpu.memory_space<semaphore_mem>>)
      %mul3A_99 = arith.constant 4 : i32
      %mul3A_100 = arith.muli %add3A_21, %mul3A_99 : i32
      %add3A_101 = arith.constant 2 : i32
      %add3A_102 = arith.addi %mul3A_100, %add3A_101 : i32
      %dma_start3A_103 = arith.constant 256 : i32
      %dma_start3A_104 = arith.constant 0 : i32
      %dma_start3A_105 = tpu.memref_slice %arg10[%dma_start3A_103, %dma_start3A_104] : memref<512x16xf32, #tpu.memory_space<vmem>> -> memref<128x16xf32, #tpu.memory_space<vmem>>
      %dma_start3A_106 = arith.constant 0 : i32
      %dma_start3A_107 = tpu.memref_slice %arg7[%add3A_102, %dma_start3A_106] : memref<80x128xi32, #tpu.memory_space<vmem>> -> memref<1x128xi32, #tpu.memory_space<vmem>>
      %dma_start3A_108 = tpu.memref_squeeze %dma_start3A_107 : memref<1x128xi32, #tpu.memory_space<vmem>> -> memref<128xi32, #tpu.memory_space<vmem>>
      %dma_start3A_109 = arith.constant 0 : i32
      %dma_start3A_110 = arith.constant 0 : i32
      %dma_start3A_111 = tpu.memref_slice %arg2[%dma_start3A_109, %dma_start3A_110] : memref<10112x16xf32, #tpu.memory_space<hbm>> -> memref<10112x16xf32, #tpu.memory_space<hbm>>
      tpu.enqueue_indirect_dma source(%dma_start3A_111 : memref<10112x16xf32, #tpu.memory_space<hbm>>) target(%dma_start3A_105 : memref<128x16xf32, #tpu.memory_space<vmem>>) offsets(%dma_start3A_108 : memref<128xi32, #tpu.memory_space<vmem>>) semaphore(%arg13 : memref<!tpu.dma_semaphore, #tpu.memory_space<semaphore_mem>>)
      %mul3A_112 = arith.constant 4 : i32
      %mul3A_113 = arith.muli %add3A_21, %mul3A_112 : i32
      %add3A_114 = arith.constant 3 : i32
      %add3A_115 = arith.addi %mul3A_113, %add3A_114 : i32
      %dma_start3A_116 = arith.constant 384 : i32
      %dma_start3A_117 = arith.constant 0 : i32
      %dma_start3A_118 = tpu.memref_slice %arg10[%dma_start3A_116, %dma_start3A_117] : memref<512x16xf32, #tpu.memory_space<vmem>> -> memref<128x16xf32, #tpu.memory_space<vmem>>
      %dma_start3A_119 = arith.constant 0 : i32
      %dma_start3A_120 = tpu.memref_slice %arg7[%add3A_115, %dma_start3A_119] : memref<80x128xi32, #tpu.memory_space<vmem>> -> memref<1x128xi32, #tpu.memory_space<vmem>>
      %dma_start3A_121 = tpu.memref_squeeze %dma_start3A_120 : memref<1x128xi32, #tpu.memory_space<vmem>> -> memref<128xi32, #tpu.memory_space<vmem>>
      %dma_start3A_122 = arith.constant 0 : i32
      %dma_start3A_123 = arith.constant 0 : i32
      %dma_start3A_124 = tpu.memref_slice %arg2[%dma_start3A_122, %dma_start3A_123] : memref<10112x16xf32, #tpu.memory_space<hbm>> -> memref<10112x16xf32, #tpu.memory_space<hbm>>
      tpu.enqueue_indirect_dma source(%dma_start3A_124 : memref<10112x16xf32, #tpu.memory_space<hbm>>) target(%dma_start3A_118 : memref<128x16xf32, #tpu.memory_space<vmem>>) offsets(%dma_start3A_121 : memref<128xi32, #tpu.memory_space<vmem>>) semaphore(%arg13 : memref<!tpu.dma_semaphore, #tpu.memory_space<semaphore_mem>>)
      %dma_wait3A = arith.constant 0 : i32
      %dma_wait3A_125 = arith.constant 0 : i32
      %dma_wait3A_126 = tpu.memref_slice %arg9[%dma_wait3A, %dma_wait3A_125] : memref<512x16xf32, #tpu.memory_space<vmem>> -> memref<128x16xf32, #tpu.memory_space<vmem>>
      %dma_wait3A_127 = arith.constant 0 : i32
      %dma_wait3A_128 = tpu.memref_slice %arg7[%add3A_25, %dma_wait3A_127] : memref<80x128xi32, #tpu.memory_space<vmem>> -> memref<1x128xi32, #tpu.memory_space<vmem>>
      %dma_wait3A_129 = tpu.memref_squeeze %dma_wait3A_128 : memref<1x128xi32, #tpu.memory_space<vmem>> -> memref<128xi32, #tpu.memory_space<vmem>>
      %dma_wait3A_130 = arith.constant 0 : i32
      %dma_wait3A_131 = arith.constant 0 : i32
      %dma_wait3A_132 = tpu.memref_slice %arg2[%dma_wait3A_130, %dma_wait3A_131] : memref<10112x16xf32, #tpu.memory_space<hbm>> -> memref<10112x16xf32, #tpu.memory_space<hbm>>
      tpu.wait_indirect_dma semaphore(%arg12 : memref<!tpu.dma_semaphore, #tpu.memory_space<semaphore_mem>>) src(%dma_wait3A_132 : memref<10112x16xf32, #tpu.memory_space<hbm>>) dst(%dma_wait3A_126 : memref<128x16xf32, #tpu.memory_space<vmem>>)
      %dma_wait3A_133 = arith.constant 128 : i32
      %dma_wait3A_134 = arith.constant 0 : i32
      %dma_wait3A_135 = tpu.memref_slice %arg9[%dma_wait3A_133, %dma_wait3A_134] : memref<512x16xf32, #tpu.memory_space<vmem>> -> memref<128x16xf32, #tpu.memory_space<vmem>>
      %dma_wait3A_136 = arith.constant 0 : i32
      %dma_wait3A_137 = tpu.memref_slice %arg7[%add3A_37, %dma_wait3A_136] : memref<80x128xi32, #tpu.memory_space<vmem>> -> memref<1x128xi32, #tpu.memory_space<vmem>>
      %dma_wait3A_138 = tpu.memref_squeeze %dma_wait3A_137 : memref<1x128xi32, #tpu.memory_space<vmem>> -> memref<128xi32, #tpu.memory_space<vmem>>
      %dma_wait3A_139 = arith.constant 0 : i32
      %dma_wait3A_140 = arith.constant 0 : i32
      %dma_wait3A_141 = tpu.memref_slice %arg2[%dma_wait3A_139, %dma_wait3A_140] : memref<10112x16xf32, #tpu.memory_space<hbm>> -> memref<10112x16xf32, #tpu.memory_space<hbm>>
      tpu.wait_indirect_dma semaphore(%arg12 : memref<!tpu.dma_semaphore, #tpu.memory_space<semaphore_mem>>) src(%dma_wait3A_141 : memref<10112x16xf32, #tpu.memory_space<hbm>>) dst(%dma_wait3A_135 : memref<128x16xf32, #tpu.memory_space<vmem>>)
      %dma_wait3A_142 = arith.constant 256 : i32
      %dma_wait3A_143 = arith.constant 0 : i32
      %dma_wait3A_144 = tpu.memref_slice %arg9[%dma_wait3A_142, %dma_wait3A_143] : memref<512x16xf32, #tpu.memory_space<vmem>> -> memref<128x16xf32, #tpu.memory_space<vmem>>
      %dma_wait3A_145 = arith.constant 0 : i32
      %dma_wait3A_146 = tpu.memref_slice %arg7[%add3A_50, %dma_wait3A_145] : memref<80x128xi32, #tpu.memory_space<vmem>> -> memref<1x128xi32, #tpu.memory_space<vmem>>
      %dma_wait3A_147 = tpu.memref_squeeze %dma_wait3A_146 : memref<1x128xi32, #tpu.memory_space<vmem>> -> memref<128xi32, #tpu.memory_space<vmem>>
      %dma_wait3A_148 = arith.constant 0 : i32
      %dma_wait3A_149 = arith.constant 0 : i32
      %dma_wait3A_150 = tpu.memref_slice %arg2[%dma_wait3A_148, %dma_wait3A_149] : memref<10112x16xf32, #tpu.memory_space<hbm>> -> memref<10112x16xf32, #tpu.memory_space<hbm>>
      tpu.wait_indirect_dma semaphore(%arg12 : memref<!tpu.dma_semaphore, #tpu.memory_space<semaphore_mem>>) src(%dma_wait3A_150 : memref<10112x16xf32, #tpu.memory_space<hbm>>) dst(%dma_wait3A_144 : memref<128x16xf32, #tpu.memory_space<vmem>>)
      %dma_wait3A_151 = arith.constant 384 : i32
      %dma_wait3A_152 = arith.constant 0 : i32
      %dma_wait3A_153 = tpu.memref_slice %arg9[%dma_wait3A_151, %dma_wait3A_152] : memref<512x16xf32, #tpu.memory_space<vmem>> -> memref<128x16xf32, #tpu.memory_space<vmem>>
      %dma_wait3A_154 = arith.constant 0 : i32
      %dma_wait3A_155 = tpu.memref_slice %arg7[%add3A_63, %dma_wait3A_154] : memref<80x128xi32, #tpu.memory_space<vmem>> -> memref<1x128xi32, #tpu.memory_space<vmem>>
      %dma_wait3A_156 = tpu.memref_squeeze %dma_wait3A_155 : memref<1x128xi32, #tpu.memory_space<vmem>> -> memref<128xi32, #tpu.memory_space<vmem>>
      %dma_wait3A_157 = arith.constant 0 : i32
      %dma_wait3A_158 = arith.constant 0 : i32
      %dma_wait3A_159 = tpu.memref_slice %arg2[%dma_wait3A_157, %dma_wait3A_158] : memref<10112x16xf32, #tpu.memory_space<hbm>> -> memref<10112x16xf32, #tpu.memory_space<hbm>>
      tpu.wait_indirect_dma semaphore(%arg12 : memref<!tpu.dma_semaphore, #tpu.memory_space<semaphore_mem>>) src(%dma_wait3A_159 : memref<10112x16xf32, #tpu.memory_space<hbm>>) dst(%dma_wait3A_153 : memref<128x16xf32, #tpu.memory_space<vmem>>)
      %mul3A_160 = arith.constant 4 : i32
      %mul3A_161 = arith.muli %mul3A_19, %mul3A_160 : i32
      %add3A_162 = arith.constant 0 : i32
      %add3A_163 = arith.addi %mul3A_161, %add3A_162 : i32
      %dma_start3A_164 = arith.constant 0 : i32
      %dma_start3A_165 = arith.constant 0 : i32
      %dma_start3A_166 = tpu.memref_slice %arg9[%dma_start3A_164, %dma_start3A_165] : memref<512x16xf32, #tpu.memory_space<vmem>> -> memref<128x16xf32, #tpu.memory_space<vmem>>
      %dma_start3A_167 = arith.constant 0 : i32
      %dma_start3A_168 = tpu.memref_slice %arg8[%add3A_163, %dma_start3A_167] : memref<80x128xi32, #tpu.memory_space<vmem>> -> memref<1x128xi32, #tpu.memory_space<vmem>>
      %dma_start3A_169 = tpu.memref_squeeze %dma_start3A_168 : memref<1x128xi32, #tpu.memory_space<vmem>> -> memref<128xi32, #tpu.memory_space<vmem>>
      %dma_start3A_170 = arith.constant 0 : i32
      %dma_start3A_171 = arith.constant 0 : i32
      %dma_start3A_172 = tpu.memref_slice %arg11[%dma_start3A_170, %dma_start3A_171] : memref<10112x16xf32, #tpu.memory_space<vmem_shared>> -> memref<10112x16xf32, #tpu.memory_space<vmem_shared>>
      tpu.enqueue_indirect_dma source(%dma_start3A_166 : memref<128x16xf32, #tpu.memory_space<vmem>>) target(%dma_start3A_172 : memref<10112x16xf32, #tpu.memory_space<vmem_shared>>) offsets(%dma_start3A_169 : memref<128xi32, #tpu.memory_space<vmem>>) semaphore(%arg14 : memref<!tpu.dma_semaphore, #tpu.memory_space<semaphore_mem>>) {add = true}
      %mul3A_173 = arith.constant 4 : i32
      %mul3A_174 = arith.muli %mul3A_19, %mul3A_173 : i32
      %add3A_175 = arith.constant 1 : i32
      %add3A_176 = arith.addi %mul3A_174, %add3A_175 : i32
      %dma_start3A_177 = arith.constant 128 : i32
      %dma_start3A_178 = arith.constant 0 : i32
      %dma_start3A_179 = tpu.memref_slice %arg9[%dma_start3A_177, %dma_start3A_178] : memref<512x16xf32, #tpu.memory_space<vmem>> -> memref<128x16xf32, #tpu.memory_space<vmem>>
      %dma_start3A_180 = arith.constant 0 : i32
      %dma_start3A_181 = tpu.memref_slice %arg8[%add3A_176, %dma_start3A_180] : memref<80x128xi32, #tpu.memory_space<vmem>> -> memref<1x128xi32, #tpu.memory_space<vmem>>
      %dma_start3A_182 = tpu.memref_squeeze %dma_start3A_181 : memref<1x128xi32, #tpu.memory_space<vmem>> -> memref<128xi32, #tpu.memory_space<vmem>>
      %dma_start3A_183 = arith.constant 0 : i32
      %dma_start3A_184 = arith.constant 0 : i32
      %dma_start3A_185 = tpu.memref_slice %arg11[%dma_start3A_183, %dma_start3A_184] : memref<10112x16xf32, #tpu.memory_space<vmem_shared>> -> memref<10112x16xf32, #tpu.memory_space<vmem_shared>>
      tpu.enqueue_indirect_dma source(%dma_start3A_179 : memref<128x16xf32, #tpu.memory_space<vmem>>) target(%dma_start3A_185 : memref<10112x16xf32, #tpu.memory_space<vmem_shared>>) offsets(%dma_start3A_182 : memref<128xi32, #tpu.memory_space<vmem>>) semaphore(%arg14 : memref<!tpu.dma_semaphore, #tpu.memory_space<semaphore_mem>>) {add = true}
      %mul3A_186 = arith.constant 4 : i32
      %mul3A_187 = arith.muli %mul3A_19, %mul3A_186 : i32
      %add3A_188 = arith.constant 2 : i32
      %add3A_189 = arith.addi %mul3A_187, %add3A_188 : i32
      %dma_start3A_190 = arith.constant 256 : i32
      %dma_start3A_191 = arith.constant 0 : i32
      %dma_start3A_192 = tpu.memref_slice %arg9[%dma_start3A_190, %dma_start3A_191] : memref<512x16xf32, #tpu.memory_space<vmem>> -> memref<128x16xf32, #tpu.memory_space<vmem>>
      %dma_start3A_193 = arith.constant 0 : i32
      %dma_start3A_194 = tpu.memref_slice %arg8[%add3A_189, %dma_start3A_193] : memref<80x128xi32, #tpu.memory_space<vmem>> -> memref<1x128xi32, #tpu.memory_space<vmem>>
      %dma_start3A_195 = tpu.memref_squeeze %dma_start3A_194 : memref<1x128xi32, #tpu.memory_space<vmem>> -> memref<128xi32, #tpu.memory_space<vmem>>
      %dma_start3A_196 = arith.constant 0 : i32
      %dma_start3A_197 = arith.constant 0 : i32
      %dma_start3A_198 = tpu.memref_slice %arg11[%dma_start3A_196, %dma_start3A_197] : memref<10112x16xf32, #tpu.memory_space<vmem_shared>> -> memref<10112x16xf32, #tpu.memory_space<vmem_shared>>
      tpu.enqueue_indirect_dma source(%dma_start3A_192 : memref<128x16xf32, #tpu.memory_space<vmem>>) target(%dma_start3A_198 : memref<10112x16xf32, #tpu.memory_space<vmem_shared>>) offsets(%dma_start3A_195 : memref<128xi32, #tpu.memory_space<vmem>>) semaphore(%arg14 : memref<!tpu.dma_semaphore, #tpu.memory_space<semaphore_mem>>) {add = true}
      %mul3A_199 = arith.constant 4 : i32
      %mul3A_200 = arith.muli %mul3A_19, %mul3A_199 : i32
      %add3A_201 = arith.constant 3 : i32
      %add3A_202 = arith.addi %mul3A_200, %add3A_201 : i32
      %dma_start3A_203 = arith.constant 384 : i32
      %dma_start3A_204 = arith.constant 0 : i32
      %dma_start3A_205 = tpu.memref_slice %arg9[%dma_start3A_203, %dma_start3A_204] : memref<512x16xf32, #tpu.memory_space<vmem>> -> memref<128x16xf32, #tpu.memory_space<vmem>>
      %dma_start3A_206 = arith.constant 0 : i32
      %dma_start3A_207 = tpu.memref_slice %arg8[%add3A_202, %dma_start3A_206] : memref<80x128xi32, #tpu.memory_space<vmem>> -> memref<1x128xi32, #tpu.memory_space<vmem>>
      %dma_start3A_208 = tpu.memref_squeeze %dma_start3A_207 : memref<1x128xi32, #tpu.memory_space<vmem>> -> memref<128xi32, #tpu.memory_space<vmem>>
      %dma_start3A_209 = arith.constant 0 : i32
      %dma_start3A_210 = arith.constant 0 : i32
      %dma_start3A_211 = tpu.memref_slice %arg11[%dma_start3A_209, %dma_start3A_210] : memref<10112x16xf32, #tpu.memory_space<vmem_shared>> -> memref<10112x16xf32, #tpu.memory_space<vmem_shared>>
      tpu.enqueue_indirect_dma source(%dma_start3A_205 : memref<128x16xf32, #tpu.memory_space<vmem>>) target(%dma_start3A_211 : memref<10112x16xf32, #tpu.memory_space<vmem_shared>>) offsets(%dma_start3A_208 : memref<128xi32, #tpu.memory_space<vmem>>) semaphore(%arg14 : memref<!tpu.dma_semaphore, #tpu.memory_space<semaphore_mem>>) {add = true}
      %dma_wait3A_212 = arith.constant 0 : i32
      %dma_wait3A_213 = arith.constant 0 : i32
      %dma_wait3A_214 = tpu.memref_slice %arg10[%dma_wait3A_212, %dma_wait3A_213] : memref<512x16xf32, #tpu.memory_space<vmem>> -> memref<128x16xf32, #tpu.memory_space<vmem>>
      %dma_wait3A_215 = arith.constant 0 : i32
      %dma_wait3A_216 = tpu.memref_slice %arg7[%add3A_76, %dma_wait3A_215] : memref<80x128xi32, #tpu.memory_space<vmem>> -> memref<1x128xi32, #tpu.memory_space<vmem>>
      %dma_wait3A_217 = tpu.memref_squeeze %dma_wait3A_216 : memref<1x128xi32, #tpu.memory_space<vmem>> -> memref<128xi32, #tpu.memory_space<vmem>>
      %dma_wait3A_218 = arith.constant 0 : i32
      %dma_wait3A_219 = arith.constant 0 : i32
      %dma_wait3A_220 = tpu.memref_slice %arg2[%dma_wait3A_218, %dma_wait3A_219] : memref<10112x16xf32, #tpu.memory_space<hbm>> -> memref<10112x16xf32, #tpu.memory_space<hbm>>
      tpu.wait_indirect_dma semaphore(%arg13 : memref<!tpu.dma_semaphore, #tpu.memory_space<semaphore_mem>>) src(%dma_wait3A_220 : memref<10112x16xf32, #tpu.memory_space<hbm>>) dst(%dma_wait3A_214 : memref<128x16xf32, #tpu.memory_space<vmem>>)
      %dma_wait3A_221 = arith.constant 128 : i32
      %dma_wait3A_222 = arith.constant 0 : i32
      %dma_wait3A_223 = tpu.memref_slice %arg10[%dma_wait3A_221, %dma_wait3A_222] : memref<512x16xf32, #tpu.memory_space<vmem>> -> memref<128x16xf32, #tpu.memory_space<vmem>>
      %dma_wait3A_224 = arith.constant 0 : i32
      %dma_wait3A_225 = tpu.memref_slice %arg7[%add3A_89, %dma_wait3A_224] : memref<80x128xi32, #tpu.memory_space<vmem>> -> memref<1x128xi32, #tpu.memory_space<vmem>>
      %dma_wait3A_226 = tpu.memref_squeeze %dma_wait3A_225 : memref<1x128xi32, #tpu.memory_space<vmem>> -> memref<128xi32, #tpu.memory_space<vmem>>
      %dma_wait3A_227 = arith.constant 0 : i32
      %dma_wait3A_228 = arith.constant 0 : i32
      %dma_wait3A_229 = tpu.memref_slice %arg2[%dma_wait3A_227, %dma_wait3A_228] : memref<10112x16xf32, #tpu.memory_space<hbm>> -> memref<10112x16xf32, #tpu.memory_space<hbm>>
      tpu.wait_indirect_dma semaphore(%arg13 : memref<!tpu.dma_semaphore, #tpu.memory_space<semaphore_mem>>) src(%dma_wait3A_229 : memref<10112x16xf32, #tpu.memory_space<hbm>>) dst(%dma_wait3A_223 : memref<128x16xf32, #tpu.memory_space<vmem>>)
      %dma_wait3A_230 = arith.constant 256 : i32
      %dma_wait3A_231 = arith.constant 0 : i32
      %dma_wait3A_232 = tpu.memref_slice %arg10[%dma_wait3A_230, %dma_wait3A_231] : memref<512x16xf32, #tpu.memory_space<vmem>> -> memref<128x16xf32, #tpu.memory_space<vmem>>
      %dma_wait3A_233 = arith.constant 0 : i32
      %dma_wait3A_234 = tpu.memref_slice %arg7[%add3A_102, %dma_wait3A_233] : memref<80x128xi32, #tpu.memory_space<vmem>> -> memref<1x128xi32, #tpu.memory_space<vmem>>
      %dma_wait3A_235 = tpu.memref_squeeze %dma_wait3A_234 : memref<1x128xi32, #tpu.memory_space<vmem>> -> memref<128xi32, #tpu.memory_space<vmem>>
      %dma_wait3A_236 = arith.constant 0 : i32
      %dma_wait3A_237 = arith.constant 0 : i32
      %dma_wait3A_238 = tpu.memref_slice %arg2[%dma_wait3A_236, %dma_wait3A_237] : memref<10112x16xf32, #tpu.memory_space<hbm>> -> memref<10112x16xf32, #tpu.memory_space<hbm>>
      tpu.wait_indirect_dma semaphore(%arg13 : memref<!tpu.dma_semaphore, #tpu.memory_space<semaphore_mem>>) src(%dma_wait3A_238 : memref<10112x16xf32, #tpu.memory_space<hbm>>) dst(%dma_wait3A_232 : memref<128x16xf32, #tpu.memory_space<vmem>>)
      %dma_wait3A_239 = arith.constant 384 : i32
      %dma_wait3A_240 = arith.constant 0 : i32
      %dma_wait3A_241 = tpu.memref_slice %arg10[%dma_wait3A_239, %dma_wait3A_240] : memref<512x16xf32, #tpu.memory_space<vmem>> -> memref<128x16xf32, #tpu.memory_space<vmem>>
      %dma_wait3A_242 = arith.constant 0 : i32
      %dma_wait3A_243 = tpu.memref_slice %arg7[%add3A_115, %dma_wait3A_242] : memref<80x128xi32, #tpu.memory_space<vmem>> -> memref<1x128xi32, #tpu.memory_space<vmem>>
      %dma_wait3A_244 = tpu.memref_squeeze %dma_wait3A_243 : memref<1x128xi32, #tpu.memory_space<vmem>> -> memref<128xi32, #tpu.memory_space<vmem>>
      %dma_wait3A_245 = arith.constant 0 : i32
      %dma_wait3A_246 = arith.constant 0 : i32
      %dma_wait3A_247 = tpu.memref_slice %arg2[%dma_wait3A_245, %dma_wait3A_246] : memref<10112x16xf32, #tpu.memory_space<hbm>> -> memref<10112x16xf32, #tpu.memory_space<hbm>>
      tpu.wait_indirect_dma semaphore(%arg13 : memref<!tpu.dma_semaphore, #tpu.memory_space<semaphore_mem>>) src(%dma_wait3A_247 : memref<10112x16xf32, #tpu.memory_space<hbm>>) dst(%dma_wait3A_241 : memref<128x16xf32, #tpu.memory_space<vmem>>)
      %mul3A_248 = arith.constant 4 : i32
      %mul3A_249 = arith.muli %add3A_21, %mul3A_248 : i32
      %add3A_250 = arith.constant 0 : i32
      %add3A_251 = arith.addi %mul3A_249, %add3A_250 : i32
      %dma_start3A_252 = arith.constant 0 : i32
      %dma_start3A_253 = arith.constant 0 : i32
      %dma_start3A_254 = tpu.memref_slice %arg10[%dma_start3A_252, %dma_start3A_253] : memref<512x16xf32, #tpu.memory_space<vmem>> -> memref<128x16xf32, #tpu.memory_space<vmem>>
      %dma_start3A_255 = arith.constant 0 : i32
      %dma_start3A_256 = tpu.memref_slice %arg8[%add3A_251, %dma_start3A_255] : memref<80x128xi32, #tpu.memory_space<vmem>> -> memref<1x128xi32, #tpu.memory_space<vmem>>
      %dma_start3A_257 = tpu.memref_squeeze %dma_start3A_256 : memref<1x128xi32, #tpu.memory_space<vmem>> -> memref<128xi32, #tpu.memory_space<vmem>>
      %dma_start3A_258 = arith.constant 0 : i32
      %dma_start3A_259 = arith.constant 0 : i32
      %dma_start3A_260 = tpu.memref_slice %arg11[%dma_start3A_258, %dma_start3A_259] : memref<10112x16xf32, #tpu.memory_space<vmem_shared>> -> memref<10112x16xf32, #tpu.memory_space<vmem_shared>>
      tpu.enqueue_indirect_dma source(%dma_start3A_254 : memref<128x16xf32, #tpu.memory_space<vmem>>) target(%dma_start3A_260 : memref<10112x16xf32, #tpu.memory_space<vmem_shared>>) offsets(%dma_start3A_257 : memref<128xi32, #tpu.memory_space<vmem>>) semaphore(%arg15 : memref<!tpu.dma_semaphore, #tpu.memory_space<semaphore_mem>>) {add = true}
      %mul3A_261 = arith.constant 4 : i32
      %mul3A_262 = arith.muli %add3A_21, %mul3A_261 : i32
      %add3A_263 = arith.constant 1 : i32
      %add3A_264 = arith.addi %mul3A_262, %add3A_263 : i32
      %dma_start3A_265 = arith.constant 128 : i32
      %dma_start3A_266 = arith.constant 0 : i32
      %dma_start3A_267 = tpu.memref_slice %arg10[%dma_start3A_265, %dma_start3A_266] : memref<512x16xf32, #tpu.memory_space<vmem>> -> memref<128x16xf32, #tpu.memory_space<vmem>>
      %dma_start3A_268 = arith.constant 0 : i32
      %dma_start3A_269 = tpu.memref_slice %arg8[%add3A_264, %dma_start3A_268] : memref<80x128xi32, #tpu.memory_space<vmem>> -> memref<1x128xi32, #tpu.memory_space<vmem>>
      %dma_start3A_270 = tpu.memref_squeeze %dma_start3A_269 : memref<1x128xi32, #tpu.memory_space<vmem>> -> memref<128xi32, #tpu.memory_space<vmem>>
      %dma_start3A_271 = arith.constant 0 : i32
      %dma_start3A_272 = arith.constant 0 : i32
      %dma_start3A_273 = tpu.memref_slice %arg11[%dma_start3A_271, %dma_start3A_272] : memref<10112x16xf32, #tpu.memory_space<vmem_shared>> -> memref<10112x16xf32, #tpu.memory_space<vmem_shared>>
      tpu.enqueue_indirect_dma source(%dma_start3A_267 : memref<128x16xf32, #tpu.memory_space<vmem>>) target(%dma_start3A_273 : memref<10112x16xf32, #tpu.memory_space<vmem_shared>>) offsets(%dma_start3A_270 : memref<128xi32, #tpu.memory_space<vmem>>) semaphore(%arg15 : memref<!tpu.dma_semaphore, #tpu.memory_space<semaphore_mem>>) {add = true}
      %mul3A_274 = arith.constant 4 : i32
      %mul3A_275 = arith.muli %add3A_21, %mul3A_274 : i32
      %add3A_276 = arith.constant 2 : i32
      %add3A_277 = arith.addi %mul3A_275, %add3A_276 : i32
      %dma_start3A_278 = arith.constant 256 : i32
      %dma_start3A_279 = arith.constant 0 : i32
      %dma_start3A_280 = tpu.memref_slice %arg10[%dma_start3A_278, %dma_start3A_279] : memref<512x16xf32, #tpu.memory_space<vmem>> -> memref<128x16xf32, #tpu.memory_space<vmem>>
      %dma_start3A_281 = arith.constant 0 : i32
      %dma_start3A_282 = tpu.memref_slice %arg8[%add3A_277, %dma_start3A_281] : memref<80x128xi32, #tpu.memory_space<vmem>> -> memref<1x128xi32, #tpu.memory_space<vmem>>
      %dma_start3A_283 = tpu.memref_squeeze %dma_start3A_282 : memref<1x128xi32, #tpu.memory_space<vmem>> -> memref<128xi32, #tpu.memory_space<vmem>>
      %dma_start3A_284 = arith.constant 0 : i32
      %dma_start3A_285 = arith.constant 0 : i32
      %dma_start3A_286 = tpu.memref_slice %arg11[%dma_start3A_284, %dma_start3A_285] : memref<10112x16xf32, #tpu.memory_space<vmem_shared>> -> memref<10112x16xf32, #tpu.memory_space<vmem_shared>>
      tpu.enqueue_indirect_dma source(%dma_start3A_280 : memref<128x16xf32, #tpu.memory_space<vmem>>) target(%dma_start3A_286 : memref<10112x16xf32, #tpu.memory_space<vmem_shared>>) offsets(%dma_start3A_283 : memref<128xi32, #tpu.memory_space<vmem>>) semaphore(%arg15 : memref<!tpu.dma_semaphore, #tpu.memory_space<semaphore_mem>>) {add = true}
      %mul3A_287 = arith.constant 4 : i32
      %mul3A_288 = arith.muli %add3A_21, %mul3A_287 : i32
      %add3A_289 = arith.constant 3 : i32
      %add3A_290 = arith.addi %mul3A_288, %add3A_289 : i32
      %dma_start3A_291 = arith.constant 384 : i32
      %dma_start3A_292 = arith.constant 0 : i32
      %dma_start3A_293 = tpu.memref_slice %arg10[%dma_start3A_291, %dma_start3A_292] : memref<512x16xf32, #tpu.memory_space<vmem>> -> memref<128x16xf32, #tpu.memory_space<vmem>>
      %dma_start3A_294 = arith.constant 0 : i32
      %dma_start3A_295 = tpu.memref_slice %arg8[%add3A_290, %dma_start3A_294] : memref<80x128xi32, #tpu.memory_space<vmem>> -> memref<1x128xi32, #tpu.memory_space<vmem>>
      %dma_start3A_296 = tpu.memref_squeeze %dma_start3A_295 : memref<1x128xi32, #tpu.memory_space<vmem>> -> memref<128xi32, #tpu.memory_space<vmem>>
      %dma_start3A_297 = arith.constant 0 : i32
      %dma_start3A_298 = arith.constant 0 : i32
      %dma_start3A_299 = tpu.memref_slice %arg11[%dma_start3A_297, %dma_start3A_298] : memref<10112x16xf32, #tpu.memory_space<vmem_shared>> -> memref<10112x16xf32, #tpu.memory_space<vmem_shared>>
      tpu.enqueue_indirect_dma source(%dma_start3A_293 : memref<128x16xf32, #tpu.memory_space<vmem>>) target(%dma_start3A_299 : memref<10112x16xf32, #tpu.memory_space<vmem_shared>>) offsets(%dma_start3A_296 : memref<128xi32, #tpu.memory_space<vmem>>) semaphore(%arg15 : memref<!tpu.dma_semaphore, #tpu.memory_space<semaphore_mem>>) {add = true}
      %dma_wait3A_300 = arith.constant 0 : i32
      %dma_wait3A_301 = arith.constant 0 : i32
      %dma_wait3A_302 = tpu.memref_slice %arg9[%dma_wait3A_300, %dma_wait3A_301] : memref<512x16xf32, #tpu.memory_space<vmem>> -> memref<128x16xf32, #tpu.memory_space<vmem>>
      %dma_wait3A_303 = arith.constant 0 : i32
      %dma_wait3A_304 = tpu.memref_slice %arg8[%add3A_163, %dma_wait3A_303] : memref<80x128xi32, #tpu.memory_space<vmem>> -> memref<1x128xi32, #tpu.memory_space<vmem>>
      %dma_wait3A_305 = tpu.memref_squeeze %dma_wait3A_304 : memref<1x128xi32, #tpu.memory_space<vmem>> -> memref<128xi32, #tpu.memory_space<vmem>>
      %dma_wait3A_306 = arith.constant 0 : i32
      %dma_wait3A_307 = arith.constant 0 : i32
      %dma_wait3A_308 = tpu.memref_slice %arg11[%dma_wait3A_306, %dma_wait3A_307] : memref<10112x16xf32, #tpu.memory_space<vmem_shared>> -> memref<10112x16xf32, #tpu.memory_space<vmem_shared>>
      tpu.wait_indirect_dma semaphore(%arg14 : memref<!tpu.dma_semaphore, #tpu.memory_space<semaphore_mem>>) src(%dma_wait3A_302 : memref<128x16xf32, #tpu.memory_space<vmem>>) dst(%dma_wait3A_308 : memref<10112x16xf32, #tpu.memory_space<vmem_shared>>)
      %dma_wait3A_309 = arith.constant 128 : i32
      %dma_wait3A_310 = arith.constant 0 : i32
      %dma_wait3A_311 = tpu.memref_slice %arg9[%dma_wait3A_309, %dma_wait3A_310] : memref<512x16xf32, #tpu.memory_space<vmem>> -> memref<128x16xf32, #tpu.memory_space<vmem>>
      %dma_wait3A_312 = arith.constant 0 : i32
      %dma_wait3A_313 = tpu.memref_slice %arg8[%add3A_176, %dma_wait3A_312] : memref<80x128xi32, #tpu.memory_space<vmem>> -> memref<1x128xi32, #tpu.memory_space<vmem>>
      %dma_wait3A_314 = tpu.memref_squeeze %dma_wait3A_313 : memref<1x128xi32, #tpu.memory_space<vmem>> -> memref<128xi32, #tpu.memory_space<vmem>>
      %dma_wait3A_315 = arith.constant 0 : i32
      %dma_wait3A_316 = arith.constant 0 : i32
      %dma_wait3A_317 = tpu.memref_slice %arg11[%dma_wait3A_315, %dma_wait3A_316] : memref<10112x16xf32, #tpu.memory_space<vmem_shared>> -> memref<10112x16xf32, #tpu.memory_space<vmem_shared>>
      tpu.wait_indirect_dma semaphore(%arg14 : memref<!tpu.dma_semaphore, #tpu.memory_space<semaphore_mem>>) src(%dma_wait3A_311 : memref<128x16xf32, #tpu.memory_space<vmem>>) dst(%dma_wait3A_317 : memref<10112x16xf32, #tpu.memory_space<vmem_shared>>)
      %dma_wait3A_318 = arith.constant 256 : i32
      %dma_wait3A_319 = arith.constant 0 : i32
      %dma_wait3A_320 = tpu.memref_slice %arg9[%dma_wait3A_318, %dma_wait3A_319] : memref<512x16xf32, #tpu.memory_space<vmem>> -> memref<128x16xf32, #tpu.memory_space<vmem>>
      %dma_wait3A_321 = arith.constant 0 : i32
      %dma_wait3A_322 = tpu.memref_slice %arg8[%add3A_189, %dma_wait3A_321] : memref<80x128xi32, #tpu.memory_space<vmem>> -> memref<1x128xi32, #tpu.memory_space<vmem>>
      %dma_wait3A_323 = tpu.memref_squeeze %dma_wait3A_322 : memref<1x128xi32, #tpu.memory_space<vmem>> -> memref<128xi32, #tpu.memory_space<vmem>>
      %dma_wait3A_324 = arith.constant 0 : i32
      %dma_wait3A_325 = arith.constant 0 : i32
      %dma_wait3A_326 = tpu.memref_slice %arg11[%dma_wait3A_324, %dma_wait3A_325] : memref<10112x16xf32, #tpu.memory_space<vmem_shared>> -> memref<10112x16xf32, #tpu.memory_space<vmem_shared>>
      tpu.wait_indirect_dma semaphore(%arg14 : memref<!tpu.dma_semaphore, #tpu.memory_space<semaphore_mem>>) src(%dma_wait3A_320 : memref<128x16xf32, #tpu.memory_space<vmem>>) dst(%dma_wait3A_326 : memref<10112x16xf32, #tpu.memory_space<vmem_shared>>)
      %dma_wait3A_327 = arith.constant 384 : i32
      %dma_wait3A_328 = arith.constant 0 : i32
      %dma_wait3A_329 = tpu.memref_slice %arg9[%dma_wait3A_327, %dma_wait3A_328] : memref<512x16xf32, #tpu.memory_space<vmem>> -> memref<128x16xf32, #tpu.memory_space<vmem>>
      %dma_wait3A_330 = arith.constant 0 : i32
      %dma_wait3A_331 = tpu.memref_slice %arg8[%add3A_202, %dma_wait3A_330] : memref<80x128xi32, #tpu.memory_space<vmem>> -> memref<1x128xi32, #tpu.memory_space<vmem>>
      %dma_wait3A_332 = tpu.memref_squeeze %dma_wait3A_331 : memref<1x128xi32, #tpu.memory_space<vmem>> -> memref<128xi32, #tpu.memory_space<vmem>>
      %dma_wait3A_333 = arith.constant 0 : i32
      %dma_wait3A_334 = arith.constant 0 : i32
      %dma_wait3A_335 = tpu.memref_slice %arg11[%dma_wait3A_333, %dma_wait3A_334] : memref<10112x16xf32, #tpu.memory_space<vmem_shared>> -> memref<10112x16xf32, #tpu.memory_space<vmem_shared>>
      tpu.wait_indirect_dma semaphore(%arg14 : memref<!tpu.dma_semaphore, #tpu.memory_space<semaphore_mem>>) src(%dma_wait3A_329 : memref<128x16xf32, #tpu.memory_space<vmem>>) dst(%dma_wait3A_335 : memref<10112x16xf32, #tpu.memory_space<vmem_shared>>)
      %dma_wait3A_336 = arith.constant 0 : i32
      %dma_wait3A_337 = arith.constant 0 : i32
      %dma_wait3A_338 = tpu.memref_slice %arg10[%dma_wait3A_336, %dma_wait3A_337] : memref<512x16xf32, #tpu.memory_space<vmem>> -> memref<128x16xf32, #tpu.memory_space<vmem>>
      %dma_wait3A_339 = arith.constant 0 : i32
      %dma_wait3A_340 = tpu.memref_slice %arg8[%add3A_251, %dma_wait3A_339] : memref<80x128xi32, #tpu.memory_space<vmem>> -> memref<1x128xi32, #tpu.memory_space<vmem>>
      %dma_wait3A_341 = tpu.memref_squeeze %dma_wait3A_340 : memref<1x128xi32, #tpu.memory_space<vmem>> -> memref<128xi32, #tpu.memory_space<vmem>>
      %dma_wait3A_342 = arith.constant 0 : i32
      %dma_wait3A_343 = arith.constant 0 : i32
      %dma_wait3A_344 = tpu.memref_slice %arg11[%dma_wait3A_342, %dma_wait3A_343] : memref<10112x16xf32, #tpu.memory_space<vmem_shared>> -> memref<10112x16xf32, #tpu.memory_space<vmem_shared>>
      tpu.wait_indirect_dma semaphore(%arg15 : memref<!tpu.dma_semaphore, #tpu.memory_space<semaphore_mem>>) src(%dma_wait3A_338 : memref<128x16xf32, #tpu.memory_space<vmem>>) dst(%dma_wait3A_344 : memref<10112x16xf32, #tpu.memory_space<vmem_shared>>)
      %dma_wait3A_345 = arith.constant 128 : i32
      %dma_wait3A_346 = arith.constant 0 : i32
      %dma_wait3A_347 = tpu.memref_slice %arg10[%dma_wait3A_345, %dma_wait3A_346] : memref<512x16xf32, #tpu.memory_space<vmem>> -> memref<128x16xf32, #tpu.memory_space<vmem>>
      %dma_wait3A_348 = arith.constant 0 : i32
      %dma_wait3A_349 = tpu.memref_slice %arg8[%add3A_264, %dma_wait3A_348] : memref<80x128xi32, #tpu.memory_space<vmem>> -> memref<1x128xi32, #tpu.memory_space<vmem>>
      %dma_wait3A_350 = tpu.memref_squeeze %dma_wait3A_349 : memref<1x128xi32, #tpu.memory_space<vmem>> -> memref<128xi32, #tpu.memory_space<vmem>>
      %dma_wait3A_351 = arith.constant 0 : i32
      %dma_wait3A_352 = arith.constant 0 : i32
      %dma_wait3A_353 = tpu.memref_slice %arg11[%dma_wait3A_351, %dma_wait3A_352] : memref<10112x16xf32, #tpu.memory_space<vmem_shared>> -> memref<10112x16xf32, #tpu.memory_space<vmem_shared>>
      tpu.wait_indirect_dma semaphore(%arg15 : memref<!tpu.dma_semaphore, #tpu.memory_space<semaphore_mem>>) src(%dma_wait3A_347 : memref<128x16xf32, #tpu.memory_space<vmem>>) dst(%dma_wait3A_353 : memref<10112x16xf32, #tpu.memory_space<vmem_shared>>)
      %dma_wait3A_354 = arith.constant 256 : i32
      %dma_wait3A_355 = arith.constant 0 : i32
      %dma_wait3A_356 = tpu.memref_slice %arg10[%dma_wait3A_354, %dma_wait3A_355] : memref<512x16xf32, #tpu.memory_space<vmem>> -> memref<128x16xf32, #tpu.memory_space<vmem>>
      %dma_wait3A_357 = arith.constant 0 : i32
      %dma_wait3A_358 = tpu.memref_slice %arg8[%add3A_277, %dma_wait3A_357] : memref<80x128xi32, #tpu.memory_space<vmem>> -> memref<1x128xi32, #tpu.memory_space<vmem>>
      %dma_wait3A_359 = tpu.memref_squeeze %dma_wait3A_358 : memref<1x128xi32, #tpu.memory_space<vmem>> -> memref<128xi32, #tpu.memory_space<vmem>>
      %dma_wait3A_360 = arith.constant 0 : i32
      %dma_wait3A_361 = arith.constant 0 : i32
      %dma_wait3A_362 = tpu.memref_slice %arg11[%dma_wait3A_360, %dma_wait3A_361] : memref<10112x16xf32, #tpu.memory_space<vmem_shared>> -> memref<10112x16xf32, #tpu.memory_space<vmem_shared>>
      tpu.wait_indirect_dma semaphore(%arg15 : memref<!tpu.dma_semaphore, #tpu.memory_space<semaphore_mem>>) src(%dma_wait3A_356 : memref<128x16xf32, #tpu.memory_space<vmem>>) dst(%dma_wait3A_362 : memref<10112x16xf32, #tpu.memory_space<vmem_shared>>)
      %dma_wait3A_363 = arith.constant 384 : i32
      %dma_wait3A_364 = arith.constant 0 : i32
      %dma_wait3A_365 = tpu.memref_slice %arg10[%dma_wait3A_363, %dma_wait3A_364] : memref<512x16xf32, #tpu.memory_space<vmem>> -> memref<128x16xf32, #tpu.memory_space<vmem>>
      %dma_wait3A_366 = arith.constant 0 : i32
      %dma_wait3A_367 = tpu.memref_slice %arg8[%add3A_290, %dma_wait3A_366] : memref<80x128xi32, #tpu.memory_space<vmem>> -> memref<1x128xi32, #tpu.memory_space<vmem>>
      %dma_wait3A_368 = tpu.memref_squeeze %dma_wait3A_367 : memref<1x128xi32, #tpu.memory_space<vmem>> -> memref<128xi32, #tpu.memory_space<vmem>>
      %dma_wait3A_369 = arith.constant 0 : i32
      %dma_wait3A_370 = arith.constant 0 : i32
      %dma_wait3A_371 = tpu.memref_slice %arg11[%dma_wait3A_369, %dma_wait3A_370] : memref<10112x16xf32, #tpu.memory_space<vmem_shared>> -> memref<10112x16xf32, #tpu.memory_space<vmem_shared>>
      tpu.wait_indirect_dma semaphore(%arg15 : memref<!tpu.dma_semaphore, #tpu.memory_space<semaphore_mem>>) src(%dma_wait3A_365 : memref<128x16xf32, #tpu.memory_space<vmem>>) dst(%dma_wait3A_371 : memref<10112x16xf32, #tpu.memory_space<vmem_shared>>)
    }
    %scan3A_11 = arith.constant 10 : i32
    %barrier3A_12 = arith.constant 0 : index
    tpu.barrier barrier_id(%barrier3A_12)
    %mul3A_13 = arith.constant 632 : i32
    %mul3A_14 = arith.muli %arg1, %mul3A_13 : i32
    %mul3A_15 = arith.constant 632 : i32
    %mul3A_16 = arith.muli %arg1, %mul3A_15 : i32
    "tpu.region"() ({
      %run_scoped3A = tpu.sem_alloc : memref<!tpu.dma_semaphore, #tpu.memory_space<semaphore_mem>>
      %dma_start3A = arith.constant 0 : i32
      %dma_start3A_17 = tpu.memref_slice %arg6[%arg0, %mul3A_16, %dma_start3A] : memref<2x10112x16xf32, #tpu.memory_space<hbm>> -> memref<1x632x16xf32, #tpu.memory_space<hbm>>
      %dma_start3A_18 = tpu.memref_squeeze %dma_start3A_17 : memref<1x632x16xf32, #tpu.memory_space<hbm>> -> memref<632x16xf32, #tpu.memory_space<hbm>>
      %dma_start3A_19 = arith.constant 0 : i32
      %dma_start3A_20 = tpu.memref_slice %arg11[%mul3A_14, %dma_start3A_19] : memref<10112x16xf32, #tpu.memory_space<vmem_shared>> -> memref<632x16xf32, #tpu.memory_space<vmem_shared>>
      tpu.enqueue_dma source(%dma_start3A_20 : memref<632x16xf32, #tpu.memory_space<vmem_shared>>) target(%dma_start3A_18 : memref<632x16xf32, #tpu.memory_space<hbm>>) target_semaphore(%run_scoped3A : memref<!tpu.dma_semaphore, #tpu.memory_space<semaphore_mem>>)
      %dma_wait3A = arith.constant 0 : i32
      %dma_wait3A_21 = tpu.memref_slice %arg6[%arg0, %mul3A_16, %dma_wait3A] : memref<2x10112x16xf32, #tpu.memory_space<hbm>> -> memref<1x632x16xf32, #tpu.memory_space<hbm>>
      %dma_wait3A_22 = tpu.memref_squeeze %dma_wait3A_21 : memref<1x632x16xf32, #tpu.memory_space<hbm>> -> memref<632x16xf32, #tpu.memory_space<hbm>>
      %dma_wait3A_23 = arith.constant 0 : i32
      %dma_wait3A_24 = tpu.memref_slice %arg11[%mul3A_14, %dma_wait3A_23] : memref<10112x16xf32, #tpu.memory_space<vmem_shared>> -> memref<632x16xf32, #tpu.memory_space<vmem_shared>>
      tpu.wait_dma2 semaphore(%run_scoped3A : memref<!tpu.dma_semaphore, #tpu.memory_space<semaphore_mem>>) src(%dma_wait3A_24 : memref<632x16xf32, #tpu.memory_space<vmem_shared>>) dst(%dma_wait3A_22 : memref<632x16xf32, #tpu.memory_space<hbm>>)
      tpu.yield
    }) : () -> ()
    return
  }
}

#map = affine_map<(d0, d1) -> (0, 0)>
#map1 = affine_map<(d0, d1) -> (0, 0, 0)>
module attributes {stable_mosaic.version = 14 : i64} {
  func.func @_deg_body(%arg0: i32, %arg1: i32, %arg2: memref<2560x128xi32, #tpu.memory_space<hbm>>, %arg3: memref<128x16xf32, #tpu.memory_space<hbm>>, %arg4: memref<632x16xf32, #tpu.memory_space<hbm>>, %arg5: memref<2x10112x16xf32, #tpu.memory_space<hbm>>, %arg6: memref<80x128xi32, #tpu.memory_space<vmem>>, %arg7: memref<128x16xf32, #tpu.memory_space<vmem>>, %arg8: memref<10112x16xf32, #tpu.memory_space<vmem_shared>>, %arg9: memref<!tpu.dma_semaphore, #tpu.memory_space<semaphore_mem>>) attributes {dimension_semantics = [#tpu.dimension_semantics<core_parallel>, #tpu.dimension_semantics<subcore_parallel>], iteration_bounds = array<i64: 2, 16>, scalar_prefetch = 0 : i64, scratch_operands = 4 : i64, tpu.core_type = #tpu.core_type<sc_vector_subcore>, window_params = [{transform_indices = #map}, {transform_indices = #map}, {transform_indices = #map}, {transform_indices = #map1}]} {
    %mul3A = arith.constant 2 : i32
    %mul3A_0 = arith.muli %arg1, %mul3A : i32
    %add3A = arith.addi %mul3A_0, %arg0 : i32
    %mul3A_1 = arith.constant 632 : i32
    %mul3A_2 = arith.muli %arg1, %mul3A_1 : i32
    "tpu.region"() ({
      %run_scoped3A = tpu.sem_alloc : memref<!tpu.dma_semaphore, #tpu.memory_space<semaphore_mem>>
      %dma_start3A = arith.constant 0 : i32
      %dma_start3A_15 = tpu.memref_slice %arg8[%mul3A_2, %dma_start3A] : memref<10112x16xf32, #tpu.memory_space<vmem_shared>> -> memref<632x16xf32, #tpu.memory_space<vmem_shared>>
      tpu.enqueue_dma source(%arg4 : memref<632x16xf32, #tpu.memory_space<hbm>>) target(%dma_start3A_15 : memref<632x16xf32, #tpu.memory_space<vmem_shared>>) target_semaphore(%run_scoped3A : memref<!tpu.dma_semaphore, #tpu.memory_space<semaphore_mem>>)
      %dma_wait3A = arith.constant 0 : i32
      %dma_wait3A_16 = tpu.memref_slice %arg8[%mul3A_2, %dma_wait3A] : memref<10112x16xf32, #tpu.memory_space<vmem_shared>> -> memref<632x16xf32, #tpu.memory_space<vmem_shared>>
      tpu.wait_dma2 semaphore(%run_scoped3A : memref<!tpu.dma_semaphore, #tpu.memory_space<semaphore_mem>>) src(%arg4 : memref<632x16xf32, #tpu.memory_space<hbm>>) dst(%dma_wait3A_16 : memref<632x16xf32, #tpu.memory_space<vmem_shared>>)
      tpu.yield
    }) : () -> ()
    "tpu.region"() ({
      %run_scoped3A = tpu.sem_alloc : memref<!tpu.dma_semaphore, #tpu.memory_space<semaphore_mem>>
      tpu.enqueue_dma source(%arg3 : memref<128x16xf32, #tpu.memory_space<hbm>>) target(%arg7 : memref<128x16xf32, #tpu.memory_space<vmem>>) target_semaphore(%run_scoped3A : memref<!tpu.dma_semaphore, #tpu.memory_space<semaphore_mem>>)
      tpu.wait_dma2 semaphore(%run_scoped3A : memref<!tpu.dma_semaphore, #tpu.memory_space<semaphore_mem>>) src(%arg3 : memref<128x16xf32, #tpu.memory_space<hbm>>) dst(%arg7 : memref<128x16xf32, #tpu.memory_space<vmem>>)
      tpu.yield
    }) : () -> ()
    %mul3A_3 = arith.constant 80 : i32
    %mul3A_4 = arith.muli %add3A, %mul3A_3 : i32
    "tpu.region"() ({
      %run_scoped3A = tpu.sem_alloc : memref<!tpu.dma_semaphore, #tpu.memory_space<semaphore_mem>>
      %dma_start3A = arith.constant 0 : i32
      %dma_start3A_15 = tpu.memref_slice %arg2[%mul3A_4, %dma_start3A] : memref<2560x128xi32, #tpu.memory_space<hbm>> -> memref<80x128xi32, #tpu.memory_space<hbm>>
      %dma_start3A_16 = arith.constant 0 : i32
      %dma_start3A_17 = tpu.memref_slice %arg2[%mul3A_4, %dma_start3A_16] : memref<2560x128xi32, #tpu.memory_space<hbm>> -> memref<80x128xi32, #tpu.memory_space<hbm>>
      tpu.enqueue_dma source(%dma_start3A_17 : memref<80x128xi32, #tpu.memory_space<hbm>>) target(%arg6 : memref<80x128xi32, #tpu.memory_space<vmem>>) target_semaphore(%run_scoped3A : memref<!tpu.dma_semaphore, #tpu.memory_space<semaphore_mem>>)
      %dma_wait3A = arith.constant 0 : i32
      %dma_wait3A_18 = tpu.memref_slice %arg2[%mul3A_4, %dma_wait3A] : memref<2560x128xi32, #tpu.memory_space<hbm>> -> memref<80x128xi32, #tpu.memory_space<hbm>>
      %dma_wait3A_19 = arith.constant 0 : i32
      %dma_wait3A_20 = tpu.memref_slice %arg2[%mul3A_4, %dma_wait3A_19] : memref<2560x128xi32, #tpu.memory_space<hbm>> -> memref<80x128xi32, #tpu.memory_space<hbm>>
      tpu.wait_dma2 semaphore(%run_scoped3A : memref<!tpu.dma_semaphore, #tpu.memory_space<semaphore_mem>>) src(%dma_wait3A_20 : memref<80x128xi32, #tpu.memory_space<hbm>>) dst(%arg6 : memref<80x128xi32, #tpu.memory_space<vmem>>)
      tpu.yield
    }) : () -> ()
    %barrier3A = arith.constant 0 : index
    tpu.barrier barrier_id(%barrier3A)
    %scan3A = arith.constant 0 : i32
    %scan3A_5 = arith.constant 0 : i32
    %scan3A_6 = arith.constant 10 : i32
    %scan3A_7 = arith.addi %scan3A_5, %scan3A_6 : i32
    %scan3A_8 = arith.constant 1 : i32
    scf.for %scan3A_15 = %scan3A_5 to %scan3A_7 step %scan3A_8  : i32 {
      %mul3A_16 = arith.constant 8 : i32
      %mul3A_17 = arith.muli %scan3A_15, %mul3A_16 : i32
      %add3A_18 = arith.constant 0 : i32
      %add3A_19 = arith.addi %mul3A_17, %add3A_18 : i32
      %dma_start3A = arith.constant 0 : i32
      %dma_start3A_20 = tpu.memref_slice %arg6[%add3A_19, %dma_start3A] : memref<80x128xi32, #tpu.memory_space<vmem>> -> memref<1x128xi32, #tpu.memory_space<vmem>>
      %dma_start3A_21 = tpu.memref_squeeze %dma_start3A_20 : memref<1x128xi32, #tpu.memory_space<vmem>> -> memref<128xi32, #tpu.memory_space<vmem>>
      %dma_start3A_22 = arith.constant 0 : i32
      %dma_start3A_23 = arith.constant 0 : i32
      %dma_start3A_24 = tpu.memref_slice %arg8[%dma_start3A_22, %dma_start3A_23] : memref<10112x16xf32, #tpu.memory_space<vmem_shared>> -> memref<10112x16xf32, #tpu.memory_space<vmem_shared>>
      tpu.enqueue_indirect_dma source(%arg7 : memref<128x16xf32, #tpu.memory_space<vmem>>) target(%dma_start3A_24 : memref<10112x16xf32, #tpu.memory_space<vmem_shared>>) offsets(%dma_start3A_21 : memref<128xi32, #tpu.memory_space<vmem>>) semaphore(%arg9 : memref<!tpu.dma_semaphore, #tpu.memory_space<semaphore_mem>>) {add = true}
      %mul3A_25 = arith.constant 8 : i32
      %mul3A_26 = arith.muli %scan3A_15, %mul3A_25 : i32
      %add3A_27 = arith.constant 1 : i32
      %add3A_28 = arith.addi %mul3A_26, %add3A_27 : i32
      %dma_start3A_29 = arith.constant 0 : i32
      %dma_start3A_30 = tpu.memref_slice %arg6[%add3A_28, %dma_start3A_29] : memref<80x128xi32, #tpu.memory_space<vmem>> -> memref<1x128xi32, #tpu.memory_space<vmem>>
      %dma_start3A_31 = tpu.memref_squeeze %dma_start3A_30 : memref<1x128xi32, #tpu.memory_space<vmem>> -> memref<128xi32, #tpu.memory_space<vmem>>
      %dma_start3A_32 = arith.constant 0 : i32
      %dma_start3A_33 = arith.constant 0 : i32
      %dma_start3A_34 = tpu.memref_slice %arg8[%dma_start3A_32, %dma_start3A_33] : memref<10112x16xf32, #tpu.memory_space<vmem_shared>> -> memref<10112x16xf32, #tpu.memory_space<vmem_shared>>
      tpu.enqueue_indirect_dma source(%arg7 : memref<128x16xf32, #tpu.memory_space<vmem>>) target(%dma_start3A_34 : memref<10112x16xf32, #tpu.memory_space<vmem_shared>>) offsets(%dma_start3A_31 : memref<128xi32, #tpu.memory_space<vmem>>) semaphore(%arg9 : memref<!tpu.dma_semaphore, #tpu.memory_space<semaphore_mem>>) {add = true}
      %mul3A_35 = arith.constant 8 : i32
      %mul3A_36 = arith.muli %scan3A_15, %mul3A_35 : i32
      %add3A_37 = arith.constant 2 : i32
      %add3A_38 = arith.addi %mul3A_36, %add3A_37 : i32
      %dma_start3A_39 = arith.constant 0 : i32
      %dma_start3A_40 = tpu.memref_slice %arg6[%add3A_38, %dma_start3A_39] : memref<80x128xi32, #tpu.memory_space<vmem>> -> memref<1x128xi32, #tpu.memory_space<vmem>>
      %dma_start3A_41 = tpu.memref_squeeze %dma_start3A_40 : memref<1x128xi32, #tpu.memory_space<vmem>> -> memref<128xi32, #tpu.memory_space<vmem>>
      %dma_start3A_42 = arith.constant 0 : i32
      %dma_start3A_43 = arith.constant 0 : i32
      %dma_start3A_44 = tpu.memref_slice %arg8[%dma_start3A_42, %dma_start3A_43] : memref<10112x16xf32, #tpu.memory_space<vmem_shared>> -> memref<10112x16xf32, #tpu.memory_space<vmem_shared>>
      tpu.enqueue_indirect_dma source(%arg7 : memref<128x16xf32, #tpu.memory_space<vmem>>) target(%dma_start3A_44 : memref<10112x16xf32, #tpu.memory_space<vmem_shared>>) offsets(%dma_start3A_41 : memref<128xi32, #tpu.memory_space<vmem>>) semaphore(%arg9 : memref<!tpu.dma_semaphore, #tpu.memory_space<semaphore_mem>>) {add = true}
      %mul3A_45 = arith.constant 8 : i32
      %mul3A_46 = arith.muli %scan3A_15, %mul3A_45 : i32
      %add3A_47 = arith.constant 3 : i32
      %add3A_48 = arith.addi %mul3A_46, %add3A_47 : i32
      %dma_start3A_49 = arith.constant 0 : i32
      %dma_start3A_50 = tpu.memref_slice %arg6[%add3A_48, %dma_start3A_49] : memref<80x128xi32, #tpu.memory_space<vmem>> -> memref<1x128xi32, #tpu.memory_space<vmem>>
      %dma_start3A_51 = tpu.memref_squeeze %dma_start3A_50 : memref<1x128xi32, #tpu.memory_space<vmem>> -> memref<128xi32, #tpu.memory_space<vmem>>
      %dma_start3A_52 = arith.constant 0 : i32
      %dma_start3A_53 = arith.constant 0 : i32
      %dma_start3A_54 = tpu.memref_slice %arg8[%dma_start3A_52, %dma_start3A_53] : memref<10112x16xf32, #tpu.memory_space<vmem_shared>> -> memref<10112x16xf32, #tpu.memory_space<vmem_shared>>
      tpu.enqueue_indirect_dma source(%arg7 : memref<128x16xf32, #tpu.memory_space<vmem>>) target(%dma_start3A_54 : memref<10112x16xf32, #tpu.memory_space<vmem_shared>>) offsets(%dma_start3A_51 : memref<128xi32, #tpu.memory_space<vmem>>) semaphore(%arg9 : memref<!tpu.dma_semaphore, #tpu.memory_space<semaphore_mem>>) {add = true}
      %mul3A_55 = arith.constant 8 : i32
      %mul3A_56 = arith.muli %scan3A_15, %mul3A_55 : i32
      %add3A_57 = arith.constant 4 : i32
      %add3A_58 = arith.addi %mul3A_56, %add3A_57 : i32
      %dma_start3A_59 = arith.constant 0 : i32
      %dma_start3A_60 = tpu.memref_slice %arg6[%add3A_58, %dma_start3A_59] : memref<80x128xi32, #tpu.memory_space<vmem>> -> memref<1x128xi32, #tpu.memory_space<vmem>>
      %dma_start3A_61 = tpu.memref_squeeze %dma_start3A_60 : memref<1x128xi32, #tpu.memory_space<vmem>> -> memref<128xi32, #tpu.memory_space<vmem>>
      %dma_start3A_62 = arith.constant 0 : i32
      %dma_start3A_63 = arith.constant 0 : i32
      %dma_start3A_64 = tpu.memref_slice %arg8[%dma_start3A_62, %dma_start3A_63] : memref<10112x16xf32, #tpu.memory_space<vmem_shared>> -> memref<10112x16xf32, #tpu.memory_space<vmem_shared>>
      tpu.enqueue_indirect_dma source(%arg7 : memref<128x16xf32, #tpu.memory_space<vmem>>) target(%dma_start3A_64 : memref<10112x16xf32, #tpu.memory_space<vmem_shared>>) offsets(%dma_start3A_61 : memref<128xi32, #tpu.memory_space<vmem>>) semaphore(%arg9 : memref<!tpu.dma_semaphore, #tpu.memory_space<semaphore_mem>>) {add = true}
      %mul3A_65 = arith.constant 8 : i32
      %mul3A_66 = arith.muli %scan3A_15, %mul3A_65 : i32
      %add3A_67 = arith.constant 5 : i32
      %add3A_68 = arith.addi %mul3A_66, %add3A_67 : i32
      %dma_start3A_69 = arith.constant 0 : i32
      %dma_start3A_70 = tpu.memref_slice %arg6[%add3A_68, %dma_start3A_69] : memref<80x128xi32, #tpu.memory_space<vmem>> -> memref<1x128xi32, #tpu.memory_space<vmem>>
      %dma_start3A_71 = tpu.memref_squeeze %dma_start3A_70 : memref<1x128xi32, #tpu.memory_space<vmem>> -> memref<128xi32, #tpu.memory_space<vmem>>
      %dma_start3A_72 = arith.constant 0 : i32
      %dma_start3A_73 = arith.constant 0 : i32
      %dma_start3A_74 = tpu.memref_slice %arg8[%dma_start3A_72, %dma_start3A_73] : memref<10112x16xf32, #tpu.memory_space<vmem_shared>> -> memref<10112x16xf32, #tpu.memory_space<vmem_shared>>
      tpu.enqueue_indirect_dma source(%arg7 : memref<128x16xf32, #tpu.memory_space<vmem>>) target(%dma_start3A_74 : memref<10112x16xf32, #tpu.memory_space<vmem_shared>>) offsets(%dma_start3A_71 : memref<128xi32, #tpu.memory_space<vmem>>) semaphore(%arg9 : memref<!tpu.dma_semaphore, #tpu.memory_space<semaphore_mem>>) {add = true}
      %mul3A_75 = arith.constant 8 : i32
      %mul3A_76 = arith.muli %scan3A_15, %mul3A_75 : i32
      %add3A_77 = arith.constant 6 : i32
      %add3A_78 = arith.addi %mul3A_76, %add3A_77 : i32
      %dma_start3A_79 = arith.constant 0 : i32
      %dma_start3A_80 = tpu.memref_slice %arg6[%add3A_78, %dma_start3A_79] : memref<80x128xi32, #tpu.memory_space<vmem>> -> memref<1x128xi32, #tpu.memory_space<vmem>>
      %dma_start3A_81 = tpu.memref_squeeze %dma_start3A_80 : memref<1x128xi32, #tpu.memory_space<vmem>> -> memref<128xi32, #tpu.memory_space<vmem>>
      %dma_start3A_82 = arith.constant 0 : i32
      %dma_start3A_83 = arith.constant 0 : i32
      %dma_start3A_84 = tpu.memref_slice %arg8[%dma_start3A_82, %dma_start3A_83] : memref<10112x16xf32, #tpu.memory_space<vmem_shared>> -> memref<10112x16xf32, #tpu.memory_space<vmem_shared>>
      tpu.enqueue_indirect_dma source(%arg7 : memref<128x16xf32, #tpu.memory_space<vmem>>) target(%dma_start3A_84 : memref<10112x16xf32, #tpu.memory_space<vmem_shared>>) offsets(%dma_start3A_81 : memref<128xi32, #tpu.memory_space<vmem>>) semaphore(%arg9 : memref<!tpu.dma_semaphore, #tpu.memory_space<semaphore_mem>>) {add = true}
      %mul3A_85 = arith.constant 8 : i32
      %mul3A_86 = arith.muli %scan3A_15, %mul3A_85 : i32
      %add3A_87 = arith.constant 7 : i32
      %add3A_88 = arith.addi %mul3A_86, %add3A_87 : i32
      %dma_start3A_89 = arith.constant 0 : i32
      %dma_start3A_90 = tpu.memref_slice %arg6[%add3A_88, %dma_start3A_89] : memref<80x128xi32, #tpu.memory_space<vmem>> -> memref<1x128xi32, #tpu.memory_space<vmem>>
      %dma_start3A_91 = tpu.memref_squeeze %dma_start3A_90 : memref<1x128xi32, #tpu.memory_space<vmem>> -> memref<128xi32, #tpu.memory_space<vmem>>
      %dma_start3A_92 = arith.constant 0 : i32
      %dma_start3A_93 = arith.constant 0 : i32
      %dma_start3A_94 = tpu.memref_slice %arg8[%dma_start3A_92, %dma_start3A_93] : memref<10112x16xf32, #tpu.memory_space<vmem_shared>> -> memref<10112x16xf32, #tpu.memory_space<vmem_shared>>
      tpu.enqueue_indirect_dma source(%arg7 : memref<128x16xf32, #tpu.memory_space<vmem>>) target(%dma_start3A_94 : memref<10112x16xf32, #tpu.memory_space<vmem_shared>>) offsets(%dma_start3A_91 : memref<128xi32, #tpu.memory_space<vmem>>) semaphore(%arg9 : memref<!tpu.dma_semaphore, #tpu.memory_space<semaphore_mem>>) {add = true}
      %dma_wait3A = arith.constant 0 : i32
      %dma_wait3A_95 = tpu.memref_slice %arg6[%add3A_19, %dma_wait3A] : memref<80x128xi32, #tpu.memory_space<vmem>> -> memref<1x128xi32, #tpu.memory_space<vmem>>
      %dma_wait3A_96 = tpu.memref_squeeze %dma_wait3A_95 : memref<1x128xi32, #tpu.memory_space<vmem>> -> memref<128xi32, #tpu.memory_space<vmem>>
      %dma_wait3A_97 = arith.constant 0 : i32
      %dma_wait3A_98 = arith.constant 0 : i32
      %dma_wait3A_99 = tpu.memref_slice %arg8[%dma_wait3A_97, %dma_wait3A_98] : memref<10112x16xf32, #tpu.memory_space<vmem_shared>> -> memref<10112x16xf32, #tpu.memory_space<vmem_shared>>
      tpu.wait_indirect_dma semaphore(%arg9 : memref<!tpu.dma_semaphore, #tpu.memory_space<semaphore_mem>>) src(%arg7 : memref<128x16xf32, #tpu.memory_space<vmem>>) dst(%dma_wait3A_99 : memref<10112x16xf32, #tpu.memory_space<vmem_shared>>)
      %dma_wait3A_100 = arith.constant 0 : i32
      %dma_wait3A_101 = tpu.memref_slice %arg6[%add3A_28, %dma_wait3A_100] : memref<80x128xi32, #tpu.memory_space<vmem>> -> memref<1x128xi32, #tpu.memory_space<vmem>>
      %dma_wait3A_102 = tpu.memref_squeeze %dma_wait3A_101 : memref<1x128xi32, #tpu.memory_space<vmem>> -> memref<128xi32, #tpu.memory_space<vmem>>
      %dma_wait3A_103 = arith.constant 0 : i32
      %dma_wait3A_104 = arith.constant 0 : i32
      %dma_wait3A_105 = tpu.memref_slice %arg8[%dma_wait3A_103, %dma_wait3A_104] : memref<10112x16xf32, #tpu.memory_space<vmem_shared>> -> memref<10112x16xf32, #tpu.memory_space<vmem_shared>>
      tpu.wait_indirect_dma semaphore(%arg9 : memref<!tpu.dma_semaphore, #tpu.memory_space<semaphore_mem>>) src(%arg7 : memref<128x16xf32, #tpu.memory_space<vmem>>) dst(%dma_wait3A_105 : memref<10112x16xf32, #tpu.memory_space<vmem_shared>>)
      %dma_wait3A_106 = arith.constant 0 : i32
      %dma_wait3A_107 = tpu.memref_slice %arg6[%add3A_38, %dma_wait3A_106] : memref<80x128xi32, #tpu.memory_space<vmem>> -> memref<1x128xi32, #tpu.memory_space<vmem>>
      %dma_wait3A_108 = tpu.memref_squeeze %dma_wait3A_107 : memref<1x128xi32, #tpu.memory_space<vmem>> -> memref<128xi32, #tpu.memory_space<vmem>>
      %dma_wait3A_109 = arith.constant 0 : i32
      %dma_wait3A_110 = arith.constant 0 : i32
      %dma_wait3A_111 = tpu.memref_slice %arg8[%dma_wait3A_109, %dma_wait3A_110] : memref<10112x16xf32, #tpu.memory_space<vmem_shared>> -> memref<10112x16xf32, #tpu.memory_space<vmem_shared>>
      tpu.wait_indirect_dma semaphore(%arg9 : memref<!tpu.dma_semaphore, #tpu.memory_space<semaphore_mem>>) src(%arg7 : memref<128x16xf32, #tpu.memory_space<vmem>>) dst(%dma_wait3A_111 : memref<10112x16xf32, #tpu.memory_space<vmem_shared>>)
      %dma_wait3A_112 = arith.constant 0 : i32
      %dma_wait3A_113 = tpu.memref_slice %arg6[%add3A_48, %dma_wait3A_112] : memref<80x128xi32, #tpu.memory_space<vmem>> -> memref<1x128xi32, #tpu.memory_space<vmem>>
      %dma_wait3A_114 = tpu.memref_squeeze %dma_wait3A_113 : memref<1x128xi32, #tpu.memory_space<vmem>> -> memref<128xi32, #tpu.memory_space<vmem>>
      %dma_wait3A_115 = arith.constant 0 : i32
      %dma_wait3A_116 = arith.constant 0 : i32
      %dma_wait3A_117 = tpu.memref_slice %arg8[%dma_wait3A_115, %dma_wait3A_116] : memref<10112x16xf32, #tpu.memory_space<vmem_shared>> -> memref<10112x16xf32, #tpu.memory_space<vmem_shared>>
      tpu.wait_indirect_dma semaphore(%arg9 : memref<!tpu.dma_semaphore, #tpu.memory_space<semaphore_mem>>) src(%arg7 : memref<128x16xf32, #tpu.memory_space<vmem>>) dst(%dma_wait3A_117 : memref<10112x16xf32, #tpu.memory_space<vmem_shared>>)
      %dma_wait3A_118 = arith.constant 0 : i32
      %dma_wait3A_119 = tpu.memref_slice %arg6[%add3A_58, %dma_wait3A_118] : memref<80x128xi32, #tpu.memory_space<vmem>> -> memref<1x128xi32, #tpu.memory_space<vmem>>
      %dma_wait3A_120 = tpu.memref_squeeze %dma_wait3A_119 : memref<1x128xi32, #tpu.memory_space<vmem>> -> memref<128xi32, #tpu.memory_space<vmem>>
      %dma_wait3A_121 = arith.constant 0 : i32
      %dma_wait3A_122 = arith.constant 0 : i32
      %dma_wait3A_123 = tpu.memref_slice %arg8[%dma_wait3A_121, %dma_wait3A_122] : memref<10112x16xf32, #tpu.memory_space<vmem_shared>> -> memref<10112x16xf32, #tpu.memory_space<vmem_shared>>
      tpu.wait_indirect_dma semaphore(%arg9 : memref<!tpu.dma_semaphore, #tpu.memory_space<semaphore_mem>>) src(%arg7 : memref<128x16xf32, #tpu.memory_space<vmem>>) dst(%dma_wait3A_123 : memref<10112x16xf32, #tpu.memory_space<vmem_shared>>)
      %dma_wait3A_124 = arith.constant 0 : i32
      %dma_wait3A_125 = tpu.memref_slice %arg6[%add3A_68, %dma_wait3A_124] : memref<80x128xi32, #tpu.memory_space<vmem>> -> memref<1x128xi32, #tpu.memory_space<vmem>>
      %dma_wait3A_126 = tpu.memref_squeeze %dma_wait3A_125 : memref<1x128xi32, #tpu.memory_space<vmem>> -> memref<128xi32, #tpu.memory_space<vmem>>
      %dma_wait3A_127 = arith.constant 0 : i32
      %dma_wait3A_128 = arith.constant 0 : i32
      %dma_wait3A_129 = tpu.memref_slice %arg8[%dma_wait3A_127, %dma_wait3A_128] : memref<10112x16xf32, #tpu.memory_space<vmem_shared>> -> memref<10112x16xf32, #tpu.memory_space<vmem_shared>>
      tpu.wait_indirect_dma semaphore(%arg9 : memref<!tpu.dma_semaphore, #tpu.memory_space<semaphore_mem>>) src(%arg7 : memref<128x16xf32, #tpu.memory_space<vmem>>) dst(%dma_wait3A_129 : memref<10112x16xf32, #tpu.memory_space<vmem_shared>>)
      %dma_wait3A_130 = arith.constant 0 : i32
      %dma_wait3A_131 = tpu.memref_slice %arg6[%add3A_78, %dma_wait3A_130] : memref<80x128xi32, #tpu.memory_space<vmem>> -> memref<1x128xi32, #tpu.memory_space<vmem>>
      %dma_wait3A_132 = tpu.memref_squeeze %dma_wait3A_131 : memref<1x128xi32, #tpu.memory_space<vmem>> -> memref<128xi32, #tpu.memory_space<vmem>>
      %dma_wait3A_133 = arith.constant 0 : i32
      %dma_wait3A_134 = arith.constant 0 : i32
      %dma_wait3A_135 = tpu.memref_slice %arg8[%dma_wait3A_133, %dma_wait3A_134] : memref<10112x16xf32, #tpu.memory_space<vmem_shared>> -> memref<10112x16xf32, #tpu.memory_space<vmem_shared>>
      tpu.wait_indirect_dma semaphore(%arg9 : memref<!tpu.dma_semaphore, #tpu.memory_space<semaphore_mem>>) src(%arg7 : memref<128x16xf32, #tpu.memory_space<vmem>>) dst(%dma_wait3A_135 : memref<10112x16xf32, #tpu.memory_space<vmem_shared>>)
      %dma_wait3A_136 = arith.constant 0 : i32
      %dma_wait3A_137 = tpu.memref_slice %arg6[%add3A_88, %dma_wait3A_136] : memref<80x128xi32, #tpu.memory_space<vmem>> -> memref<1x128xi32, #tpu.memory_space<vmem>>
      %dma_wait3A_138 = tpu.memref_squeeze %dma_wait3A_137 : memref<1x128xi32, #tpu.memory_space<vmem>> -> memref<128xi32, #tpu.memory_space<vmem>>
      %dma_wait3A_139 = arith.constant 0 : i32
      %dma_wait3A_140 = arith.constant 0 : i32
      %dma_wait3A_141 = tpu.memref_slice %arg8[%dma_wait3A_139, %dma_wait3A_140] : memref<10112x16xf32, #tpu.memory_space<vmem_shared>> -> memref<10112x16xf32, #tpu.memory_space<vmem_shared>>
      tpu.wait_indirect_dma semaphore(%arg9 : memref<!tpu.dma_semaphore, #tpu.memory_space<semaphore_mem>>) src(%arg7 : memref<128x16xf32, #tpu.memory_space<vmem>>) dst(%dma_wait3A_141 : memref<10112x16xf32, #tpu.memory_space<vmem_shared>>)
    }
    %scan3A_9 = arith.constant 10 : i32
    %barrier3A_10 = arith.constant 0 : index
    tpu.barrier barrier_id(%barrier3A_10)
    %mul3A_11 = arith.constant 632 : i32
    %mul3A_12 = arith.muli %arg1, %mul3A_11 : i32
    %mul3A_13 = arith.constant 632 : i32
    %mul3A_14 = arith.muli %arg1, %mul3A_13 : i32
    "tpu.region"() ({
      %run_scoped3A = tpu.sem_alloc : memref<!tpu.dma_semaphore, #tpu.memory_space<semaphore_mem>>
      %dma_start3A = arith.constant 0 : i32
      %dma_start3A_15 = tpu.memref_slice %arg5[%arg0, %mul3A_14, %dma_start3A] : memref<2x10112x16xf32, #tpu.memory_space<hbm>> -> memref<1x632x16xf32, #tpu.memory_space<hbm>>
      %dma_start3A_16 = tpu.memref_squeeze %dma_start3A_15 : memref<1x632x16xf32, #tpu.memory_space<hbm>> -> memref<632x16xf32, #tpu.memory_space<hbm>>
      %dma_start3A_17 = arith.constant 0 : i32
      %dma_start3A_18 = tpu.memref_slice %arg8[%mul3A_12, %dma_start3A_17] : memref<10112x16xf32, #tpu.memory_space<vmem_shared>> -> memref<632x16xf32, #tpu.memory_space<vmem_shared>>
      tpu.enqueue_dma source(%dma_start3A_18 : memref<632x16xf32, #tpu.memory_space<vmem_shared>>) target(%dma_start3A_16 : memref<632x16xf32, #tpu.memory_space<hbm>>) target_semaphore(%run_scoped3A : memref<!tpu.dma_semaphore, #tpu.memory_space<semaphore_mem>>)
      %dma_wait3A = arith.constant 0 : i32
      %dma_wait3A_19 = tpu.memref_slice %arg5[%arg0, %mul3A_14, %dma_wait3A] : memref<2x10112x16xf32, #tpu.memory_space<hbm>> -> memref<1x632x16xf32, #tpu.memory_space<hbm>>
      %dma_wait3A_20 = tpu.memref_squeeze %dma_wait3A_19 : memref<1x632x16xf32, #tpu.memory_space<hbm>> -> memref<632x16xf32, #tpu.memory_space<hbm>>
      %dma_wait3A_21 = arith.constant 0 : i32
      %dma_wait3A_22 = tpu.memref_slice %arg8[%mul3A_12, %dma_wait3A_21] : memref<10112x16xf32, #tpu.memory_space<vmem_shared>> -> memref<632x16xf32, #tpu.memory_space<vmem_shared>>
      tpu.wait_dma2 semaphore(%run_scoped3A : memref<!tpu.dma_semaphore, #tpu.memory_space<semaphore_mem>>) src(%dma_wait3A_22 : memref<632x16xf32, #tpu.memory_space<vmem_shared>>) dst(%dma_wait3A_20 : memref<632x16xf32, #tpu.memory_space<hbm>>)
      tpu.yield
    }) : () -> ()
    return
  }
}

#map = affine_map<(d0, d1) -> (0, 0)>
#map1 = affine_map<(d0, d1) -> (0, 0, 0)>
module attributes {stable_mosaic.version = 14 : i64} {
  func.func @_mp_body(%arg0: i32, %arg1: i32, %arg2: memref<10112x16xf32, #tpu.memory_space<hbm>>, %arg3: memref<2560x128xi32, #tpu.memory_space<hbm>>, %arg4: memref<2560x128xi32, #tpu.memory_space<hbm>>, %arg5: memref<632x16xf32, #tpu.memory_space<hbm>>, %arg6: memref<2x10112x16xf32, #tpu.memory_space<hbm>>, %arg7: memref<80x128xi32, #tpu.memory_space<vmem>>, %arg8: memref<80x128xi32, #tpu.memory_space<vmem>>, %arg9: memref<512x16xf32, #tpu.memory_space<vmem>>, %arg10: memref<512x16xf32, #tpu.memory_space<vmem>>, %arg11: memref<10112x16xf32, #tpu.memory_space<vmem_shared>>, %arg12: memref<!tpu.dma_semaphore, #tpu.memory_space<semaphore_mem>>, %arg13: memref<!tpu.dma_semaphore, #tpu.memory_space<semaphore_mem>>, %arg14: memref<!tpu.dma_semaphore, #tpu.memory_space<semaphore_mem>>, %arg15: memref<!tpu.dma_semaphore, #tpu.memory_space<semaphore_mem>>) attributes {dimension_semantics = [#tpu.dimension_semantics<core_parallel>, #tpu.dimension_semantics<subcore_parallel>], iteration_bounds = array<i64: 2, 16>, scalar_prefetch = 0 : i64, scratch_operands = 9 : i64, tpu.core_type = #tpu.core_type<sc_vector_subcore>, window_params = [{transform_indices = #map}, {transform_indices = #map}, {transform_indices = #map}, {transform_indices = #map}, {transform_indices = #map1}]} {
    %mul3A = arith.constant 2 : i32
    %mul3A_0 = arith.muli %arg1, %mul3A : i32
    %add3A = arith.addi %mul3A_0, %arg0 : i32
    %mul3A_1 = arith.constant 632 : i32
    %mul3A_2 = arith.muli %arg1, %mul3A_1 : i32
    "tpu.region"() ({
      %run_scoped3A = tpu.sem_alloc : memref<!tpu.dma_semaphore, #tpu.memory_space<semaphore_mem>>
      %dma_start3A = arith.constant 0 : i32
      %dma_start3A_17 = tpu.memref_slice %arg11[%mul3A_2, %dma_start3A] : memref<10112x16xf32, #tpu.memory_space<vmem_shared>> -> memref<632x16xf32, #tpu.memory_space<vmem_shared>>
      tpu.enqueue_dma source(%arg5 : memref<632x16xf32, #tpu.memory_space<hbm>>) target(%dma_start3A_17 : memref<632x16xf32, #tpu.memory_space<vmem_shared>>) target_semaphore(%run_scoped3A : memref<!tpu.dma_semaphore, #tpu.memory_space<semaphore_mem>>)
      %dma_wait3A = arith.constant 0 : i32
      %dma_wait3A_18 = tpu.memref_slice %arg11[%mul3A_2, %dma_wait3A] : memref<10112x16xf32, #tpu.memory_space<vmem_shared>> -> memref<632x16xf32, #tpu.memory_space<vmem_shared>>
      tpu.wait_dma2 semaphore(%run_scoped3A : memref<!tpu.dma_semaphore, #tpu.memory_space<semaphore_mem>>) src(%arg5 : memref<632x16xf32, #tpu.memory_space<hbm>>) dst(%dma_wait3A_18 : memref<632x16xf32, #tpu.memory_space<vmem_shared>>)
      tpu.yield
    }) : () -> ()
    %mul3A_3 = arith.constant 80 : i32
    %mul3A_4 = arith.muli %add3A, %mul3A_3 : i32
    "tpu.region"() ({
      %run_scoped3A = tpu.sem_alloc : memref<!tpu.dma_semaphore, #tpu.memory_space<semaphore_mem>>
      %dma_start3A = arith.constant 0 : i32
      %dma_start3A_17 = tpu.memref_slice %arg3[%mul3A_4, %dma_start3A] : memref<2560x128xi32, #tpu.memory_space<hbm>> -> memref<80x128xi32, #tpu.memory_space<hbm>>
      %dma_start3A_18 = arith.constant 0 : i32
      %dma_start3A_19 = tpu.memref_slice %arg3[%mul3A_4, %dma_start3A_18] : memref<2560x128xi32, #tpu.memory_space<hbm>> -> memref<80x128xi32, #tpu.memory_space<hbm>>
      tpu.enqueue_dma source(%dma_start3A_19 : memref<80x128xi32, #tpu.memory_space<hbm>>) target(%arg7 : memref<80x128xi32, #tpu.memory_space<vmem>>) target_semaphore(%run_scoped3A : memref<!tpu.dma_semaphore, #tpu.memory_space<semaphore_mem>>)
      %dma_wait3A = arith.constant 0 : i32
      %dma_wait3A_20 = tpu.memref_slice %arg3[%mul3A_4, %dma_wait3A] : memref<2560x128xi32, #tpu.memory_space<hbm>> -> memref<80x128xi32, #tpu.memory_space<hbm>>
      %dma_wait3A_21 = arith.constant 0 : i32
      %dma_wait3A_22 = tpu.memref_slice %arg3[%mul3A_4, %dma_wait3A_21] : memref<2560x128xi32, #tpu.memory_space<hbm>> -> memref<80x128xi32, #tpu.memory_space<hbm>>
      tpu.wait_dma2 semaphore(%run_scoped3A : memref<!tpu.dma_semaphore, #tpu.memory_space<semaphore_mem>>) src(%dma_wait3A_22 : memref<80x128xi32, #tpu.memory_space<hbm>>) dst(%arg7 : memref<80x128xi32, #tpu.memory_space<vmem>>)
      tpu.yield
    }) : () -> ()
    %mul3A_5 = arith.constant 80 : i32
    %mul3A_6 = arith.muli %add3A, %mul3A_5 : i32
    "tpu.region"() ({
      %run_scoped3A = tpu.sem_alloc : memref<!tpu.dma_semaphore, #tpu.memory_space<semaphore_mem>>
      %dma_start3A = arith.constant 0 : i32
      %dma_start3A_17 = tpu.memref_slice %arg4[%mul3A_6, %dma_start3A] : memref<2560x128xi32, #tpu.memory_space<hbm>> -> memref<80x128xi32, #tpu.memory_space<hbm>>
      %dma_start3A_18 = arith.constant 0 : i32
      %dma_start3A_19 = tpu.memref_slice %arg4[%mul3A_6, %dma_start3A_18] : memref<2560x128xi32, #tpu.memory_space<hbm>> -> memref<80x128xi32, #tpu.memory_space<hbm>>
      tpu.enqueue_dma source(%dma_start3A_19 : memref<80x128xi32, #tpu.memory_space<hbm>>) target(%arg8 : memref<80x128xi32, #tpu.memory_space<vmem>>) target_semaphore(%run_scoped3A : memref<!tpu.dma_semaphore, #tpu.memory_space<semaphore_mem>>)
      %dma_wait3A = arith.constant 0 : i32
      %dma_wait3A_20 = tpu.memref_slice %arg4[%mul3A_6, %dma_wait3A] : memref<2560x128xi32, #tpu.memory_space<hbm>> -> memref<80x128xi32, #tpu.memory_space<hbm>>
      %dma_wait3A_21 = arith.constant 0 : i32
      %dma_wait3A_22 = tpu.memref_slice %arg4[%mul3A_6, %dma_wait3A_21] : memref<2560x128xi32, #tpu.memory_space<hbm>> -> memref<80x128xi32, #tpu.memory_space<hbm>>
      tpu.wait_dma2 semaphore(%run_scoped3A : memref<!tpu.dma_semaphore, #tpu.memory_space<semaphore_mem>>) src(%dma_wait3A_22 : memref<80x128xi32, #tpu.memory_space<hbm>>) dst(%arg8 : memref<80x128xi32, #tpu.memory_space<vmem>>)
      tpu.yield
    }) : () -> ()
    %barrier3A = arith.constant 0 : index
    tpu.barrier barrier_id(%barrier3A)
    %scan3A = arith.constant 0 : i32
    %scan3A_7 = arith.constant 0 : i32
    %scan3A_8 = arith.constant 10 : i32
    %scan3A_9 = arith.addi %scan3A_7, %scan3A_8 : i32
    %scan3A_10 = arith.constant 1 : i32
    scf.for %scan3A_17 = %scan3A_7 to %scan3A_9 step %scan3A_10  : i32 {
      %mul3A_18 = arith.constant 2 : i32
      %mul3A_19 = arith.muli %mul3A_18, %scan3A_17 : i32
      %add3A_20 = arith.constant 1 : i32
      %add3A_21 = arith.addi %mul3A_19, %add3A_20 : i32
      %mul3A_22 = arith.constant 4 : i32
      %mul3A_23 = arith.muli %mul3A_19, %mul3A_22 : i32
      %add3A_24 = arith.constant 0 : i32
      %add3A_25 = arith.addi %mul3A_23, %add3A_24 : i32
      %dma_start3A = arith.constant 0 : i32
      %dma_start3A_26 = arith.constant 0 : i32
      %dma_start3A_27 = tpu.memref_slice %arg9[%dma_start3A, %dma_start3A_26] : memref<512x16xf32, #tpu.memory_space<vmem>> -> memref<128x16xf32, #tpu.memory_space<vmem>>
      %dma_start3A_28 = arith.constant 0 : i32
      %dma_start3A_29 = tpu.memref_slice %arg7[%add3A_25, %dma_start3A_28] : memref<80x128xi32, #tpu.memory_space<vmem>> -> memref<1x128xi32, #tpu.memory_space<vmem>>
      %dma_start3A_30 = tpu.memref_squeeze %dma_start3A_29 : memref<1x128xi32, #tpu.memory_space<vmem>> -> memref<128xi32, #tpu.memory_space<vmem>>
      %dma_start3A_31 = arith.constant 0 : i32
      %dma_start3A_32 = arith.constant 0 : i32
      %dma_start3A_33 = tpu.memref_slice %arg2[%dma_start3A_31, %dma_start3A_32] : memref<10112x16xf32, #tpu.memory_space<hbm>> -> memref<10112x16xf32, #tpu.memory_space<hbm>>
      tpu.enqueue_indirect_dma source(%dma_start3A_33 : memref<10112x16xf32, #tpu.memory_space<hbm>>) target(%dma_start3A_27 : memref<128x16xf32, #tpu.memory_space<vmem>>) offsets(%dma_start3A_30 : memref<128xi32, #tpu.memory_space<vmem>>) semaphore(%arg12 : memref<!tpu.dma_semaphore, #tpu.memory_space<semaphore_mem>>)
      %mul3A_34 = arith.constant 4 : i32
      %mul3A_35 = arith.muli %mul3A_19, %mul3A_34 : i32
      %add3A_36 = arith.constant 1 : i32
      %add3A_37 = arith.addi %mul3A_35, %add3A_36 : i32
      %dma_start3A_38 = arith.constant 128 : i32
      %dma_start3A_39 = arith.constant 0 : i32
      %dma_start3A_40 = tpu.memref_slice %arg9[%dma_start3A_38, %dma_start3A_39] : memref<512x16xf32, #tpu.memory_space<vmem>> -> memref<128x16xf32, #tpu.memory_space<vmem>>
      %dma_start3A_41 = arith.constant 0 : i32
      %dma_start3A_42 = tpu.memref_slice %arg7[%add3A_37, %dma_start3A_41] : memref<80x128xi32, #tpu.memory_space<vmem>> -> memref<1x128xi32, #tpu.memory_space<vmem>>
      %dma_start3A_43 = tpu.memref_squeeze %dma_start3A_42 : memref<1x128xi32, #tpu.memory_space<vmem>> -> memref<128xi32, #tpu.memory_space<vmem>>
      %dma_start3A_44 = arith.constant 0 : i32
      %dma_start3A_45 = arith.constant 0 : i32
      %dma_start3A_46 = tpu.memref_slice %arg2[%dma_start3A_44, %dma_start3A_45] : memref<10112x16xf32, #tpu.memory_space<hbm>> -> memref<10112x16xf32, #tpu.memory_space<hbm>>
      tpu.enqueue_indirect_dma source(%dma_start3A_46 : memref<10112x16xf32, #tpu.memory_space<hbm>>) target(%dma_start3A_40 : memref<128x16xf32, #tpu.memory_space<vmem>>) offsets(%dma_start3A_43 : memref<128xi32, #tpu.memory_space<vmem>>) semaphore(%arg12 : memref<!tpu.dma_semaphore, #tpu.memory_space<semaphore_mem>>)
      %mul3A_47 = arith.constant 4 : i32
      %mul3A_48 = arith.muli %mul3A_19, %mul3A_47 : i32
      %add3A_49 = arith.constant 2 : i32
      %add3A_50 = arith.addi %mul3A_48, %add3A_49 : i32
      %dma_start3A_51 = arith.constant 256 : i32
      %dma_start3A_52 = arith.constant 0 : i32
      %dma_start3A_53 = tpu.memref_slice %arg9[%dma_start3A_51, %dma_start3A_52] : memref<512x16xf32, #tpu.memory_space<vmem>> -> memref<128x16xf32, #tpu.memory_space<vmem>>
      %dma_start3A_54 = arith.constant 0 : i32
      %dma_start3A_55 = tpu.memref_slice %arg7[%add3A_50, %dma_start3A_54] : memref<80x128xi32, #tpu.memory_space<vmem>> -> memref<1x128xi32, #tpu.memory_space<vmem>>
      %dma_start3A_56 = tpu.memref_squeeze %dma_start3A_55 : memref<1x128xi32, #tpu.memory_space<vmem>> -> memref<128xi32, #tpu.memory_space<vmem>>
      %dma_start3A_57 = arith.constant 0 : i32
      %dma_start3A_58 = arith.constant 0 : i32
      %dma_start3A_59 = tpu.memref_slice %arg2[%dma_start3A_57, %dma_start3A_58] : memref<10112x16xf32, #tpu.memory_space<hbm>> -> memref<10112x16xf32, #tpu.memory_space<hbm>>
      tpu.enqueue_indirect_dma source(%dma_start3A_59 : memref<10112x16xf32, #tpu.memory_space<hbm>>) target(%dma_start3A_53 : memref<128x16xf32, #tpu.memory_space<vmem>>) offsets(%dma_start3A_56 : memref<128xi32, #tpu.memory_space<vmem>>) semaphore(%arg12 : memref<!tpu.dma_semaphore, #tpu.memory_space<semaphore_mem>>)
      %mul3A_60 = arith.constant 4 : i32
      %mul3A_61 = arith.muli %mul3A_19, %mul3A_60 : i32
      %add3A_62 = arith.constant 3 : i32
      %add3A_63 = arith.addi %mul3A_61, %add3A_62 : i32
      %dma_start3A_64 = arith.constant 384 : i32
      %dma_start3A_65 = arith.constant 0 : i32
      %dma_start3A_66 = tpu.memref_slice %arg9[%dma_start3A_64, %dma_start3A_65] : memref<512x16xf32, #tpu.memory_space<vmem>> -> memref<128x16xf32, #tpu.memory_space<vmem>>
      %dma_start3A_67 = arith.constant 0 : i32
      %dma_start3A_68 = tpu.memref_slice %arg7[%add3A_63, %dma_start3A_67] : memref<80x128xi32, #tpu.memory_space<vmem>> -> memref<1x128xi32, #tpu.memory_space<vmem>>
      %dma_start3A_69 = tpu.memref_squeeze %dma_start3A_68 : memref<1x128xi32, #tpu.memory_space<vmem>> -> memref<128xi32, #tpu.memory_space<vmem>>
      %dma_start3A_70 = arith.constant 0 : i32
      %dma_start3A_71 = arith.constant 0 : i32
      %dma_start3A_72 = tpu.memref_slice %arg2[%dma_start3A_70, %dma_start3A_71] : memref<10112x16xf32, #tpu.memory_space<hbm>> -> memref<10112x16xf32, #tpu.memory_space<hbm>>
      tpu.enqueue_indirect_dma source(%dma_start3A_72 : memref<10112x16xf32, #tpu.memory_space<hbm>>) target(%dma_start3A_66 : memref<128x16xf32, #tpu.memory_space<vmem>>) offsets(%dma_start3A_69 : memref<128xi32, #tpu.memory_space<vmem>>) semaphore(%arg12 : memref<!tpu.dma_semaphore, #tpu.memory_space<semaphore_mem>>)
      %mul3A_73 = arith.constant 4 : i32
      %mul3A_74 = arith.muli %add3A_21, %mul3A_73 : i32
      %add3A_75 = arith.constant 0 : i32
      %add3A_76 = arith.addi %mul3A_74, %add3A_75 : i32
      %dma_start3A_77 = arith.constant 0 : i32
      %dma_start3A_78 = arith.constant 0 : i32
      %dma_start3A_79 = tpu.memref_slice %arg10[%dma_start3A_77, %dma_start3A_78] : memref<512x16xf32, #tpu.memory_space<vmem>> -> memref<128x16xf32, #tpu.memory_space<vmem>>
      %dma_start3A_80 = arith.constant 0 : i32
      %dma_start3A_81 = tpu.memref_slice %arg7[%add3A_76, %dma_start3A_80] : memref<80x128xi32, #tpu.memory_space<vmem>> -> memref<1x128xi32, #tpu.memory_space<vmem>>
      %dma_start3A_82 = tpu.memref_squeeze %dma_start3A_81 : memref<1x128xi32, #tpu.memory_space<vmem>> -> memref<128xi32, #tpu.memory_space<vmem>>
      %dma_start3A_83 = arith.constant 0 : i32
      %dma_start3A_84 = arith.constant 0 : i32
      %dma_start3A_85 = tpu.memref_slice %arg2[%dma_start3A_83, %dma_start3A_84] : memref<10112x16xf32, #tpu.memory_space<hbm>> -> memref<10112x16xf32, #tpu.memory_space<hbm>>
      tpu.enqueue_indirect_dma source(%dma_start3A_85 : memref<10112x16xf32, #tpu.memory_space<hbm>>) target(%dma_start3A_79 : memref<128x16xf32, #tpu.memory_space<vmem>>) offsets(%dma_start3A_82 : memref<128xi32, #tpu.memory_space<vmem>>) semaphore(%arg13 : memref<!tpu.dma_semaphore, #tpu.memory_space<semaphore_mem>>)
      %mul3A_86 = arith.constant 4 : i32
      %mul3A_87 = arith.muli %add3A_21, %mul3A_86 : i32
      %add3A_88 = arith.constant 1 : i32
      %add3A_89 = arith.addi %mul3A_87, %add3A_88 : i32
      %dma_start3A_90 = arith.constant 128 : i32
      %dma_start3A_91 = arith.constant 0 : i32
      %dma_start3A_92 = tpu.memref_slice %arg10[%dma_start3A_90, %dma_start3A_91] : memref<512x16xf32, #tpu.memory_space<vmem>> -> memref<128x16xf32, #tpu.memory_space<vmem>>
      %dma_start3A_93 = arith.constant 0 : i32
      %dma_start3A_94 = tpu.memref_slice %arg7[%add3A_89, %dma_start3A_93] : memref<80x128xi32, #tpu.memory_space<vmem>> -> memref<1x128xi32, #tpu.memory_space<vmem>>
      %dma_start3A_95 = tpu.memref_squeeze %dma_start3A_94 : memref<1x128xi32, #tpu.memory_space<vmem>> -> memref<128xi32, #tpu.memory_space<vmem>>
      %dma_start3A_96 = arith.constant 0 : i32
      %dma_start3A_97 = arith.constant 0 : i32
      %dma_start3A_98 = tpu.memref_slice %arg2[%dma_start3A_96, %dma_start3A_97] : memref<10112x16xf32, #tpu.memory_space<hbm>> -> memref<10112x16xf32, #tpu.memory_space<hbm>>
      tpu.enqueue_indirect_dma source(%dma_start3A_98 : memref<10112x16xf32, #tpu.memory_space<hbm>>) target(%dma_start3A_92 : memref<128x16xf32, #tpu.memory_space<vmem>>) offsets(%dma_start3A_95 : memref<128xi32, #tpu.memory_space<vmem>>) semaphore(%arg13 : memref<!tpu.dma_semaphore, #tpu.memory_space<semaphore_mem>>)
      %mul3A_99 = arith.constant 4 : i32
      %mul3A_100 = arith.muli %add3A_21, %mul3A_99 : i32
      %add3A_101 = arith.constant 2 : i32
      %add3A_102 = arith.addi %mul3A_100, %add3A_101 : i32
      %dma_start3A_103 = arith.constant 256 : i32
      %dma_start3A_104 = arith.constant 0 : i32
      %dma_start3A_105 = tpu.memref_slice %arg10[%dma_start3A_103, %dma_start3A_104] : memref<512x16xf32, #tpu.memory_space<vmem>> -> memref<128x16xf32, #tpu.memory_space<vmem>>
      %dma_start3A_106 = arith.constant 0 : i32
      %dma_start3A_107 = tpu.memref_slice %arg7[%add3A_102, %dma_start3A_106] : memref<80x128xi32, #tpu.memory_space<vmem>> -> memref<1x128xi32, #tpu.memory_space<vmem>>
      %dma_start3A_108 = tpu.memref_squeeze %dma_start3A_107 : memref<1x128xi32, #tpu.memory_space<vmem>> -> memref<128xi32, #tpu.memory_space<vmem>>
      %dma_start3A_109 = arith.constant 0 : i32
      %dma_start3A_110 = arith.constant 0 : i32
      %dma_start3A_111 = tpu.memref_slice %arg2[%dma_start3A_109, %dma_start3A_110] : memref<10112x16xf32, #tpu.memory_space<hbm>> -> memref<10112x16xf32, #tpu.memory_space<hbm>>
      tpu.enqueue_indirect_dma source(%dma_start3A_111 : memref<10112x16xf32, #tpu.memory_space<hbm>>) target(%dma_start3A_105 : memref<128x16xf32, #tpu.memory_space<vmem>>) offsets(%dma_start3A_108 : memref<128xi32, #tpu.memory_space<vmem>>) semaphore(%arg13 : memref<!tpu.dma_semaphore, #tpu.memory_space<semaphore_mem>>)
      %mul3A_112 = arith.constant 4 : i32
      %mul3A_113 = arith.muli %add3A_21, %mul3A_112 : i32
      %add3A_114 = arith.constant 3 : i32
      %add3A_115 = arith.addi %mul3A_113, %add3A_114 : i32
      %dma_start3A_116 = arith.constant 384 : i32
      %dma_start3A_117 = arith.constant 0 : i32
      %dma_start3A_118 = tpu.memref_slice %arg10[%dma_start3A_116, %dma_start3A_117] : memref<512x16xf32, #tpu.memory_space<vmem>> -> memref<128x16xf32, #tpu.memory_space<vmem>>
      %dma_start3A_119 = arith.constant 0 : i32
      %dma_start3A_120 = tpu.memref_slice %arg7[%add3A_115, %dma_start3A_119] : memref<80x128xi32, #tpu.memory_space<vmem>> -> memref<1x128xi32, #tpu.memory_space<vmem>>
      %dma_start3A_121 = tpu.memref_squeeze %dma_start3A_120 : memref<1x128xi32, #tpu.memory_space<vmem>> -> memref<128xi32, #tpu.memory_space<vmem>>
      %dma_start3A_122 = arith.constant 0 : i32
      %dma_start3A_123 = arith.constant 0 : i32
      %dma_start3A_124 = tpu.memref_slice %arg2[%dma_start3A_122, %dma_start3A_123] : memref<10112x16xf32, #tpu.memory_space<hbm>> -> memref<10112x16xf32, #tpu.memory_space<hbm>>
      tpu.enqueue_indirect_dma source(%dma_start3A_124 : memref<10112x16xf32, #tpu.memory_space<hbm>>) target(%dma_start3A_118 : memref<128x16xf32, #tpu.memory_space<vmem>>) offsets(%dma_start3A_121 : memref<128xi32, #tpu.memory_space<vmem>>) semaphore(%arg13 : memref<!tpu.dma_semaphore, #tpu.memory_space<semaphore_mem>>)
      %dma_wait3A = arith.constant 0 : i32
      %dma_wait3A_125 = arith.constant 0 : i32
      %dma_wait3A_126 = tpu.memref_slice %arg9[%dma_wait3A, %dma_wait3A_125] : memref<512x16xf32, #tpu.memory_space<vmem>> -> memref<128x16xf32, #tpu.memory_space<vmem>>
      %dma_wait3A_127 = arith.constant 0 : i32
      %dma_wait3A_128 = tpu.memref_slice %arg7[%add3A_25, %dma_wait3A_127] : memref<80x128xi32, #tpu.memory_space<vmem>> -> memref<1x128xi32, #tpu.memory_space<vmem>>
      %dma_wait3A_129 = tpu.memref_squeeze %dma_wait3A_128 : memref<1x128xi32, #tpu.memory_space<vmem>> -> memref<128xi32, #tpu.memory_space<vmem>>
      %dma_wait3A_130 = arith.constant 0 : i32
      %dma_wait3A_131 = arith.constant 0 : i32
      %dma_wait3A_132 = tpu.memref_slice %arg2[%dma_wait3A_130, %dma_wait3A_131] : memref<10112x16xf32, #tpu.memory_space<hbm>> -> memref<10112x16xf32, #tpu.memory_space<hbm>>
      tpu.wait_indirect_dma semaphore(%arg12 : memref<!tpu.dma_semaphore, #tpu.memory_space<semaphore_mem>>) src(%dma_wait3A_132 : memref<10112x16xf32, #tpu.memory_space<hbm>>) dst(%dma_wait3A_126 : memref<128x16xf32, #tpu.memory_space<vmem>>)
      %dma_wait3A_133 = arith.constant 128 : i32
      %dma_wait3A_134 = arith.constant 0 : i32
      %dma_wait3A_135 = tpu.memref_slice %arg9[%dma_wait3A_133, %dma_wait3A_134] : memref<512x16xf32, #tpu.memory_space<vmem>> -> memref<128x16xf32, #tpu.memory_space<vmem>>
      %dma_wait3A_136 = arith.constant 0 : i32
      %dma_wait3A_137 = tpu.memref_slice %arg7[%add3A_37, %dma_wait3A_136] : memref<80x128xi32, #tpu.memory_space<vmem>> -> memref<1x128xi32, #tpu.memory_space<vmem>>
      %dma_wait3A_138 = tpu.memref_squeeze %dma_wait3A_137 : memref<1x128xi32, #tpu.memory_space<vmem>> -> memref<128xi32, #tpu.memory_space<vmem>>
      %dma_wait3A_139 = arith.constant 0 : i32
      %dma_wait3A_140 = arith.constant 0 : i32
      %dma_wait3A_141 = tpu.memref_slice %arg2[%dma_wait3A_139, %dma_wait3A_140] : memref<10112x16xf32, #tpu.memory_space<hbm>> -> memref<10112x16xf32, #tpu.memory_space<hbm>>
      tpu.wait_indirect_dma semaphore(%arg12 : memref<!tpu.dma_semaphore, #tpu.memory_space<semaphore_mem>>) src(%dma_wait3A_141 : memref<10112x16xf32, #tpu.memory_space<hbm>>) dst(%dma_wait3A_135 : memref<128x16xf32, #tpu.memory_space<vmem>>)
      %dma_wait3A_142 = arith.constant 256 : i32
      %dma_wait3A_143 = arith.constant 0 : i32
      %dma_wait3A_144 = tpu.memref_slice %arg9[%dma_wait3A_142, %dma_wait3A_143] : memref<512x16xf32, #tpu.memory_space<vmem>> -> memref<128x16xf32, #tpu.memory_space<vmem>>
      %dma_wait3A_145 = arith.constant 0 : i32
      %dma_wait3A_146 = tpu.memref_slice %arg7[%add3A_50, %dma_wait3A_145] : memref<80x128xi32, #tpu.memory_space<vmem>> -> memref<1x128xi32, #tpu.memory_space<vmem>>
      %dma_wait3A_147 = tpu.memref_squeeze %dma_wait3A_146 : memref<1x128xi32, #tpu.memory_space<vmem>> -> memref<128xi32, #tpu.memory_space<vmem>>
      %dma_wait3A_148 = arith.constant 0 : i32
      %dma_wait3A_149 = arith.constant 0 : i32
      %dma_wait3A_150 = tpu.memref_slice %arg2[%dma_wait3A_148, %dma_wait3A_149] : memref<10112x16xf32, #tpu.memory_space<hbm>> -> memref<10112x16xf32, #tpu.memory_space<hbm>>
      tpu.wait_indirect_dma semaphore(%arg12 : memref<!tpu.dma_semaphore, #tpu.memory_space<semaphore_mem>>) src(%dma_wait3A_150 : memref<10112x16xf32, #tpu.memory_space<hbm>>) dst(%dma_wait3A_144 : memref<128x16xf32, #tpu.memory_space<vmem>>)
      %dma_wait3A_151 = arith.constant 384 : i32
      %dma_wait3A_152 = arith.constant 0 : i32
      %dma_wait3A_153 = tpu.memref_slice %arg9[%dma_wait3A_151, %dma_wait3A_152] : memref<512x16xf32, #tpu.memory_space<vmem>> -> memref<128x16xf32, #tpu.memory_space<vmem>>
      %dma_wait3A_154 = arith.constant 0 : i32
      %dma_wait3A_155 = tpu.memref_slice %arg7[%add3A_63, %dma_wait3A_154] : memref<80x128xi32, #tpu.memory_space<vmem>> -> memref<1x128xi32, #tpu.memory_space<vmem>>
      %dma_wait3A_156 = tpu.memref_squeeze %dma_wait3A_155 : memref<1x128xi32, #tpu.memory_space<vmem>> -> memref<128xi32, #tpu.memory_space<vmem>>
      %dma_wait3A_157 = arith.constant 0 : i32
      %dma_wait3A_158 = arith.constant 0 : i32
      %dma_wait3A_159 = tpu.memref_slice %arg2[%dma_wait3A_157, %dma_wait3A_158] : memref<10112x16xf32, #tpu.memory_space<hbm>> -> memref<10112x16xf32, #tpu.memory_space<hbm>>
      tpu.wait_indirect_dma semaphore(%arg12 : memref<!tpu.dma_semaphore, #tpu.memory_space<semaphore_mem>>) src(%dma_wait3A_159 : memref<10112x16xf32, #tpu.memory_space<hbm>>) dst(%dma_wait3A_153 : memref<128x16xf32, #tpu.memory_space<vmem>>)
      %mul3A_160 = arith.constant 4 : i32
      %mul3A_161 = arith.muli %mul3A_19, %mul3A_160 : i32
      %add3A_162 = arith.constant 0 : i32
      %add3A_163 = arith.addi %mul3A_161, %add3A_162 : i32
      %dma_start3A_164 = arith.constant 0 : i32
      %dma_start3A_165 = arith.constant 0 : i32
      %dma_start3A_166 = tpu.memref_slice %arg9[%dma_start3A_164, %dma_start3A_165] : memref<512x16xf32, #tpu.memory_space<vmem>> -> memref<128x16xf32, #tpu.memory_space<vmem>>
      %dma_start3A_167 = arith.constant 0 : i32
      %dma_start3A_168 = tpu.memref_slice %arg8[%add3A_163, %dma_start3A_167] : memref<80x128xi32, #tpu.memory_space<vmem>> -> memref<1x128xi32, #tpu.memory_space<vmem>>
      %dma_start3A_169 = tpu.memref_squeeze %dma_start3A_168 : memref<1x128xi32, #tpu.memory_space<vmem>> -> memref<128xi32, #tpu.memory_space<vmem>>
      %dma_start3A_170 = arith.constant 0 : i32
      %dma_start3A_171 = arith.constant 0 : i32
      %dma_start3A_172 = tpu.memref_slice %arg11[%dma_start3A_170, %dma_start3A_171] : memref<10112x16xf32, #tpu.memory_space<vmem_shared>> -> memref<10112x16xf32, #tpu.memory_space<vmem_shared>>
      tpu.enqueue_indirect_dma source(%dma_start3A_166 : memref<128x16xf32, #tpu.memory_space<vmem>>) target(%dma_start3A_172 : memref<10112x16xf32, #tpu.memory_space<vmem_shared>>) offsets(%dma_start3A_169 : memref<128xi32, #tpu.memory_space<vmem>>) semaphore(%arg14 : memref<!tpu.dma_semaphore, #tpu.memory_space<semaphore_mem>>) {add = true}
      %mul3A_173 = arith.constant 4 : i32
      %mul3A_174 = arith.muli %mul3A_19, %mul3A_173 : i32
      %add3A_175 = arith.constant 1 : i32
      %add3A_176 = arith.addi %mul3A_174, %add3A_175 : i32
      %dma_start3A_177 = arith.constant 128 : i32
      %dma_start3A_178 = arith.constant 0 : i32
      %dma_start3A_179 = tpu.memref_slice %arg9[%dma_start3A_177, %dma_start3A_178] : memref<512x16xf32, #tpu.memory_space<vmem>> -> memref<128x16xf32, #tpu.memory_space<vmem>>
      %dma_start3A_180 = arith.constant 0 : i32
      %dma_start3A_181 = tpu.memref_slice %arg8[%add3A_176, %dma_start3A_180] : memref<80x128xi32, #tpu.memory_space<vmem>> -> memref<1x128xi32, #tpu.memory_space<vmem>>
      %dma_start3A_182 = tpu.memref_squeeze %dma_start3A_181 : memref<1x128xi32, #tpu.memory_space<vmem>> -> memref<128xi32, #tpu.memory_space<vmem>>
      %dma_start3A_183 = arith.constant 0 : i32
      %dma_start3A_184 = arith.constant 0 : i32
      %dma_start3A_185 = tpu.memref_slice %arg11[%dma_start3A_183, %dma_start3A_184] : memref<10112x16xf32, #tpu.memory_space<vmem_shared>> -> memref<10112x16xf32, #tpu.memory_space<vmem_shared>>
      tpu.enqueue_indirect_dma source(%dma_start3A_179 : memref<128x16xf32, #tpu.memory_space<vmem>>) target(%dma_start3A_185 : memref<10112x16xf32, #tpu.memory_space<vmem_shared>>) offsets(%dma_start3A_182 : memref<128xi32, #tpu.memory_space<vmem>>) semaphore(%arg14 : memref<!tpu.dma_semaphore, #tpu.memory_space<semaphore_mem>>) {add = true}
      %mul3A_186 = arith.constant 4 : i32
      %mul3A_187 = arith.muli %mul3A_19, %mul3A_186 : i32
      %add3A_188 = arith.constant 2 : i32
      %add3A_189 = arith.addi %mul3A_187, %add3A_188 : i32
      %dma_start3A_190 = arith.constant 256 : i32
      %dma_start3A_191 = arith.constant 0 : i32
      %dma_start3A_192 = tpu.memref_slice %arg9[%dma_start3A_190, %dma_start3A_191] : memref<512x16xf32, #tpu.memory_space<vmem>> -> memref<128x16xf32, #tpu.memory_space<vmem>>
      %dma_start3A_193 = arith.constant 0 : i32
      %dma_start3A_194 = tpu.memref_slice %arg8[%add3A_189, %dma_start3A_193] : memref<80x128xi32, #tpu.memory_space<vmem>> -> memref<1x128xi32, #tpu.memory_space<vmem>>
      %dma_start3A_195 = tpu.memref_squeeze %dma_start3A_194 : memref<1x128xi32, #tpu.memory_space<vmem>> -> memref<128xi32, #tpu.memory_space<vmem>>
      %dma_start3A_196 = arith.constant 0 : i32
      %dma_start3A_197 = arith.constant 0 : i32
      %dma_start3A_198 = tpu.memref_slice %arg11[%dma_start3A_196, %dma_start3A_197] : memref<10112x16xf32, #tpu.memory_space<vmem_shared>> -> memref<10112x16xf32, #tpu.memory_space<vmem_shared>>
      tpu.enqueue_indirect_dma source(%dma_start3A_192 : memref<128x16xf32, #tpu.memory_space<vmem>>) target(%dma_start3A_198 : memref<10112x16xf32, #tpu.memory_space<vmem_shared>>) offsets(%dma_start3A_195 : memref<128xi32, #tpu.memory_space<vmem>>) semaphore(%arg14 : memref<!tpu.dma_semaphore, #tpu.memory_space<semaphore_mem>>) {add = true}
      %mul3A_199 = arith.constant 4 : i32
      %mul3A_200 = arith.muli %mul3A_19, %mul3A_199 : i32
      %add3A_201 = arith.constant 3 : i32
      %add3A_202 = arith.addi %mul3A_200, %add3A_201 : i32
      %dma_start3A_203 = arith.constant 384 : i32
      %dma_start3A_204 = arith.constant 0 : i32
      %dma_start3A_205 = tpu.memref_slice %arg9[%dma_start3A_203, %dma_start3A_204] : memref<512x16xf32, #tpu.memory_space<vmem>> -> memref<128x16xf32, #tpu.memory_space<vmem>>
      %dma_start3A_206 = arith.constant 0 : i32
      %dma_start3A_207 = tpu.memref_slice %arg8[%add3A_202, %dma_start3A_206] : memref<80x128xi32, #tpu.memory_space<vmem>> -> memref<1x128xi32, #tpu.memory_space<vmem>>
      %dma_start3A_208 = tpu.memref_squeeze %dma_start3A_207 : memref<1x128xi32, #tpu.memory_space<vmem>> -> memref<128xi32, #tpu.memory_space<vmem>>
      %dma_start3A_209 = arith.constant 0 : i32
      %dma_start3A_210 = arith.constant 0 : i32
      %dma_start3A_211 = tpu.memref_slice %arg11[%dma_start3A_209, %dma_start3A_210] : memref<10112x16xf32, #tpu.memory_space<vmem_shared>> -> memref<10112x16xf32, #tpu.memory_space<vmem_shared>>
      tpu.enqueue_indirect_dma source(%dma_start3A_205 : memref<128x16xf32, #tpu.memory_space<vmem>>) target(%dma_start3A_211 : memref<10112x16xf32, #tpu.memory_space<vmem_shared>>) offsets(%dma_start3A_208 : memref<128xi32, #tpu.memory_space<vmem>>) semaphore(%arg14 : memref<!tpu.dma_semaphore, #tpu.memory_space<semaphore_mem>>) {add = true}
      %dma_wait3A_212 = arith.constant 0 : i32
      %dma_wait3A_213 = arith.constant 0 : i32
      %dma_wait3A_214 = tpu.memref_slice %arg10[%dma_wait3A_212, %dma_wait3A_213] : memref<512x16xf32, #tpu.memory_space<vmem>> -> memref<128x16xf32, #tpu.memory_space<vmem>>
      %dma_wait3A_215 = arith.constant 0 : i32
      %dma_wait3A_216 = tpu.memref_slice %arg7[%add3A_76, %dma_wait3A_215] : memref<80x128xi32, #tpu.memory_space<vmem>> -> memref<1x128xi32, #tpu.memory_space<vmem>>
      %dma_wait3A_217 = tpu.memref_squeeze %dma_wait3A_216 : memref<1x128xi32, #tpu.memory_space<vmem>> -> memref<128xi32, #tpu.memory_space<vmem>>
      %dma_wait3A_218 = arith.constant 0 : i32
      %dma_wait3A_219 = arith.constant 0 : i32
      %dma_wait3A_220 = tpu.memref_slice %arg2[%dma_wait3A_218, %dma_wait3A_219] : memref<10112x16xf32, #tpu.memory_space<hbm>> -> memref<10112x16xf32, #tpu.memory_space<hbm>>
      tpu.wait_indirect_dma semaphore(%arg13 : memref<!tpu.dma_semaphore, #tpu.memory_space<semaphore_mem>>) src(%dma_wait3A_220 : memref<10112x16xf32, #tpu.memory_space<hbm>>) dst(%dma_wait3A_214 : memref<128x16xf32, #tpu.memory_space<vmem>>)
      %dma_wait3A_221 = arith.constant 128 : i32
      %dma_wait3A_222 = arith.constant 0 : i32
      %dma_wait3A_223 = tpu.memref_slice %arg10[%dma_wait3A_221, %dma_wait3A_222] : memref<512x16xf32, #tpu.memory_space<vmem>> -> memref<128x16xf32, #tpu.memory_space<vmem>>
      %dma_wait3A_224 = arith.constant 0 : i32
      %dma_wait3A_225 = tpu.memref_slice %arg7[%add3A_89, %dma_wait3A_224] : memref<80x128xi32, #tpu.memory_space<vmem>> -> memref<1x128xi32, #tpu.memory_space<vmem>>
      %dma_wait3A_226 = tpu.memref_squeeze %dma_wait3A_225 : memref<1x128xi32, #tpu.memory_space<vmem>> -> memref<128xi32, #tpu.memory_space<vmem>>
      %dma_wait3A_227 = arith.constant 0 : i32
      %dma_wait3A_228 = arith.constant 0 : i32
      %dma_wait3A_229 = tpu.memref_slice %arg2[%dma_wait3A_227, %dma_wait3A_228] : memref<10112x16xf32, #tpu.memory_space<hbm>> -> memref<10112x16xf32, #tpu.memory_space<hbm>>
      tpu.wait_indirect_dma semaphore(%arg13 : memref<!tpu.dma_semaphore, #tpu.memory_space<semaphore_mem>>) src(%dma_wait3A_229 : memref<10112x16xf32, #tpu.memory_space<hbm>>) dst(%dma_wait3A_223 : memref<128x16xf32, #tpu.memory_space<vmem>>)
      %dma_wait3A_230 = arith.constant 256 : i32
      %dma_wait3A_231 = arith.constant 0 : i32
      %dma_wait3A_232 = tpu.memref_slice %arg10[%dma_wait3A_230, %dma_wait3A_231] : memref<512x16xf32, #tpu.memory_space<vmem>> -> memref<128x16xf32, #tpu.memory_space<vmem>>
      %dma_wait3A_233 = arith.constant 0 : i32
      %dma_wait3A_234 = tpu.memref_slice %arg7[%add3A_102, %dma_wait3A_233] : memref<80x128xi32, #tpu.memory_space<vmem>> -> memref<1x128xi32, #tpu.memory_space<vmem>>
      %dma_wait3A_235 = tpu.memref_squeeze %dma_wait3A_234 : memref<1x128xi32, #tpu.memory_space<vmem>> -> memref<128xi32, #tpu.memory_space<vmem>>
      %dma_wait3A_236 = arith.constant 0 : i32
      %dma_wait3A_237 = arith.constant 0 : i32
      %dma_wait3A_238 = tpu.memref_slice %arg2[%dma_wait3A_236, %dma_wait3A_237] : memref<10112x16xf32, #tpu.memory_space<hbm>> -> memref<10112x16xf32, #tpu.memory_space<hbm>>
      tpu.wait_indirect_dma semaphore(%arg13 : memref<!tpu.dma_semaphore, #tpu.memory_space<semaphore_mem>>) src(%dma_wait3A_238 : memref<10112x16xf32, #tpu.memory_space<hbm>>) dst(%dma_wait3A_232 : memref<128x16xf32, #tpu.memory_space<vmem>>)
      %dma_wait3A_239 = arith.constant 384 : i32
      %dma_wait3A_240 = arith.constant 0 : i32
      %dma_wait3A_241 = tpu.memref_slice %arg10[%dma_wait3A_239, %dma_wait3A_240] : memref<512x16xf32, #tpu.memory_space<vmem>> -> memref<128x16xf32, #tpu.memory_space<vmem>>
      %dma_wait3A_242 = arith.constant 0 : i32
      %dma_wait3A_243 = tpu.memref_slice %arg7[%add3A_115, %dma_wait3A_242] : memref<80x128xi32, #tpu.memory_space<vmem>> -> memref<1x128xi32, #tpu.memory_space<vmem>>
      %dma_wait3A_244 = tpu.memref_squeeze %dma_wait3A_243 : memref<1x128xi32, #tpu.memory_space<vmem>> -> memref<128xi32, #tpu.memory_space<vmem>>
      %dma_wait3A_245 = arith.constant 0 : i32
      %dma_wait3A_246 = arith.constant 0 : i32
      %dma_wait3A_247 = tpu.memref_slice %arg2[%dma_wait3A_245, %dma_wait3A_246] : memref<10112x16xf32, #tpu.memory_space<hbm>> -> memref<10112x16xf32, #tpu.memory_space<hbm>>
      tpu.wait_indirect_dma semaphore(%arg13 : memref<!tpu.dma_semaphore, #tpu.memory_space<semaphore_mem>>) src(%dma_wait3A_247 : memref<10112x16xf32, #tpu.memory_space<hbm>>) dst(%dma_wait3A_241 : memref<128x16xf32, #tpu.memory_space<vmem>>)
      %mul3A_248 = arith.constant 4 : i32
      %mul3A_249 = arith.muli %add3A_21, %mul3A_248 : i32
      %add3A_250 = arith.constant 0 : i32
      %add3A_251 = arith.addi %mul3A_249, %add3A_250 : i32
      %dma_start3A_252 = arith.constant 0 : i32
      %dma_start3A_253 = arith.constant 0 : i32
      %dma_start3A_254 = tpu.memref_slice %arg10[%dma_start3A_252, %dma_start3A_253] : memref<512x16xf32, #tpu.memory_space<vmem>> -> memref<128x16xf32, #tpu.memory_space<vmem>>
      %dma_start3A_255 = arith.constant 0 : i32
      %dma_start3A_256 = tpu.memref_slice %arg8[%add3A_251, %dma_start3A_255] : memref<80x128xi32, #tpu.memory_space<vmem>> -> memref<1x128xi32, #tpu.memory_space<vmem>>
      %dma_start3A_257 = tpu.memref_squeeze %dma_start3A_256 : memref<1x128xi32, #tpu.memory_space<vmem>> -> memref<128xi32, #tpu.memory_space<vmem>>
      %dma_start3A_258 = arith.constant 0 : i32
      %dma_start3A_259 = arith.constant 0 : i32
      %dma_start3A_260 = tpu.memref_slice %arg11[%dma_start3A_258, %dma_start3A_259] : memref<10112x16xf32, #tpu.memory_space<vmem_shared>> -> memref<10112x16xf32, #tpu.memory_space<vmem_shared>>
      tpu.enqueue_indirect_dma source(%dma_start3A_254 : memref<128x16xf32, #tpu.memory_space<vmem>>) target(%dma_start3A_260 : memref<10112x16xf32, #tpu.memory_space<vmem_shared>>) offsets(%dma_start3A_257 : memref<128xi32, #tpu.memory_space<vmem>>) semaphore(%arg15 : memref<!tpu.dma_semaphore, #tpu.memory_space<semaphore_mem>>) {add = true}
      %mul3A_261 = arith.constant 4 : i32
      %mul3A_262 = arith.muli %add3A_21, %mul3A_261 : i32
      %add3A_263 = arith.constant 1 : i32
      %add3A_264 = arith.addi %mul3A_262, %add3A_263 : i32
      %dma_start3A_265 = arith.constant 128 : i32
      %dma_start3A_266 = arith.constant 0 : i32
      %dma_start3A_267 = tpu.memref_slice %arg10[%dma_start3A_265, %dma_start3A_266] : memref<512x16xf32, #tpu.memory_space<vmem>> -> memref<128x16xf32, #tpu.memory_space<vmem>>
      %dma_start3A_268 = arith.constant 0 : i32
      %dma_start3A_269 = tpu.memref_slice %arg8[%add3A_264, %dma_start3A_268] : memref<80x128xi32, #tpu.memory_space<vmem>> -> memref<1x128xi32, #tpu.memory_space<vmem>>
      %dma_start3A_270 = tpu.memref_squeeze %dma_start3A_269 : memref<1x128xi32, #tpu.memory_space<vmem>> -> memref<128xi32, #tpu.memory_space<vmem>>
      %dma_start3A_271 = arith.constant 0 : i32
      %dma_start3A_272 = arith.constant 0 : i32
      %dma_start3A_273 = tpu.memref_slice %arg11[%dma_start3A_271, %dma_start3A_272] : memref<10112x16xf32, #tpu.memory_space<vmem_shared>> -> memref<10112x16xf32, #tpu.memory_space<vmem_shared>>
      tpu.enqueue_indirect_dma source(%dma_start3A_267 : memref<128x16xf32, #tpu.memory_space<vmem>>) target(%dma_start3A_273 : memref<10112x16xf32, #tpu.memory_space<vmem_shared>>) offsets(%dma_start3A_270 : memref<128xi32, #tpu.memory_space<vmem>>) semaphore(%arg15 : memref<!tpu.dma_semaphore, #tpu.memory_space<semaphore_mem>>) {add = true}
      %mul3A_274 = arith.constant 4 : i32
      %mul3A_275 = arith.muli %add3A_21, %mul3A_274 : i32
      %add3A_276 = arith.constant 2 : i32
      %add3A_277 = arith.addi %mul3A_275, %add3A_276 : i32
      %dma_start3A_278 = arith.constant 256 : i32
      %dma_start3A_279 = arith.constant 0 : i32
      %dma_start3A_280 = tpu.memref_slice %arg10[%dma_start3A_278, %dma_start3A_279] : memref<512x16xf32, #tpu.memory_space<vmem>> -> memref<128x16xf32, #tpu.memory_space<vmem>>
      %dma_start3A_281 = arith.constant 0 : i32
      %dma_start3A_282 = tpu.memref_slice %arg8[%add3A_277, %dma_start3A_281] : memref<80x128xi32, #tpu.memory_space<vmem>> -> memref<1x128xi32, #tpu.memory_space<vmem>>
      %dma_start3A_283 = tpu.memref_squeeze %dma_start3A_282 : memref<1x128xi32, #tpu.memory_space<vmem>> -> memref<128xi32, #tpu.memory_space<vmem>>
      %dma_start3A_284 = arith.constant 0 : i32
      %dma_start3A_285 = arith.constant 0 : i32
      %dma_start3A_286 = tpu.memref_slice %arg11[%dma_start3A_284, %dma_start3A_285] : memref<10112x16xf32, #tpu.memory_space<vmem_shared>> -> memref<10112x16xf32, #tpu.memory_space<vmem_shared>>
      tpu.enqueue_indirect_dma source(%dma_start3A_280 : memref<128x16xf32, #tpu.memory_space<vmem>>) target(%dma_start3A_286 : memref<10112x16xf32, #tpu.memory_space<vmem_shared>>) offsets(%dma_start3A_283 : memref<128xi32, #tpu.memory_space<vmem>>) semaphore(%arg15 : memref<!tpu.dma_semaphore, #tpu.memory_space<semaphore_mem>>) {add = true}
      %mul3A_287 = arith.constant 4 : i32
      %mul3A_288 = arith.muli %add3A_21, %mul3A_287 : i32
      %add3A_289 = arith.constant 3 : i32
      %add3A_290 = arith.addi %mul3A_288, %add3A_289 : i32
      %dma_start3A_291 = arith.constant 384 : i32
      %dma_start3A_292 = arith.constant 0 : i32
      %dma_start3A_293 = tpu.memref_slice %arg10[%dma_start3A_291, %dma_start3A_292] : memref<512x16xf32, #tpu.memory_space<vmem>> -> memref<128x16xf32, #tpu.memory_space<vmem>>
      %dma_start3A_294 = arith.constant 0 : i32
      %dma_start3A_295 = tpu.memref_slice %arg8[%add3A_290, %dma_start3A_294] : memref<80x128xi32, #tpu.memory_space<vmem>> -> memref<1x128xi32, #tpu.memory_space<vmem>>
      %dma_start3A_296 = tpu.memref_squeeze %dma_start3A_295 : memref<1x128xi32, #tpu.memory_space<vmem>> -> memref<128xi32, #tpu.memory_space<vmem>>
      %dma_start3A_297 = arith.constant 0 : i32
      %dma_start3A_298 = arith.constant 0 : i32
      %dma_start3A_299 = tpu.memref_slice %arg11[%dma_start3A_297, %dma_start3A_298] : memref<10112x16xf32, #tpu.memory_space<vmem_shared>> -> memref<10112x16xf32, #tpu.memory_space<vmem_shared>>
      tpu.enqueue_indirect_dma source(%dma_start3A_293 : memref<128x16xf32, #tpu.memory_space<vmem>>) target(%dma_start3A_299 : memref<10112x16xf32, #tpu.memory_space<vmem_shared>>) offsets(%dma_start3A_296 : memref<128xi32, #tpu.memory_space<vmem>>) semaphore(%arg15 : memref<!tpu.dma_semaphore, #tpu.memory_space<semaphore_mem>>) {add = true}
      %dma_wait3A_300 = arith.constant 0 : i32
      %dma_wait3A_301 = arith.constant 0 : i32
      %dma_wait3A_302 = tpu.memref_slice %arg9[%dma_wait3A_300, %dma_wait3A_301] : memref<512x16xf32, #tpu.memory_space<vmem>> -> memref<128x16xf32, #tpu.memory_space<vmem>>
      %dma_wait3A_303 = arith.constant 0 : i32
      %dma_wait3A_304 = tpu.memref_slice %arg8[%add3A_163, %dma_wait3A_303] : memref<80x128xi32, #tpu.memory_space<vmem>> -> memref<1x128xi32, #tpu.memory_space<vmem>>
      %dma_wait3A_305 = tpu.memref_squeeze %dma_wait3A_304 : memref<1x128xi32, #tpu.memory_space<vmem>> -> memref<128xi32, #tpu.memory_space<vmem>>
      %dma_wait3A_306 = arith.constant 0 : i32
      %dma_wait3A_307 = arith.constant 0 : i32
      %dma_wait3A_308 = tpu.memref_slice %arg11[%dma_wait3A_306, %dma_wait3A_307] : memref<10112x16xf32, #tpu.memory_space<vmem_shared>> -> memref<10112x16xf32, #tpu.memory_space<vmem_shared>>
      tpu.wait_indirect_dma semaphore(%arg14 : memref<!tpu.dma_semaphore, #tpu.memory_space<semaphore_mem>>) src(%dma_wait3A_302 : memref<128x16xf32, #tpu.memory_space<vmem>>) dst(%dma_wait3A_308 : memref<10112x16xf32, #tpu.memory_space<vmem_shared>>)
      %dma_wait3A_309 = arith.constant 128 : i32
      %dma_wait3A_310 = arith.constant 0 : i32
      %dma_wait3A_311 = tpu.memref_slice %arg9[%dma_wait3A_309, %dma_wait3A_310] : memref<512x16xf32, #tpu.memory_space<vmem>> -> memref<128x16xf32, #tpu.memory_space<vmem>>
      %dma_wait3A_312 = arith.constant 0 : i32
      %dma_wait3A_313 = tpu.memref_slice %arg8[%add3A_176, %dma_wait3A_312] : memref<80x128xi32, #tpu.memory_space<vmem>> -> memref<1x128xi32, #tpu.memory_space<vmem>>
      %dma_wait3A_314 = tpu.memref_squeeze %dma_wait3A_313 : memref<1x128xi32, #tpu.memory_space<vmem>> -> memref<128xi32, #tpu.memory_space<vmem>>
      %dma_wait3A_315 = arith.constant 0 : i32
      %dma_wait3A_316 = arith.constant 0 : i32
      %dma_wait3A_317 = tpu.memref_slice %arg11[%dma_wait3A_315, %dma_wait3A_316] : memref<10112x16xf32, #tpu.memory_space<vmem_shared>> -> memref<10112x16xf32, #tpu.memory_space<vmem_shared>>
      tpu.wait_indirect_dma semaphore(%arg14 : memref<!tpu.dma_semaphore, #tpu.memory_space<semaphore_mem>>) src(%dma_wait3A_311 : memref<128x16xf32, #tpu.memory_space<vmem>>) dst(%dma_wait3A_317 : memref<10112x16xf32, #tpu.memory_space<vmem_shared>>)
      %dma_wait3A_318 = arith.constant 256 : i32
      %dma_wait3A_319 = arith.constant 0 : i32
      %dma_wait3A_320 = tpu.memref_slice %arg9[%dma_wait3A_318, %dma_wait3A_319] : memref<512x16xf32, #tpu.memory_space<vmem>> -> memref<128x16xf32, #tpu.memory_space<vmem>>
      %dma_wait3A_321 = arith.constant 0 : i32
      %dma_wait3A_322 = tpu.memref_slice %arg8[%add3A_189, %dma_wait3A_321] : memref<80x128xi32, #tpu.memory_space<vmem>> -> memref<1x128xi32, #tpu.memory_space<vmem>>
      %dma_wait3A_323 = tpu.memref_squeeze %dma_wait3A_322 : memref<1x128xi32, #tpu.memory_space<vmem>> -> memref<128xi32, #tpu.memory_space<vmem>>
      %dma_wait3A_324 = arith.constant 0 : i32
      %dma_wait3A_325 = arith.constant 0 : i32
      %dma_wait3A_326 = tpu.memref_slice %arg11[%dma_wait3A_324, %dma_wait3A_325] : memref<10112x16xf32, #tpu.memory_space<vmem_shared>> -> memref<10112x16xf32, #tpu.memory_space<vmem_shared>>
      tpu.wait_indirect_dma semaphore(%arg14 : memref<!tpu.dma_semaphore, #tpu.memory_space<semaphore_mem>>) src(%dma_wait3A_320 : memref<128x16xf32, #tpu.memory_space<vmem>>) dst(%dma_wait3A_326 : memref<10112x16xf32, #tpu.memory_space<vmem_shared>>)
      %dma_wait3A_327 = arith.constant 384 : i32
      %dma_wait3A_328 = arith.constant 0 : i32
      %dma_wait3A_329 = tpu.memref_slice %arg9[%dma_wait3A_327, %dma_wait3A_328] : memref<512x16xf32, #tpu.memory_space<vmem>> -> memref<128x16xf32, #tpu.memory_space<vmem>>
      %dma_wait3A_330 = arith.constant 0 : i32
      %dma_wait3A_331 = tpu.memref_slice %arg8[%add3A_202, %dma_wait3A_330] : memref<80x128xi32, #tpu.memory_space<vmem>> -> memref<1x128xi32, #tpu.memory_space<vmem>>
      %dma_wait3A_332 = tpu.memref_squeeze %dma_wait3A_331 : memref<1x128xi32, #tpu.memory_space<vmem>> -> memref<128xi32, #tpu.memory_space<vmem>>
      %dma_wait3A_333 = arith.constant 0 : i32
      %dma_wait3A_334 = arith.constant 0 : i32
      %dma_wait3A_335 = tpu.memref_slice %arg11[%dma_wait3A_333, %dma_wait3A_334] : memref<10112x16xf32, #tpu.memory_space<vmem_shared>> -> memref<10112x16xf32, #tpu.memory_space<vmem_shared>>
      tpu.wait_indirect_dma semaphore(%arg14 : memref<!tpu.dma_semaphore, #tpu.memory_space<semaphore_mem>>) src(%dma_wait3A_329 : memref<128x16xf32, #tpu.memory_space<vmem>>) dst(%dma_wait3A_335 : memref<10112x16xf32, #tpu.memory_space<vmem_shared>>)
      %dma_wait3A_336 = arith.constant 0 : i32
      %dma_wait3A_337 = arith.constant 0 : i32
      %dma_wait3A_338 = tpu.memref_slice %arg10[%dma_wait3A_336, %dma_wait3A_337] : memref<512x16xf32, #tpu.memory_space<vmem>> -> memref<128x16xf32, #tpu.memory_space<vmem>>
      %dma_wait3A_339 = arith.constant 0 : i32
      %dma_wait3A_340 = tpu.memref_slice %arg8[%add3A_251, %dma_wait3A_339] : memref<80x128xi32, #tpu.memory_space<vmem>> -> memref<1x128xi32, #tpu.memory_space<vmem>>
      %dma_wait3A_341 = tpu.memref_squeeze %dma_wait3A_340 : memref<1x128xi32, #tpu.memory_space<vmem>> -> memref<128xi32, #tpu.memory_space<vmem>>
      %dma_wait3A_342 = arith.constant 0 : i32
      %dma_wait3A_343 = arith.constant 0 : i32
      %dma_wait3A_344 = tpu.memref_slice %arg11[%dma_wait3A_342, %dma_wait3A_343] : memref<10112x16xf32, #tpu.memory_space<vmem_shared>> -> memref<10112x16xf32, #tpu.memory_space<vmem_shared>>
      tpu.wait_indirect_dma semaphore(%arg15 : memref<!tpu.dma_semaphore, #tpu.memory_space<semaphore_mem>>) src(%dma_wait3A_338 : memref<128x16xf32, #tpu.memory_space<vmem>>) dst(%dma_wait3A_344 : memref<10112x16xf32, #tpu.memory_space<vmem_shared>>)
      %dma_wait3A_345 = arith.constant 128 : i32
      %dma_wait3A_346 = arith.constant 0 : i32
      %dma_wait3A_347 = tpu.memref_slice %arg10[%dma_wait3A_345, %dma_wait3A_346] : memref<512x16xf32, #tpu.memory_space<vmem>> -> memref<128x16xf32, #tpu.memory_space<vmem>>
      %dma_wait3A_348 = arith.constant 0 : i32
      %dma_wait3A_349 = tpu.memref_slice %arg8[%add3A_264, %dma_wait3A_348] : memref<80x128xi32, #tpu.memory_space<vmem>> -> memref<1x128xi32, #tpu.memory_space<vmem>>
      %dma_wait3A_350 = tpu.memref_squeeze %dma_wait3A_349 : memref<1x128xi32, #tpu.memory_space<vmem>> -> memref<128xi32, #tpu.memory_space<vmem>>
      %dma_wait3A_351 = arith.constant 0 : i32
      %dma_wait3A_352 = arith.constant 0 : i32
      %dma_wait3A_353 = tpu.memref_slice %arg11[%dma_wait3A_351, %dma_wait3A_352] : memref<10112x16xf32, #tpu.memory_space<vmem_shared>> -> memref<10112x16xf32, #tpu.memory_space<vmem_shared>>
      tpu.wait_indirect_dma semaphore(%arg15 : memref<!tpu.dma_semaphore, #tpu.memory_space<semaphore_mem>>) src(%dma_wait3A_347 : memref<128x16xf32, #tpu.memory_space<vmem>>) dst(%dma_wait3A_353 : memref<10112x16xf32, #tpu.memory_space<vmem_shared>>)
      %dma_wait3A_354 = arith.constant 256 : i32
      %dma_wait3A_355 = arith.constant 0 : i32
      %dma_wait3A_356 = tpu.memref_slice %arg10[%dma_wait3A_354, %dma_wait3A_355] : memref<512x16xf32, #tpu.memory_space<vmem>> -> memref<128x16xf32, #tpu.memory_space<vmem>>
      %dma_wait3A_357 = arith.constant 0 : i32
      %dma_wait3A_358 = tpu.memref_slice %arg8[%add3A_277, %dma_wait3A_357] : memref<80x128xi32, #tpu.memory_space<vmem>> -> memref<1x128xi32, #tpu.memory_space<vmem>>
      %dma_wait3A_359 = tpu.memref_squeeze %dma_wait3A_358 : memref<1x128xi32, #tpu.memory_space<vmem>> -> memref<128xi32, #tpu.memory_space<vmem>>
      %dma_wait3A_360 = arith.constant 0 : i32
      %dma_wait3A_361 = arith.constant 0 : i32
      %dma_wait3A_362 = tpu.memref_slice %arg11[%dma_wait3A_360, %dma_wait3A_361] : memref<10112x16xf32, #tpu.memory_space<vmem_shared>> -> memref<10112x16xf32, #tpu.memory_space<vmem_shared>>
      tpu.wait_indirect_dma semaphore(%arg15 : memref<!tpu.dma_semaphore, #tpu.memory_space<semaphore_mem>>) src(%dma_wait3A_356 : memref<128x16xf32, #tpu.memory_space<vmem>>) dst(%dma_wait3A_362 : memref<10112x16xf32, #tpu.memory_space<vmem_shared>>)
      %dma_wait3A_363 = arith.constant 384 : i32
      %dma_wait3A_364 = arith.constant 0 : i32
      %dma_wait3A_365 = tpu.memref_slice %arg10[%dma_wait3A_363, %dma_wait3A_364] : memref<512x16xf32, #tpu.memory_space<vmem>> -> memref<128x16xf32, #tpu.memory_space<vmem>>
      %dma_wait3A_366 = arith.constant 0 : i32
      %dma_wait3A_367 = tpu.memref_slice %arg8[%add3A_290, %dma_wait3A_366] : memref<80x128xi32, #tpu.memory_space<vmem>> -> memref<1x128xi32, #tpu.memory_space<vmem>>
      %dma_wait3A_368 = tpu.memref_squeeze %dma_wait3A_367 : memref<1x128xi32, #tpu.memory_space<vmem>> -> memref<128xi32, #tpu.memory_space<vmem>>
      %dma_wait3A_369 = arith.constant 0 : i32
      %dma_wait3A_370 = arith.constant 0 : i32
      %dma_wait3A_371 = tpu.memref_slice %arg11[%dma_wait3A_369, %dma_wait3A_370] : memref<10112x16xf32, #tpu.memory_space<vmem_shared>> -> memref<10112x16xf32, #tpu.memory_space<vmem_shared>>
      tpu.wait_indirect_dma semaphore(%arg15 : memref<!tpu.dma_semaphore, #tpu.memory_space<semaphore_mem>>) src(%dma_wait3A_365 : memref<128x16xf32, #tpu.memory_space<vmem>>) dst(%dma_wait3A_371 : memref<10112x16xf32, #tpu.memory_space<vmem_shared>>)
    }
    %scan3A_11 = arith.constant 10 : i32
    %barrier3A_12 = arith.constant 0 : index
    tpu.barrier barrier_id(%barrier3A_12)
    %mul3A_13 = arith.constant 632 : i32
    %mul3A_14 = arith.muli %arg1, %mul3A_13 : i32
    %mul3A_15 = arith.constant 632 : i32
    %mul3A_16 = arith.muli %arg1, %mul3A_15 : i32
    "tpu.region"() ({
      %run_scoped3A = tpu.sem_alloc : memref<!tpu.dma_semaphore, #tpu.memory_space<semaphore_mem>>
      %dma_start3A = arith.constant 0 : i32
      %dma_start3A_17 = tpu.memref_slice %arg6[%arg0, %mul3A_16, %dma_start3A] : memref<2x10112x16xf32, #tpu.memory_space<hbm>> -> memref<1x632x16xf32, #tpu.memory_space<hbm>>
      %dma_start3A_18 = tpu.memref_squeeze %dma_start3A_17 : memref<1x632x16xf32, #tpu.memory_space<hbm>> -> memref<632x16xf32, #tpu.memory_space<hbm>>
      %dma_start3A_19 = arith.constant 0 : i32
      %dma_start3A_20 = tpu.memref_slice %arg11[%mul3A_14, %dma_start3A_19] : memref<10112x16xf32, #tpu.memory_space<vmem_shared>> -> memref<632x16xf32, #tpu.memory_space<vmem_shared>>
      tpu.enqueue_dma source(%dma_start3A_20 : memref<632x16xf32, #tpu.memory_space<vmem_shared>>) target(%dma_start3A_18 : memref<632x16xf32, #tpu.memory_space<hbm>>) target_semaphore(%run_scoped3A : memref<!tpu.dma_semaphore, #tpu.memory_space<semaphore_mem>>)
      %dma_wait3A = arith.constant 0 : i32
      %dma_wait3A_21 = tpu.memref_slice %arg6[%arg0, %mul3A_16, %dma_wait3A] : memref<2x10112x16xf32, #tpu.memory_space<hbm>> -> memref<1x632x16xf32, #tpu.memory_space<hbm>>
      %dma_wait3A_22 = tpu.memref_squeeze %dma_wait3A_21 : memref<1x632x16xf32, #tpu.memory_space<hbm>> -> memref<632x16xf32, #tpu.memory_space<hbm>>
      %dma_wait3A_23 = arith.constant 0 : i32
      %dma_wait3A_24 = tpu.memref_slice %arg11[%mul3A_14, %dma_wait3A_23] : memref<10112x16xf32, #tpu.memory_space<vmem_shared>> -> memref<632x16xf32, #tpu.memory_space<vmem_shared>>
      tpu.wait_dma2 semaphore(%run_scoped3A : memref<!tpu.dma_semaphore, #tpu.memory_space<semaphore_mem>>) src(%dma_wait3A_24 : memref<632x16xf32, #tpu.memory_space<vmem_shared>>) dst(%dma_wait3A_22 : memref<632x16xf32, #tpu.memory_space<hbm>>)
      tpu.yield
    }) : () -> ()
    return
  }
}

module attributes {stable_mosaic.version = 14 : i64} {
  func.func @_t1_body(%arg0: memref<10112x128xf32, #tpu.memory_space<vmem>>, %arg1: memref<128x16xf32, #tpu.memory_space<vmem>>, %arg2: memref<2x10112x16xf32, #tpu.memory_space<vmem>>, %arg3: memref<10112x16xf32, #tpu.memory_space<vmem>>, %arg4: memref<10112x16xf32, #tpu.memory_space<vmem>>) attributes {dimension_semantics = [], scalar_prefetch = 0 : i64, scratch_operands = 0 : i64, tpu.core_type = #tpu.core_type<tc>} {
    %get3A = arith.constant 0 : index
    %get3A_0 = arith.constant 0 : index
    %get3A_1 = arith.constant 0 : index
    %get3A_2 = vector.load %arg2[%get3A, %get3A_0, %get3A_1] : memref<2x10112x16xf32, #tpu.memory_space<vmem>>, vector<1x10112x16xf32>
    %get3A_3 = vector.shape_cast %get3A_2 : vector<1x10112x16xf32> to vector<10112x16xf32>
    %get3A_4 = arith.constant 1 : index
    %get3A_5 = arith.constant 0 : index
    %get3A_6 = arith.constant 0 : index
    %get3A_7 = vector.load %arg2[%get3A_4, %get3A_5, %get3A_6] : memref<2x10112x16xf32, #tpu.memory_space<vmem>>, vector<1x10112x16xf32>
    %get3A_8 = vector.shape_cast %get3A_7 : vector<1x10112x16xf32> to vector<10112x16xf32>
    %add3A = arith.addf %get3A_3, %get3A_8 : vector<10112x16xf32>
    %add3A_9 = arith.constant 1.000000e+00 : f32
    %add3A_10 = vector.broadcast %add3A_9 : f32 to vector<10112x16xf32>
    %add3A_11 = arith.addf %add3A, %add3A_10 : vector<10112x16xf32>
    %rsqrt3A = math.rsqrt %add3A_11 : vector<10112x16xf32>
    %get3A_12 = arith.constant 0 : index
    %get3A_13 = arith.constant 0 : index
    %get3A_14 = vector.load %arg0[%get3A_12, %get3A_13] : memref<10112x128xf32, #tpu.memory_space<vmem>>, vector<10112x128xf32>
    %get3A_15 = arith.constant 0 : index
    %get3A_16 = arith.constant 0 : index
    %get3A_17 = vector.load %arg1[%get3A_15, %get3A_16] : memref<128x16xf32, #tpu.memory_space<vmem>>, vector<128x16xf32>
    %dot_general3A = arith.constant dense<0.000000e+00> : vector<10112x16xf32>
    %dot_general3A_18 = tpu.matmul %get3A_14, %get3A_17, %dot_general3A {dimension_numbers = #tpu.dot_dimension_numbers<[1], [0], [0], [1], [0, 0, 1, 1], [], []>, transpose_lhs_hint = false} : vector<10112x128xf32>, vector<128x16xf32>, vector<10112x16xf32> -> vector<10112x16xf32>
    %iota3A = tpu.iota {dimensions = array<i32: 0>} : vector<10112x16xi32>
    %lt3A = arith.constant 10000 : i32
    %lt3A_19 = vector.broadcast %lt3A : i32 to vector<10112x16xi32>
    %lt3A_20 = arith.cmpi slt, %iota3A, %lt3A_19 : vector<10112x16xi32>
    %mul3A = arith.mulf %dot_general3A_18, %rsqrt3A : vector<10112x16xf32>
    %jit3A = arith.constant 0.000000e+00 : f32
    %broadcast_in_dim3A = vector.broadcast %jit3A : f32 to vector<10112x16xf32>
    %select_n3A = arith.select %lt3A_20, %mul3A, %broadcast_in_dim3A : vector<10112x16xi1>, vector<10112x16xf32>
    %swap3A = arith.constant 0 : index
    %swap3A_21 = arith.constant 0 : index
    %swap3A_22 = vector.load %arg3[%swap3A, %swap3A_21] : memref<10112x16xf32, #tpu.memory_space<vmem>>, vector<10112x16xf32>
    tpu.vector_store %arg3[%swap3A, %swap3A_21], %select_n3A {strides = array<i32>} : memref<10112x16xf32, #tpu.memory_space<vmem>>, vector<10112x16xf32>,
    %jit3A_23 = arith.constant 0.000000e+00 : f32
    %broadcast_in_dim3A_24 = vector.broadcast %jit3A_23 : f32 to vector<10112x16xf32>
    %select_n3A_25 = arith.select %lt3A_20, %rsqrt3A, %broadcast_in_dim3A_24 : vector<10112x16xi1>, vector<10112x16xf32>
    %swap3A_26 = arith.constant 0 : index
    %swap3A_27 = arith.constant 0 : index
    %swap3A_28 = vector.load %arg4[%swap3A_26, %swap3A_27] : memref<10112x16xf32, #tpu.memory_space<vmem>>, vector<10112x16xf32>
    tpu.vector_store %arg4[%swap3A_26, %swap3A_27], %select_n3A_25 {strides = array<i32>} : memref<10112x16xf32, #tpu.memory_space<vmem>>, vector<10112x16xf32>,
    return
  }
}

module attributes {stable_mosaic.version = 14 : i64} {
  func.func @_t2_body(%arg0: memref<2x10112x16xf32, #tpu.memory_space<vmem>>, %arg1: memref<10112x16xf32, #tpu.memory_space<vmem>>, %arg2: memref<10112x16xf32, #tpu.memory_space<vmem>>, %arg3: memref<16x16xf32, #tpu.memory_space<vmem>>, %arg4: memref<1x16xf32, #tpu.memory_space<vmem>>, %arg5: memref<10112x16xf32, #tpu.memory_space<vmem>>) attributes {dimension_semantics = [], scalar_prefetch = 0 : i64, scratch_operands = 0 : i64, tpu.core_type = #tpu.core_type<tc>} {
    %get3A = arith.constant 0 : index
    %get3A_0 = arith.constant 0 : index
    %get3A_1 = arith.constant 0 : index
    %get3A_2 = vector.load %arg0[%get3A, %get3A_0, %get3A_1] : memref<2x10112x16xf32, #tpu.memory_space<vmem>>, vector<1x10112x16xf32>
    %get3A_3 = vector.shape_cast %get3A_2 : vector<1x10112x16xf32> to vector<10112x16xf32>
    %get3A_4 = arith.constant 1 : index
    %get3A_5 = arith.constant 0 : index
    %get3A_6 = arith.constant 0 : index
    %get3A_7 = vector.load %arg0[%get3A_4, %get3A_5, %get3A_6] : memref<2x10112x16xf32, #tpu.memory_space<vmem>>, vector<1x10112x16xf32>
    %get3A_8 = vector.shape_cast %get3A_7 : vector<1x10112x16xf32> to vector<10112x16xf32>
    %add3A = arith.addf %get3A_3, %get3A_8 : vector<10112x16xf32>
    %get3A_9 = arith.constant 0 : index
    %get3A_10 = arith.constant 0 : index
    %get3A_11 = vector.load %arg2[%get3A_9, %get3A_10] : memref<10112x16xf32, #tpu.memory_space<vmem>>, vector<10112x16xf32>
    %get3A_12 = arith.constant 0 : index
    %get3A_13 = arith.constant 0 : index
    %get3A_14 = vector.load %arg1[%get3A_12, %get3A_13] : memref<10112x16xf32, #tpu.memory_space<vmem>>, vector<10112x16xf32>
    %add3A_15 = arith.addf %add3A, %get3A_14 : vector<10112x16xf32>
    %mul3A = arith.mulf %get3A_11, %add3A_15 : vector<10112x16xf32>
    %get3A_16 = arith.constant 0 : index
    %get3A_17 = arith.constant 0 : index
    %get3A_18 = vector.load %arg4[%get3A_16, %get3A_17] : memref<1x16xf32, #tpu.memory_space<vmem>>, vector<1x16xf32>
    %add3A_19 = vector.broadcast %get3A_18 : vector<1x16xf32> to vector<10112x16xf32>
    %add3A_20 = arith.addf %mul3A, %add3A_19 : vector<10112x16xf32>
    %max3A = arith.constant 0.000000e+00 : f32
    %max3A_21 = vector.broadcast %max3A : f32 to vector<10112x16xf32>
    %max3A_22 = arith.maximumf %add3A_20, %max3A_21 : vector<10112x16xf32>
    %get3A_23 = arith.constant 0 : index
    %get3A_24 = arith.constant 0 : index
    %get3A_25 = vector.load %arg3[%get3A_23, %get3A_24] : memref<16x16xf32, #tpu.memory_space<vmem>>, vector<16x16xf32>
    %dot_general3A = arith.constant dense<0.000000e+00> : vector<10112x16xf32>
    %dot_general3A_26 = tpu.matmul %max3A_22, %get3A_25, %dot_general3A {dimension_numbers = #tpu.dot_dimension_numbers<[1], [0], [0], [1], [0, 0, 1, 1], [], []>, transpose_lhs_hint = false} : vector<10112x16xf32>, vector<16x16xf32>, vector<10112x16xf32> -> vector<10112x16xf32>
    %iota3A = tpu.iota {dimensions = array<i32: 0>} : vector<10112x16xi32>
    %lt3A = arith.constant 10000 : i32
    %lt3A_27 = vector.broadcast %lt3A : i32 to vector<10112x16xi32>
    %lt3A_28 = arith.cmpi slt, %iota3A, %lt3A_27 : vector<10112x16xi32>
    %mul3A_29 = arith.mulf %dot_general3A_26, %get3A_11 : vector<10112x16xf32>
    %jit3A = arith.constant 0.000000e+00 : f32
    %broadcast_in_dim3A = vector.broadcast %jit3A : f32 to vector<10112x16xf32>
    %select_n3A = arith.select %lt3A_28, %mul3A_29, %broadcast_in_dim3A : vector<10112x16xi1>, vector<10112x16xf32>
    %swap3A = arith.constant 0 : index
    %swap3A_30 = arith.constant 0 : index
    %swap3A_31 = vector.load %arg5[%swap3A, %swap3A_30] : memref<10112x16xf32, #tpu.memory_space<vmem>>, vector<10112x16xf32>
    tpu.vector_store %arg5[%swap3A, %swap3A_30], %select_n3A {strides = array<i32>} : memref<10112x16xf32, #tpu.memory_space<vmem>>, vector<10112x16xf32>,
    return
  }
}

module attributes {stable_mosaic.version = 14 : i64} {
  func.func @_t3_body(%arg0: memref<2x10112x16xf32, #tpu.memory_space<vmem>>, %arg1: memref<10112x16xf32, #tpu.memory_space<vmem>>, %arg2: memref<10112x16xf32, #tpu.memory_space<vmem>>, %arg3: memref<1x16xf32, #tpu.memory_space<vmem>>, %arg4: memref<1x10112xi32, #tpu.memory_space<vmem>>, %arg5: memref<16x2xf32, #tpu.memory_space<vmem>>, %arg6: memref<1x2xf32, #tpu.memory_space<vmem>>, %arg7: memref<64x2xf32, #tpu.memory_space<vmem>>) attributes {dimension_semantics = [], scalar_prefetch = 0 : i64, scratch_operands = 0 : i64, tpu.core_type = #tpu.core_type<tc>} {
    %get3A = arith.constant 0 : index
    %get3A_0 = arith.constant 0 : index
    %get3A_1 = arith.constant 0 : index
    %get3A_2 = vector.load %arg0[%get3A, %get3A_0, %get3A_1] : memref<2x10112x16xf32, #tpu.memory_space<vmem>>, vector<1x10112x16xf32>
    %get3A_3 = vector.shape_cast %get3A_2 : vector<1x10112x16xf32> to vector<10112x16xf32>
    %get3A_4 = arith.constant 1 : index
    %get3A_5 = arith.constant 0 : index
    %get3A_6 = arith.constant 0 : index
    %get3A_7 = vector.load %arg0[%get3A_4, %get3A_5, %get3A_6] : memref<2x10112x16xf32, #tpu.memory_space<vmem>>, vector<1x10112x16xf32>
    %get3A_8 = vector.shape_cast %get3A_7 : vector<1x10112x16xf32> to vector<10112x16xf32>
    %add3A = arith.addf %get3A_3, %get3A_8 : vector<10112x16xf32>
    %get3A_9 = arith.constant 0 : index
    %get3A_10 = arith.constant 0 : index
    %get3A_11 = vector.load %arg2[%get3A_9, %get3A_10] : memref<10112x16xf32, #tpu.memory_space<vmem>>, vector<10112x16xf32>
    %get3A_12 = arith.constant 0 : index
    %get3A_13 = arith.constant 0 : index
    %get3A_14 = vector.load %arg1[%get3A_12, %get3A_13] : memref<10112x16xf32, #tpu.memory_space<vmem>>, vector<10112x16xf32>
    %add3A_15 = arith.addf %add3A, %get3A_14 : vector<10112x16xf32>
    %mul3A = arith.mulf %get3A_11, %add3A_15 : vector<10112x16xf32>
    %get3A_16 = arith.constant 0 : index
    %get3A_17 = arith.constant 0 : index
    %get3A_18 = vector.load %arg3[%get3A_16, %get3A_17] : memref<1x16xf32, #tpu.memory_space<vmem>>, vector<1x16xf32>
    %add3A_19 = vector.broadcast %get3A_18 : vector<1x16xf32> to vector<10112x16xf32>
    %add3A_20 = arith.addf %mul3A, %add3A_19 : vector<10112x16xf32>
    %max3A = arith.constant 0.000000e+00 : f32
    %max3A_21 = vector.broadcast %max3A : f32 to vector<10112x16xf32>
    %max3A_22 = arith.maximumf %add3A_20, %max3A_21 : vector<10112x16xf32>
    %iota3A = tpu.iota {dimensions = array<i32: 0>} : vector<64x10112xi32>
    %get3A_23 = arith.constant 0 : index
    %get3A_24 = arith.constant 0 : index
    %get3A_25 = vector.load %arg4[%get3A_23, %get3A_24] : memref<1x10112xi32, #tpu.memory_space<vmem>>, vector<1x10112xi32>
    %eq3A = vector.broadcast %get3A_25 : vector<1x10112xi32> to vector<64x10112xi32>
    %eq3A_26 = arith.cmpi eq, %iota3A, %eq3A : vector<64x10112xi32>
    %jit3A = arith.constant 1.000000e+00 : f32
    %jit3A_27 = arith.constant 0.000000e+00 : f32
    %broadcast_in_dim3A = vector.broadcast %jit3A : f32 to vector<64x10112xf32>
    %broadcast_in_dim3A_28 = vector.broadcast %jit3A_27 : f32 to vector<64x10112xf32>
    %select_n3A = arith.select %eq3A_26, %broadcast_in_dim3A, %broadcast_in_dim3A_28 : vector<64x10112xi1>, vector<64x10112xf32>
    %dot_general3A = arith.constant dense<0.000000e+00> : vector<64x16xf32>
    %dot_general3A_29 = tpu.matmul %select_n3A, %max3A_22, %dot_general3A {dimension_numbers = #tpu.dot_dimension_numbers<[1], [0], [0], [1], [0, 0, 1, 1], [], []>, transpose_lhs_hint = false} : vector<64x10112xf32>, vector<10112x16xf32>, vector<64x16xf32> -> vector<64x16xf32>
    %reduce_sum3A = arith.constant dense<0.000000e+00> : vector<64xf32>
    %reduce_sum3A_30 = vector.multi_reduction <add>, %select_n3A, %reduce_sum3A [1] : vector<64x10112xf32> to vector<64xf32>
    %broadcast_in_dim3A_31 = vector.shape_cast %reduce_sum3A_30 : vector<64xf32> to vector<64x1xf32>
    %max3A_32 = arith.constant 1.000000e+00 : f32
    %max3A_33 = vector.broadcast %max3A_32 : f32 to vector<64x1xf32>
    %max3A_34 = arith.maximumf %broadcast_in_dim3A_31, %max3A_33 : vector<64x1xf32>
    %div3A = vector.broadcast %max3A_34 : vector<64x1xf32> to vector<64x16xf32>
    %div3A_35 = arith.divf %dot_general3A_29, %div3A : vector<64x16xf32>
    %get3A_36 = arith.constant 0 : index
    %get3A_37 = arith.constant 0 : index
    %get3A_38 = vector.load %arg5[%get3A_36, %get3A_37] : memref<16x2xf32, #tpu.memory_space<vmem>>, vector<16x2xf32>
    %dot_general3A_39 = arith.constant dense<0.000000e+00> : vector<64x2xf32>
    %dot_general3A_40 = tpu.matmul %div3A_35, %get3A_38, %dot_general3A_39 {dimension_numbers = #tpu.dot_dimension_numbers<[1], [0], [0], [1], [0, 0, 1, 1], [], []>, transpose_lhs_hint = false} : vector<64x16xf32>, vector<16x2xf32>, vector<64x2xf32> -> vector<64x2xf32>
    %get3A_41 = arith.constant 0 : index
    %get3A_42 = arith.constant 0 : index
    %get3A_43 = vector.load %arg6[%get3A_41, %get3A_42] : memref<1x2xf32, #tpu.memory_space<vmem>>, vector<1x2xf32>
    %add3A_44 = vector.broadcast %get3A_43 : vector<1x2xf32> to vector<64x2xf32>
    %add3A_45 = arith.addf %dot_general3A_40, %add3A_44 : vector<64x2xf32>
    %swap3A = arith.constant 0 : index
    %swap3A_46 = arith.constant 0 : index
    %swap3A_47 = vector.load %arg7[%swap3A, %swap3A_46] : memref<64x2xf32, #tpu.memory_space<vmem>>, vector<64x2xf32>
    tpu.vector_store %arg7[%swap3A, %swap3A_46], %add3A_45 {strides = array<i32>} : memref<64x2xf32, #tpu.memory_space<vmem>>, vector<64x2xf32>,
    return
  }
}

</mosaic_0001>

<sc_bundles>
// kernel: kernel.11.cloned.1.call-start
scs
__scs_entry_jumppad:
0x0: {  	(pc) =	sbr.rel $0x88, $3  }
0x1: {  	(tag) =	ssettag $0x0;
	lr =	simm.s32 $0x1  }
0x2: {  	[smem:$0x3F98] =	sst lr;
	_ =	strace $0xD0000000  }
0x3: {  	_ = 	snop  }
0x4: {  	_ = 	snop  }
0x5: {  	_ = 	snop  }
0x6: {  	_ = 	snop  }
0x7: {  	_ = 	snop  }
__scs_overlays_trampoline_lowered:
0x8: {  	[smem:$0x3FA7] =	sst s0  }
0x9: {  	[smem:$0x3FA8] =	sst s1  }
0xa: {  	[smem:$0x3FA9] =	sst s2  }
0xb: {  	[smem:$0x3FAA] =	sst s3  }
0xc: {  	[smem:$0x3FAB] =	sst s4  }
0xd: {  	[smem:$0x3FAC] =	sst s5  }
0xe: {  	[smem:$0x3FAD] =	sst s6  }
0xf: {  	[smem:$0x3FAE] =	sst s7  }
0x10: {  	[smem:$0x3FAF] =	sst s8  }
0x11: {  	[smem:$0x3FB0] =	sst s9;
	s0 =	simm.s32 @!p0 $0x0  }
0x12: {  	s1 =	sld [smem:$0x3F96];
	s0 =	simm.s32 @p0 $0x1  }
0x13: {  	[smem:$0x3FB1] =	sst s0;
	s0 =	simm.s32 @!p1 $0x0  }
0x14: {  	s2 =	sld [smem:$0x3F95];
	s0 =	simm.s32 @p1 $0x1  }
0x15: {  	[smem:$0x3FB2] =	sst s0;
	s0 =	simm.s32 @!p2 $0x0  }
0x16: {  	s3 =	sld [smem:$0x3FDB];
	s0 =	simm.s32 @p2 $0x1  }
0x17: {  	s4 =	simm.s32 $0x1BF5;
	[smem:$0x3FB4] =	sst s0  }
0x18: {  	s0 =	sld [smem:$0x3F97];
	_ =	swait.ge [sflag:s4], $0x0  }
0x19: {  	s7 =	sld [smem:$0x3F98]  }
0x1a: {  	s8 =	sadd.s32 $0xFFFFE003, lr  }
0x1b: {  	s9 =	sadd.s32 $0xFFFFFEF7, lr;
	s5 =	simm.s32 $0xFFFFFFFF;
	p2 =	slt.u32 s8, $0xFFFFF086  }
0x1c: {  	p1 =	slt.u32 s9, $0xF7A;
	s5 =	simm.s32 @!p2 $0x0  }
0x1d: {  	s5 =	simm.s32 @p1 $0x1;
	p0 =	seq.s32 s7, s2  }
0x1e: {  	s7 =	smul.u32 @!p0 $0xF7A, s2;
	p2 =	seq.s32 @!p0 s5, $0x0  }
0x1f: {  	s9 =	smul.u32 $0xF7A, s1;
	s8 =	simm.s32 @!p0 $0x1BF5;
	p2 =	por !p2, p0  }
0x20: {  	[sflag:s8] =	ssyncset.s32 @!p0 $0xFFFFF086;
	s6 =	sadd.s32 @!p0 s3, s7;
	s7 =	simm.s32 @!p0 $0x108  }
0x21: {  	s3 =	sadd.s32 s3, s9;
	s6 =	sadd.s32 @!p0 $0x88, s6;
	s7 =	simm.s32 @p2 $0x1082  }
0x22: {  	[simem:s7], [sflag:s8] =	dma.local @!p0 [hbm:s6], $0xF7A  }
0x23: {  	s9 =	sor.u32 $0xD0000000, s2;
	s6 =	simm.s32 $0x108;
	_ =	swait.ge @!p0 [sflag:s8], $0x0  }
0x24: {  	s3 =	sadd.s32 $0x88, s3;
	s6 =	simm.s32 @!p1 $0x1082;
	[sflag:s4] =	ssyncset.s32 $0xFFFFF086  }
0x25: {  	[simem:s6], [sflag:s4] =	dma.local [hbm:s3], $0xF7A  }
0x26: {  	[smem:$0x3F98] =	sst s1;
	(tag) =	ssettag s2;
	_ =	strace s9  }
0x27: {  	s1 =	sld [smem:$0x3FA8]  }
0x28: {  	s2 =	sld [smem:$0x3FA9]  }
0x29: {  	s4 =	sld [smem:$0x3FAB]  }
0x2a: {  	p0 =	seq.s32 s5, $0x0;
	s5 =	sld [smem:$0x3FAC]  }
0x2b: {  	s6 =	sld [smem:$0x3FAD]  }
0x2c: {  	s7 =	sld [smem:$0x3FAE]  }
0x2d: {  	s3 =	simm.s32 $0x108;
	s8 =	sld [smem:$0x3FAF]  }
0x2e: {  	s3 =	simm.s32 @!p0 $0x1082;
	s9 =	sld [smem:$0x3FB0]  }
0x2f: {  	lr =	sadd.s32 s0, s3;
	s0 =	sld [smem:$0x3FA7]  }
0x30: {  	s3 =	sld [smem:$0x3FAA]  }
0x31: {  	[smem:$0x3FB3] =	sst s10  }
0x32: {  	s10 =	sld [smem:$0x3FB1];
	_ =	sdelay $0x3  }
0x33: {  	p0 =	seq.s32 s10, $0x1;
	s10 =	sld [smem:$0x3FB3];
	_ =	sdelay $0x3  }
0x34: {  	[smem:$0x3FB3] =	sst s10  }
0x35: {  	s10 =	sld [smem:$0x3FB2];
	_ =	sdelay $0x3  }
0x36: {  	p1 =	seq.s32 s10, $0x1;
	s10 =	sld [smem:$0x3FB3];
	_ =	sdelay $0x3  }
0x37: {  	[smem:$0x3FB3] =	sst s10  }
0x38: {  	s10 =	sld [smem:$0x3FB4]  }
0x39: {  	_ = 	snop;
	(pc) =	sbr.ind lr, $3  }
0x3a: {  	_ = 	snop  }
0x3b: {  	_ = 	snop  }
0x3c: {  	p2 =	seq.s32 s10, $0x1;
	s10 =	sld [smem:$0x3FB3]  }
0x3d: {  	_ =	shalt  }
0x3e: {  	_ =	shalt  }
0x3f: {  	_ =	shalt  }
0x40: {  	_ =	shalt  }
0x41: {  	_ =	shalt  }
0x42: {  	_ =	shalt  }
0x43: {  	_ =	shalt  }
0x44: {  	_ =	shalt  }
0x45: {  	_ =	shalt  }
0x46: {  	_ =	shalt  }
0x47: {  	_ =	shalt  }
0x48: {  	_ =	shalt  }
0x49: {  	_ =	shalt  }
0x4a: {  	_ =	shalt  }
0x4b: {  	_ =	shalt  }
0x4c: {  	_ =	shalt  }
0x4d: {  	_ =	shalt  }
0x4e: {  	_ =	shalt  }
0x4f: {  	_ =	shalt  }
0x50: {  	_ =	shalt  }
0x51: {  	_ =	shalt  }
0x52: {  	_ =	shalt  }
0x53: {  	_ =	shalt  }
0x54: {  	_ =	shalt  }
0x55: {  	_ =	shalt  }
0x56: {  	_ =	shalt  }
0x57: {  	_ =	shalt  }
0x58: {  	_ =	shalt  }
0x59: {  	_ =	shalt  }
0x5a: {  	_ =	shalt  }
0x5b: {  	_ =	shalt  }
0x5c: {  	_ =	shalt  }
0x5d: {  	_ =	shalt  }
0x5e: {  	_ =	shalt  }
0x5f: {  	_ =	shalt  }
0x60: {  	_ =	shalt  }
0x61: {  	_ =	shalt  }
0x62: {  	_ =	shalt  }
0x63: {  	_ =	shalt  }
0x64: {  	_ =	shalt  }
0x65: {  	_ =	shalt  }
0x66: {  	_ =	shalt  }
0x67: {  	_ =	shalt  }
0x68: {  	_ =	shalt  }
0x69: {  	_ =	shalt  }
0x6a: {  	_ =	shalt  }
0x6b: {  	_ =	shalt  }
0x6c: {  	_ =	shalt  }
0x6d: {  	_ =	shalt  }
0x6e: {  	_ =	shalt  }
0x6f: {  	_ =	shalt  }
0x70: {  	_ =	shalt  }
0x71: {  	_ =	shalt  }
0x72: {  	_ =	shalt  }
0x73: {  	_ =	shalt  }
0x74: {  	_ =	shalt  }
0x75: {  	_ =	shalt  }
0x76: {  	_ =	shalt  }
0x77: {  	_ =	shalt  }
0x78: {  	_ =	shalt  }
0x79: {  	_ =	shalt  }
0x7a: {  	_ =	shalt  }
0x7b: {  	_ =	shalt  }
0x7c: {  	_ =	shalt  }
0x7d: {  	_ =	shalt  }
0x7e: {  	_ =	shalt  }
0x7f: {  	_ =	shalt  }
0x80: {  	_ =	shalt  }
0x81: {  	_ =	shalt  }
0x82: {  	_ =	shalt  }
0x83: {  	_ =	shalt  }
0x84: {  	_ =	shalt  }
0x85: {  	_ =	shalt  }
0x86: {  	_ =	shalt  }
0x87: {  	_ =	shalt  }
.Lfunc_end0:
.L_simem_size_0:
called_computation.1_lowered:
.L_overlay_start_0:
0x88: {  	s2 =	sld [smem:$0x3FD9]  }
0x89: {  	s3 =	sld [smem:$0x3FFE];
	_ =	sdelay $0x1  }
0x8a: {  	s1 =	srdreg.scid  }
0x8b: {  	s0 =	sand.u32 $0x1, s1  }
0x8c: {  	s16 =	sshll.u32 s0, $0xA;
	s2 =	sadd.s32 s3, s2  }
0x8d: {  	s2 =	sadd.s32 s2, s16  }
0x8e: {  	[smem:$0x3FBF] =	sst s2  }
0x8f: {  	_ = 	snop  }
0x90: {  	(tm) =	ssettm $0x1  }
0x91: {  	s17 =	sld [smem:$0x3FFB];
	_ =	sdelay $0x3  }
0x92: {  	_ =	strace s17  }
0x93: {  	s2 =	sld [smem:$0x3FFC];
	_ =	sdelay $0x3  }
0x94: {  	_ =	strace s2  }
0x95: {  	s2 =	sld [smem:$0x3FFD];
	_ =	sdelay $0x3  }
0x96: {  	_ =	strace s2  }
0x97: {  	_ =	strace $0x8FFFFFFF  }
0x98: {  	s18 =	sld [smem:$0x3FDB];
	_ =	sdelay $0x1  }
0x99: {  	s19 =	simm.s32 $_scs_section_size  }
0x9a: {  	s4 =	simm.s32 $_size__tile_overlayer_lowered;
	s5 =	simm.s32 $_tile_overlayer_lowered  }
0x9b: {  	s22 =	simm.s32 $0x1BFF;
	s21 =	sshll.u32 s5, $0x1;
	s2 =	sadd.s32 s19, s18  }
0x9c: {  	s6 =	simm.s32 $0x0;
	s20 =	sshll.u32 s4, $0x1;
	s4 =	sadd.s32 s21, s2  }
0x9d: {  	[timem:s6], [sflag:s22] =	dma.local [hbm:s4], s20  }
0x9e: {  	_ =	swait.ge [sflag:s22], s20  }
0x9f: {  	s3 =	ssub.s32 $0x0, s20;
	[sflag:s22] =	ssyncset.done $0x0  }
0xa0: {  	[sflag:s22] =	ssyncadd.s32 s3;
	_ =	sdelay $0x1  }
0xa1: {  	s23 =	simm.s32 $0x1B8B  }
0xa2: {  	_ =	swait.ge [sflag:s23], $0x1  }
0xa3: {  	[sflag:s23] =	ssyncset.done $0x0  }
0xa4: {  	s25 =	simm.s32 $0x1B8E;
	s24 =	sld [smem:$0x3FFE];
	[sflag:s23] =	ssyncadd.s32 $0xFFFFFFFF  }
0xa5: {  	s26 =	simm.s32 $execute0_lowered;
	[smem:$0x3FD2] =	sst s25  }
0xa6: {  	s4 =	sshll.u32 s26, $0x1;
	_ =	strace $0x80000049;
	[dreg:$0x1] =	wrdreg $0xFFFFFFFF  }
0xa7: {  	s28 =	simm.s32 $_size_execute0_lowered;
	s2 =	sadd.s32 s2, s4;
	[dreg:$0x0] =	wrdreg $0x0  }
0xa8: {  	s4 =	sshll.u32 s28, $0x1;
	[dreg:$0x2] =	wrdreg s2  }
0xa9: {  	[dreg:$0x3] =	wrdreg s4  }
0xaa: {  	[dreg:$0x4] =	wrdreg $0xC0  }
0xab: {  	_ =	task [dreg:s6], $0x5FFFF  }
0xac: {  	[dreg:$0x1] =	wrdreg $0xFFFFFFFF  }
0xad: {  	[dreg:$0x0] =	wrdreg $0x60  }
0xae: {  	[dreg:$0x2] =	wrdreg s24  }
0xaf: {  	[dreg:$0x3] =	wrdreg $0x90000  }
0xb0: {  	[dreg:$0x4] =	wrdreg $0x9  }
0xb1: {  	_ =	task.clear_ibuf [dreg:s6], $0x5FFFF;
	_ =	strace $0x90000049  }
0xb2: {  	s29 =	simm.s32 $0x9;
	_ =	strace $0x8000004B  }
0xb3: {  	_ =	swait.ge [sflag:s29], $0x1  }
0xb4: {  	[sflag:s29] =	ssyncadd.s32 $0xFFFFFFFF  }
0xb5: {  	_ =	strace $0x9000004B  }
0xb6: {  	_ =	sfence  }
0xb7: {  	s30 =	sld [smem:$0x0];
	_ =	sdelay $0x2  }
0xb8: {  	s31 =	sshll.u32 s1, $0xD;
	s1 =	sshrl.u32 s1, $0x2  }
0xb9: {  	s3 =	sand.u32 $0x4000, s31;
	s1 =	sadd.s32 s1, s30  }
0xba: {  	s0 =	sor.u32 s3, s0;
	s1 =	sshll.u32 s1, $0x11  }
0xbb: {  	s0 =	sor.u32 s1, s0  }
0xbc: {  	s0 =	sadd.s32 $0x8F2B, s0  }
0xbd: {  	[sflag:s0] =	ssyncadd.remote.s32 $0x1  }
0xbe: {  	_ =	sfence.sel $0xFFFF  }
0xbf: {  	[dreg:$0x0] =	wrdreg $0xFFFFFFFF;
	(pc) =	sbr.abs _section_cstart, $3  }
0xc0: {  	[dreg:$0x1] =	wrdreg $0xFFFFFFFF  }
0xc1: {  	_ =	task.clear_ibuf [dreg:s6], $0x2FFFF;
	_ =	strace $0x9FFFFFFF  }
0xc2: {  	(tm) =	ssettm $0x7FFFFFFF  }
0xc3: {  	_ =	shalt  }
tec
execute0_lowered:
.L_overlay_start_1:
0x0: {  	(tag) =	ssettag $0x1  }
0x1: {  	s1 =	srdreg.scid  }
0x2: {  	s0 =	stileid.u32;
	s6 =	rddreg [dreg:$0x0];
	s12 =	simm.s32 $0x5  }
0x3: {  	s13 =	simm.s32 $0x2800;
	s14 =	simm.s32 $0x80;
	s15 =	simm.s32 $0x5000  }
0x4: {  	s16 =	simm.s32 $0x5800;
	s17 =	simm.s32 $0x6000;
	s18 =	simm.s32 $0x6800  }
0x5: {  	s19 =	simm.s32 $0x7000;
	s20 =	simm.s32 $0x7800;
	s21 =	simm.s32 $0x8000  }
0x6: {  	s22 =	simm.s32 $0x8800;
	s23 =	simm.s32 $0x1;
	s24 =	simm.s32 $0x2  }
0x7: {  	s25 =	simm.s32 $0x3;
	s26 =	simm.s32 $0x4;
	s28 =	simm.s32 $0x0  }
0x8: {  	s1 =	sand.u32 $0x1, s1;
	s2 =	sshll.u32 s0, $0x1;
	s7 =	smul.u32 $0x2780, s0  }
0x9: {  	s4 =	sadd.s32 $0xC200, s6;
	s31 =	sshll.u32 s0, $0x6;
	s3 =	sor.u32 s1, s2  }
0xa: {  	s2 =	rddreg [dreg:$0x1];
	s8 =	smul.u32 $0x27800, s1;
	s1 =	ssub.s32 $0x2, s1  }
0xb: {  	s5 =	smul.u32 $0x500, s3;
	s3 =	simm.s32 $0x0;
	s30 =	sshrl.u32 s1, $0x1  }
0xc: {  	s11 =	sadd.s32 s7, s2;
	[smem:$0x7FF] =	sst s3;
	s8 =	sadd.s32 s7, s8  }
0xd: {  	s1 =	ssub.s32 s1, s30;
	s11 =	sshrl.u32 s11, $0x3;
	_ =	strace $0x8000004A  }
0xe: {  	s9 =	sadd.s32 s5, s6;
	s5 =	sadd.s32 $0xBC00, s6;
	s8 =	sshrl.u32 s8, $0x3  }
0xf: {  	s10 =	sadd.s32 s8, s6;
	s6 =	sor.u32 $0x1C05, s31;
	s7 =	sadd.s32 $0x16200, s9  }
0x10: {  	s8 =	sadd.s32 $0x1C00, s9;
	s9 =	sadd.s32 $0x20200, s10;
	s10 =	smax.u32 s1, $0x1  }
.LBB2_1:
0x11: {  	[spmem:s11], [sflag:s6] =	dma.local [hbm:s5], $0x4F0  }
0x12: {  	_ =	swait.ge [sflag:s12], $0x4F0  }
0x13: {  	[sflag:s12] =	ssyncset.done $0x0  }
0x14: {  	[sflag:s12] =	ssyncadd.s32 $0xFFFFFB10  }
0x15: {  	[tilespmem:s3], [sflag:$0x5] =	stream.linear.gather [hbm4b:s7+s3], $0x2800, $0x38;
	[tilespmem:$0xB780] =	vst v63  }
0x16: {  	_ =	swait.ge [sflag:s12], $0x2800  }
0x17: {  	[sflag:s12] =	ssyncset.done $0x0  }
0x18: {  	[sflag:s12] =	ssyncadd.s32 $0xFFFFD800  }
0x19: {  	[tilespmem:s13], [sflag:$0x5] =	stream.linear.gather [hbm4b:s8+s3], $0x2800, $0x38;
	[tilespmem:$0xB780] =	vst v63  }
0x1a: {  	_ =	swait.ge [sflag:s12], $0x2800  }
0x1b: {  	[sflag:s12] =	ssyncset.done $0x0  }
0x1c: {  	[sflag:s12] =	ssyncadd.s32 $0xFFFFD800  }
0x1d: {  	s1 =	simm.s32 $0x0;
	[bflag:$0x0] =	sbarrier.arrive $0xFFFF  }
0x1e: {  	[tilespmem:s15], [sflag:$0x1] =	stream.indirect.gather [hbm4b:s4+s14], $0x10, s1, s14, $0xb8;
	[tilespmem:$0xB780] =	vst v63  }
0x1f: {  	s31 =	simm.s32 $0x80  }
0x20: {  	[tilespmem:s16], [sflag:$0x1] =	stream.indirect.gather [hbm4b:s4+s14], $0x10, s31, s14, $0xb8;
	[tilespmem:$0xB780] =	vst v63  }
0x21: {  	s31 =	simm.s32 $0x100  }
0x22: {  	[tilespmem:s17], [sflag:$0x1] =	stream.indirect.gather [hbm4b:s4+s14], $0x10, s31, s14, $0xb8;
	[tilespmem:$0xB780] =	vst v63  }
0x23: {  	s31 =	simm.s32 $0x180  }
0x24: {  	[tilespmem:s18], [sflag:$0x1] =	stream.indirect.gather [hbm4b:s4+s14], $0x10, s31, s14, $0xb8;
	[tilespmem:$0xB780] =	vst v63  }
0x25: {  	s31 =	simm.s32 $0x200  }
0x26: {  	[tilespmem:s19], [sflag:$0x2] =	stream.indirect.gather [hbm4b:s4+s14], $0x10, s31, s14, $0xb8;
	[tilespmem:$0xB780] =	vst v63  }
0x27: {  	s31 =	simm.s32 $0x280  }
0x28: {  	[tilespmem:s20], [sflag:$0x2] =	stream.indirect.gather [hbm4b:s4+s14], $0x10, s31, s14, $0xb8;
	[tilespmem:$0xB780] =	vst v63  }
0x29: {  	s31 =	simm.s32 $0x300  }
0x2a: {  	[tilespmem:s21], [sflag:$0x2] =	stream.indirect.gather [hbm4b:s4+s14], $0x10, s31, s14, $0xb8;
	[tilespmem:$0xB780] =	vst v63  }
0x2b: {  	s31 =	simm.s32 $0x380  }
0x2c: {  	[tilespmem:s22], [sflag:$0x2] =	stream.indirect.gather [hbm4b:s4+s14], $0x10, s31, s14, $0xb8;
	[tilespmem:$0xB780] =	vst v63  }
0x2d: {  	_ =	swait.ge [sflag:s23], $0x800  }
0x2e: {  	[sflag:s23] =	ssyncset.done $0x0  }
0x2f: {  	[sflag:s23] =	ssyncadd.s32 $0xFFFFF800  }
0x30: {  	_ =	swait.ge [sflag:s23], $0x800  }
0x31: {  	[sflag:s23] =	ssyncset.done $0x0  }
0x32: {  	[sflag:s23] =	ssyncadd.s32 $0xFFFFF800  }
0x33: {  	_ =	swait.ge [sflag:s23], $0x800  }
0x34: {  	[sflag:s23] =	ssyncset.done $0x0  }
0x35: {  	[sflag:s23] =	ssyncadd.s32 $0xFFFFF800  }
0x36: {  	_ =	swait.ge [sflag:s23], $0x800  }
0x37: {  	[sflag:s23] =	ssyncset.done $0x0  }
0x38: {  	s31 =	simm.s32 $0x2800;
	[sflag:s23] =	ssyncadd.s32 $0xFFFFF800  }
0x39: {  	[spmem:s2] =	stream.indirect.scatter.add.f32 [tilespmem:s15], [sflag:$0x3], $0x10, s31, s14, $0xb8;
	[tilespmem:$0xB780] =	vst v63  }
0x3a: {  	s31 =	simm.s32 $0x2880  }
0x3b: {  	[spmem:s2] =	stream.indirect.scatter.add.f32 [tilespmem:s16], [sflag:$0x3], $0x10, s31, s14, $0xb8;
	[tilespmem:$0xB780] =	vst v63  }
0x3c: {  	s31 =	simm.s32 $0x2900  }
0x3d: {  	[spmem:s2] =	stream.indirect.scatter.add.f32 [tilespmem:s17], [sflag:$0x3], $0x10, s31, s14, $0xb8;
	[tilespmem:$0xB780] =	vst v63  }
0x3e: {  	s31 =	simm.s32 $0x2980  }
0x3f: {  	[spmem:s2] =	stream.indirect.scatter.add.f32 [tilespmem:s18], [sflag:$0x3], $0x10, s31, s14, $0xb8;
	[tilespmem:$0xB780] =	vst v63  }
0x40: {  	_ =	swait.ge [sflag:s24], $0x800  }
0x41: {  	[sflag:s24] =	ssyncset.done $0x0  }
0x42: {  	[sflag:s24] =	ssyncadd.s32 $0xFFFFF800  }
0x43: {  	_ =	swait.ge [sflag:s24], $0x800  }
0x44: {  	[sflag:s24] =	ssyncset.done $0x0  }
0x45: {  	[sflag:s24] =	ssyncadd.s32 $0xFFFFF800  }
0x46: {  	_ =	swait.ge [sflag:s24], $0x800  }
0x47: {  	[sflag:s24] =	ssyncset.done $0x0  }
0x48: {  	[sflag:s24] =	ssyncadd.s32 $0xFFFFF800  }
0x49: {  	_ =	swait.ge [sflag:s24], $0x800  }
0x4a: {  	[sflag:s24] =	ssyncset.done $0x0  }
0x4b: {  	s31 =	simm.s32 $0x2A00;
	[sflag:s24] =	ssyncadd.s32 $0xFFFFF800  }
0x4c: {  	[spmem:s2] =	stream.indirect.scatter.add.f32 [tilespmem:s19], [sflag:$0x4], $0x10, s31, s14, $0xb8;
	[tilespmem:$0xB780] =	vst v63  }
0x4d: {  	s31 =	simm.s32 $0x2A80  }
0x4e: {  	[spmem:s2] =	stream.indirect.scatter.add.f32 [tilespmem:s20], [sflag:$0x4], $0x10, s31, s14, $0xb8;
	[tilespmem:$0xB780] =	vst v63  }
0x4f: {  	s31 =	simm.s32 $0x2B00  }
0x50: {  	[spmem:s2] =	stream.indirect.scatter.add.f32 [tilespmem:s21], [sflag:$0x4], $0x10, s31, s14, $0xb8;
	[tilespmem:$0xB780] =	vst v63  }
0x51: {  	s31 =	simm.s32 $0x2B80  }
0x52: {  	[spmem:s2] =	stream.indirect.scatter.add.f32 [tilespmem:s22], [sflag:$0x4], $0x10, s31, s14, $0xb8;
	[tilespmem:$0xB780] =	vst v63  }
0x53: {  	_ =	swait.ge [sflag:s25], $0x800  }
0x54: {  	[sflag:s25] =	ssyncset.done $0x0  }
0x55: {  	[sflag:s25] =	ssyncadd.s32 $0xFFFFF800  }
0x56: {  	_ =	swait.ge [sflag:s25], $0x800  }
0x57: {  	[sflag:s25] =	ssyncset.done $0x0  }
0x58: {  	[sflag:s25] =	ssyncadd.s32 $0xFFFFF800  }
0x59: {  	_ =	swait.ge [sflag:s25], $0x800  }
0x5a: {  	[sflag:s25] =	ssyncset.done $0x0  }
0x5b: {  	[sflag:s25] =	ssyncadd.s32 $0xFFFFF800  }
0x5c: {  	_ =	swait.ge [sflag:s25], $0x800  }
0x5d: {  	[sflag:s25] =	ssyncset.done $0x0  }
0x5e: {  	[sflag:s25] =	ssyncadd.s32 $0xFFFFF800  }
0x5f: {  	_ =	swait.ge [sflag:s26], $0x800  }
0x60: {  	[sflag:s26] =	ssyncset.done $0x0  }
0x61: {  	[sflag:s26] =	ssyncadd.s32 $0xFFFFF800  }
0x62: {  	_ =	swait.ge [sflag:s26], $0x800  }
0x63: {  	[sflag:s26] =	ssyncset.done $0x0  }
0x64: {  	[sflag:s26] =	ssyncadd.s32 $0xFFFFF800  }
0x65: {  	_ =	swait.ge [sflag:s26], $0x800  }
0x66: {  	[sflag:s26] =	ssyncset.done $0x0  }
0x67: {  	[sflag:s26] =	ssyncadd.s32 $0xFFFFF800  }
0x68: {  	_ =	swait.ge [sflag:s26], $0x800  }
0x69: {  	s29 =	simm.s32 $0x1000;
	s30 =	simm.s32 $0x2000;
	[sflag:s26] =	ssyncset.done $0x0  }
.LBB2_2:
0x6a: {  	s31 =	sshra.s32 s29, $0x2  }
0x6b: {  	[sflag:s26] =	ssyncadd.s32 $0xFFFFF800;
	s29 =	smov.u32 s30;
	s1 =	sadd.s32 $0x1000, s30  }
0x6c: {  	[tilespmem:s15], [sflag:$0x1] =	stream.indirect.gather [hbm4b:s4+s14], $0x10, s31, s14, $0xb8;
	[tilespmem:$0xB780] =	vst v63  }
0x6d: {  	p0 =	sne.s32 s30, $0x9000;
	s30 =	sadd.s32 $0x80, s31  }
0x6e: {  	[tilespmem:s16], [sflag:$0x1] =	stream.indirect.gather [hbm4b:s4+s14], $0x10, s30, s14, $0xb8;
	[tilespmem:$0xB780] =	vst v63  }
0x6f: {  	s30 =	sadd.s32 $0x100, s31  }
0x70: {  	[tilespmem:s17], [sflag:$0x1] =	stream.indirect.gather [hbm4b:s4+s14], $0x10, s30, s14, $0xb8;
	[tilespmem:$0xB780] =	vst v63  }
0x71: {  	s30 =	sadd.s32 $0x180, s31  }
0x72: {  	[tilespmem:s18], [sflag:$0x1] =	stream.indirect.gather [hbm4b:s4+s14], $0x10, s30, s14, $0xb8;
	[tilespmem:$0xB780] =	vst v63  }
0x73: {  	s30 =	sadd.s32 $0x200, s31  }
0x74: {  	[tilespmem:s19], [sflag:$0x2] =	stream.indirect.gather [hbm4b:s4+s14], $0x10, s30, s14, $0xb8;
	[tilespmem:$0xB780] =	vst v63  }
0x75: {  	s30 =	sadd.s32 $0x280, s31  }
0x76: {  	[tilespmem:s20], [sflag:$0x2] =	stream.indirect.gather [hbm4b:s4+s14], $0x10, s30, s14, $0xb8;
	[tilespmem:$0xB780] =	vst v63  }
0x77: {  	s30 =	sadd.s32 $0x300, s31  }
0x78: {  	[tilespmem:s21], [sflag:$0x2] =	stream.indirect.gather [hbm4b:s4+s14], $0x10, s30, s14, $0xb8;
	[tilespmem:$0xB780] =	vst v63  }
0x79: {  	s30 =	sadd.s32 $0x380, s31  }
0x7a: {  	[tilespmem:s22], [sflag:$0x2] =	stream.indirect.gather [hbm4b:s4+s14], $0x10, s30, s14, $0xb8;
	[tilespmem:$0xB780] =	vst v63  }
0x7b: {  	_ =	swait.ge [sflag:s23], $0x800  }
0x7c: {  	[sflag:s23] =	ssyncset.done $0x0  }
0x7d: {  	[sflag:s23] =	ssyncadd.s32 $0xFFFFF800  }
0x7e: {  	_ =	swait.ge [sflag:s23], $0x800  }
0x7f: {  	[sflag:s23] =	ssyncset.done $0x0  }
0x80: {  	[sflag:s23] =	ssyncadd.s32 $0xFFFFF800  }
0x81: {  	_ =	swait.ge [sflag:s23], $0x800  }
0x82: {  	[sflag:s23] =	ssyncset.done $0x0  }
0x83: {  	[sflag:s23] =	ssyncadd.s32 $0xFFFFF800  }
0x84: {  	_ =	swait.ge [sflag:s23], $0x800  }
0x85: {  	[sflag:s23] =	ssyncset.done $0x0  }
0x86: {  	s30 =	sadd.s32 $0x2800, s31;
	[sflag:s23] =	ssyncadd.s32 $0xFFFFF800  }
0x87: {  	[spmem:s2] =	stream.indirect.scatter.add.f32 [tilespmem:s15], [sflag:$0x3], $0x10, s30, s14, $0xb8;
	[tilespmem:$0xB780] =	vst v63  }
0x88: {  	s30 =	sadd.s32 $0x2880, s31  }
0x89: {  	[spmem:s2] =	stream.indirect.scatter.add.f32 [tilespmem:s16], [sflag:$0x3], $0x10, s30, s14, $0xb8;
	[tilespmem:$0xB780] =	vst v63  }
0x8a: {  	s30 =	sadd.s32 $0x2900, s31  }
0x8b: {  	[spmem:s2] =	stream.indirect.scatter.add.f32 [tilespmem:s17], [sflag:$0x3], $0x10, s30, s14, $0xb8;
	[tilespmem:$0xB780] =	vst v63  }
0x8c: {  	s30 =	sadd.s32 $0x2980, s31  }
0x8d: {  	[spmem:s2] =	stream.indirect.scatter.add.f32 [tilespmem:s18], [sflag:$0x3], $0x10, s30, s14, $0xb8;
	[tilespmem:$0xB780] =	vst v63  }
0x8e: {  	_ =	swait.ge [sflag:s24], $0x800  }
0x8f: {  	[sflag:s24] =	ssyncset.done $0x0  }
0x90: {  	[sflag:s24] =	ssyncadd.s32 $0xFFFFF800  }
0x91: {  	_ =	swait.ge [sflag:s24], $0x800  }
0x92: {  	[sflag:s24] =	ssyncset.done $0x0  }
0x93: {  	[sflag:s24] =	ssyncadd.s32 $0xFFFFF800  }
0x94: {  	_ =	swait.ge [sflag:s24], $0x800  }
0x95: {  	[sflag:s24] =	ssyncset.done $0x0  }
0x96: {  	[sflag:s24] =	ssyncadd.s32 $0xFFFFF800  }
0x97: {  	_ =	swait.ge [sflag:s24], $0x800  }
0x98: {  	[sflag:s24] =	ssyncset.done $0x0  }
0x99: {  	s30 =	sadd.s32 $0x2A00, s31;
	[sflag:s24] =	ssyncadd.s32 $0xFFFFF800  }
0x9a: {  	[spmem:s2] =	stream.indirect.scatter.add.f32 [tilespmem:s19], [sflag:$0x4], $0x10, s30, s14, $0xb8;
	[tilespmem:$0xB780] =	vst v63  }
0x9b: {  	s30 =	sadd.s32 $0x2A80, s31  }
0x9c: {  	[spmem:s2] =	stream.indirect.scatter.add.f32 [tilespmem:s20], [sflag:$0x4], $0x10, s30, s14, $0xb8;
	[tilespmem:$0xB780] =	vst v63  }
0x9d: {  	s30 =	sadd.s32 $0x2B00, s31  }
0x9e: {  	[spmem:s2] =	stream.indirect.scatter.add.f32 [tilespmem:s21], [sflag:$0x4], $0x10, s30, s14, $0xb8;
	[tilespmem:$0xB780] =	vst v63  }
0x9f: {  	s30 =	sadd.s32 $0x2B80, s31  }
0xa0: {  	[spmem:s2] =	stream.indirect.scatter.add.f32 [tilespmem:s22], [sflag:$0x4], $0x10, s30, s14, $0xb8;
	[tilespmem:$0xB780] =	vst v63  }
0xa1: {  	_ =	swait.ge [sflag:s25], $0x800  }
0xa2: {  	[sflag:s25] =	ssyncset.done $0x0  }
0xa3: {  	[sflag:s25] =	ssyncadd.s32 $0xFFFFF800  }
0xa4: {  	_ =	swait.ge [sflag:s25], $0x800  }
0xa5: {  	[sflag:s25] =	ssyncset.done $0x0  }
0xa6: {  	[sflag:s25] =	ssyncadd.s32 $0xFFFFF800  }
0xa7: {  	_ =	swait.ge [sflag:s25], $0x800  }
0xa8: {  	[sflag:s25] =	ssyncset.done $0x0  }
0xa9: {  	[sflag:s25] =	ssyncadd.s32 $0xFFFFF800  }
0xaa: {  	_ =	swait.ge [sflag:s25], $0x800  }
0xab: {  	[sflag:s25] =	ssyncset.done $0x0  }
0xac: {  	[sflag:s25] =	ssyncadd.s32 $0xFFFFF800  }
0xad: {  	_ =	swait.ge [sflag:s26], $0x800  }
0xae: {  	[sflag:s26] =	ssyncset.done $0x0  }
0xaf: {  	[sflag:s26] =	ssyncadd.s32 $0xFFFFF800  }
0xb0: {  	_ =	swait.ge [sflag:s26], $0x800  }
0xb1: {  	[sflag:s26] =	ssyncset.done $0x0  }
0xb2: {  	[sflag:s26] =	ssyncadd.s32 $0xFFFFF800  }
.Ltmp0:
0xb3: {  	_ =	swait.ge [sflag:s26], $0x800;
	(pc) =	sbr.rel @p0 .LBB2_2-.Ltmp0, $4  }
0xb4: {  	[sflag:s26] =	ssyncset.done $0x0  }
0xb5: {  	[sflag:s26] =	ssyncadd.s32 $0xFFFFF800  }
0xb6: {  	_ =	swait.ge [sflag:s26], $0x800  }
0xb7: {  	s30 =	smov.u32 s1;
	[sflag:s26] =	ssyncset.done $0x0  }
0xb8: {  	s1 =	sshra.s32 s29, $0x2;
	[sflag:s26] =	ssyncadd.s32 $0xFFFFF800  }
0xb9: {  	[tilespmem:s15], [sflag:$0x1] =	stream.indirect.gather [hbm4b:s4+s14], $0x10, s1, s14, $0xb8;
	[tilespmem:$0xB780] =	vst v63  }
0xba: {  	s29 =	sadd.s32 $0x80, s1  }
0xbb: {  	[tilespmem:s16], [sflag:$0x1] =	stream.indirect.gather [hbm4b:s4+s14], $0x10, s29, s14, $0xb8;
	[tilespmem:$0xB780] =	vst v63  }
0xbc: {  	s31 =	sadd.s32 $0x100, s1  }
0xbd: {  	[tilespmem:s17], [sflag:$0x1] =	stream.indirect.gather [hbm4b:s4+s14], $0x10, s31, s14, $0xb8;
	[tilespmem:$0xB780] =	vst v63  }
0xbe: {  	s30 =	sadd.s32 $0x180, s1  }
0xbf: {  	[tilespmem:s18], [sflag:$0x1] =	stream.indirect.gather [hbm4b:s4+s14], $0x10, s30, s14, $0xb8;
	[tilespmem:$0xB780] =	vst v63  }
0xc0: {  	s31 =	sadd.s32 $0x200, s1  }
0xc1: {  	[tilespmem:s19], [sflag:$0x2] =	stream.indirect.gather [hbm4b:s4+s14], $0x10, s31, s14, $0xb8;
	[tilespmem:$0xB780] =	vst v63  }
0xc2: {  	s30 =	sadd.s32 $0x280, s1  }
0xc3: {  	[tilespmem:s20], [sflag:$0x2] =	stream.indirect.gather [hbm4b:s4+s14], $0x10, s30, s14, $0xb8;
	[tilespmem:$0xB780] =	vst v63  }
0xc4: {  	s31 =	sadd.s32 $0x300, s1  }
0xc5: {  	[tilespmem:s21], [sflag:$0x2] =	stream.indirect.gather [hbm4b:s4+s14], $0x10, s31, s14, $0xb8;
	[tilespmem:$0xB780] =	vst v63  }
0xc6: {  	s30 =	sadd.s32 $0x380, s1  }
0xc7: {  	[tilespmem:s22], [sflag:$0x2] =	stream.indirect.gather [hbm4b:s4+s14], $0x10, s30, s14, $0xb8;
	[tilespmem:$0xB780] =	vst v63  }
0xc8: {  	_ =	swait.ge [sflag:s23], $0x800  }
0xc9: {  	[sflag:s23] =	ssyncset.done $0x0  }
0xca: {  	[sflag:s23] =	ssyncadd.s32 $0xFFFFF800  }
0xcb: {  	_ =	swait.ge [sflag:s23], $0x800  }
0xcc: {  	[sflag:s23] =	ssyncset.done $0x0  }
0xcd: {  	[sflag:s23] =	ssyncadd.s32 $0xFFFFF800  }
0xce: {  	_ =	swait.ge [sflag:s23], $0x800  }
0xcf: {  	[sflag:s23] =	ssyncset.done $0x0  }
0xd0: {  	[sflag:s23] =	ssyncadd.s32 $0xFFFFF800  }
0xd1: {  	_ =	swait.ge [sflag:s23], $0x800  }
0xd2: {  	[sflag:s23] =	ssyncset.done $0x0  }
0xd3: {  	s31 =	sadd.s32 $0x2800, s1;
	[sflag:s23] =	ssyncadd.s32 $0xFFFFF800  }
0xd4: {  	[spmem:s2] =	stream.indirect.scatter.add.f32 [tilespmem:s15], [sflag:$0x3], $0x10, s31, s14, $0xb8;
	[tilespmem:$0xB780] =	vst v63  }
0xd5: {  	s30 =	sadd.s32 $0x2880, s1  }
0xd6: {  	[spmem:s2] =	stream.indirect.scatter.add.f32 [tilespmem:s16], [sflag:$0x3], $0x10, s30, s14, $0xb8;
	[tilespmem:$0xB780] =	vst v63  }
0xd7: {  	s31 =	sadd.s32 $0x2900, s1  }
0xd8: {  	[spmem:s2] =	stream.indirect.scatter.add.f32 [tilespmem:s17], [sflag:$0x3], $0x10, s31, s14, $0xb8;
	[tilespmem:$0xB780] =	vst v63  }
0xd9: {  	s30 =	sadd.s32 $0x2980, s1  }
0xda: {  	[spmem:s2] =	stream.indirect.scatter.add.f32 [tilespmem:s18], [sflag:$0x3], $0x10, s30, s14, $0xb8;
	[tilespmem:$0xB780] =	vst v63  }
0xdb: {  	_ =	swait.ge [sflag:s24], $0x800  }
0xdc: {  	[sflag:s24] =	ssyncset.done $0x0  }
0xdd: {  	[sflag:s24] =	ssyncadd.s32 $0xFFFFF800  }
0xde: {  	_ =	swait.ge [sflag:s24], $0x800  }
0xdf: {  	[sflag:s24] =	ssyncset.done $0x0  }
0xe0: {  	[sflag:s24] =	ssyncadd.s32 $0xFFFFF800  }
0xe1: {  	_ =	swait.ge [sflag:s24], $0x800  }
0xe2: {  	[sflag:s24] =	ssyncset.done $0x0  }
0xe3: {  	[sflag:s24] =	ssyncadd.s32 $0xFFFFF800  }
0xe4: {  	_ =	swait.ge [sflag:s24], $0x800  }
0xe5: {  	[sflag:s24] =	ssyncset.done $0x0  }
0xe6: {  	s31 =	sadd.s32 $0x2A00, s1;
	[sflag:s24] =	ssyncadd.s32 $0xFFFFF800  }
0xe7: {  	[spmem:s2] =	stream.indirect.scatter.add.f32 [tilespmem:s19], [sflag:$0x4], $0x10, s31, s14, $0xb8;
	[tilespmem:$0xB780] =	vst v63  }
0xe8: {  	s30 =	sadd.s32 $0x2A80, s1  }
0xe9: {  	[spmem:s2] =	stream.indirect.scatter.add.f32 [tilespmem:s20], [sflag:$0x4], $0x10, s30, s14, $0xb8;
	[tilespmem:$0xB780] =	vst v63  }
0xea: {  	s31 =	sadd.s32 $0x2B00, s1  }
0xeb: {  	[spmem:s2] =	stream.indirect.scatter.add.f32 [tilespmem:s21], [sflag:$0x4], $0x10, s31, s14, $0xb8;
	[tilespmem:$0xB780] =	vst v63  }
0xec: {  	s1 =	sadd.s32 $0x2B80, s1  }
0xed: {  	[spmem:s2] =	stream.indirect.scatter.add.f32 [tilespmem:s22], [sflag:$0x4], $0x10, s1, s14, $0xb8;
	[tilespmem:$0xB780] =	vst v63  }
0xee: {  	_ =	swait.ge [sflag:s25], $0x800  }
0xef: {  	[sflag:s25] =	ssyncset.done $0x0  }
0xf0: {  	[sflag:s25] =	ssyncadd.s32 $0xFFFFF800  }
0xf1: {  	_ =	swait.ge [sflag:s25], $0x800  }
0xf2: {  	[sflag:s25] =	ssyncset.done $0x0  }
0xf3: {  	[sflag:s25] =	ssyncadd.s32 $0xFFFFF800  }
0xf4: {  	_ =	swait.ge [sflag:s25], $0x800  }
0xf5: {  	[sflag:s25] =	ssyncset.done $0x0  }
0xf6: {  	[sflag:s25] =	ssyncadd.s32 $0xFFFFF800  }
0xf7: {  	_ =	swait.ge [sflag:s25], $0x800  }
0xf8: {  	[sflag:s25] =	ssyncset.done $0x0  }
0xf9: {  	[sflag:s25] =	ssyncadd.s32 $0xFFFFF800  }
0xfa: {  	_ =	swait.ge [sflag:s26], $0x800  }
0xfb: {  	[sflag:s26] =	ssyncset.done $0x0  }
0xfc: {  	[sflag:s26] =	ssyncadd.s32 $0xFFFFF800  }
0xfd: {  	_ =	swait.ge [sflag:s26], $0x800  }
0xfe: {  	[sflag:s26] =	ssyncset.done $0x0  }
0xff: {  	[sflag:s26] =	ssyncadd.s32 $0xFFFFF800  }
0x100: {  	_ =	swait.ge [sflag:s26], $0x800  }
0x101: {  	[sflag:s26] =	ssyncset.done $0x0  }
0x102: {  	[sflag:s26] =	ssyncadd.s32 $0xFFFFF800  }
0x103: {  	_ =	swait.ge [sflag:s26], $0x800  }
0x104: {  	s28 =	sadd.s32 $0x1, s28;
	[sflag:s26] =	ssyncset.done $0x0  }
0x105: {  	p0 =	sne.s32 s28, s10;
	[sflag:s26] =	ssyncadd.s32 $0xFFFFF800  }
.Ltmp1:
0x106: {  	[bflag:$0x0] =	sbarrier.arrive $0xFFFF;
	(pc) =	sbr.rel @p0 .LBB2_1-.Ltmp1, $4  }
0x107: {  	[hbm:s9], [sflag:s6] =	dma.local [spmem:s11], $0x4F0  }
0x108: {  	_ =	swait.ge [sflag:s12], $0x4F0  }
0x109: {  	[sflag:s12] =	ssyncset.done $0x0  }
0x10a: {  	[sflag:s12] =	ssyncadd.s32 $0xFFFFFB10  }
0x10b: {  	_ =	sfence.sel $0x180000  }
0x10c: {  	[bflag:$0x0] =	sbarrier.arrive $0xFFFF  }
0x10d: {  	_ =	strace $0x9000004A  }
0x10e: {  	[bflag:$0x2] =	sbarrier.arrive $0xFFFF  }
0x10f: {  	p0 =	sne.s32 s0, $0x0;
	s0 =	rddreg [dreg:$0x2]  }
0x110: {  	s0 =	sadd.s32 @!p0 $0x100000, s0  }
0x111: {  	[sflag:s0] =	ssyncadd.tile.s32 @!p0 $0x1;
	_ =	shalt  }
.Lfunc_end2:
_tile_overlayer_lowered:
.L_overlay_start_2:
0x112: {  	(tag) =	ssettag $0x2  }
0x113: {  	s0 =	rddreg [dreg:$0x0];
	s2 =	stileid.u32  }
0x114: {  	s1 =	rddreg [dreg:$0x1];
	p0 =	sne.s32 s2, $0x0  }
0x115: {  	s3 =	rddreg [dreg:$0x2];
	[bflag:$0x3] =	sbarrier.arrive $0xFFFF;
	s2 =	simm.s32 @!p0 $0x1C05  }
0x116: {  	[timem:s3], [sflag:s2] =	dma.local @!p0 [hbm:s0], s1  }
0x117: {  	s0 =	simm.s32 @!p0 $0x5  }
0x118: {  	_ =	swait.ge @!p0 [sflag:s0], s1  }
0x119: {  	s1 =	ssub.s32 @!p0 $0x0, s1;
	[sflag:s0] =	ssyncset.done @!p0 $0x0  }
0x11a: {  	[sflag:s0] =	ssyncadd.s32 @!p0 s1  }
0x11b: {  	[bflag:$0x3] =	sbarrier.arrive $0xFFFF  }
0x11c: {  	_ =	shalt  }

// kernel: kernel.14.cloned.1.call-start
scs
__scs_entry_jumppad:
0x0: {  	(pc) =	sbr.rel $0x88, $3  }
0x1: {  	(tag) =	ssettag $0x0;
	lr =	simm.s32 $0x1  }
0x2: {  	[smem:$0x3F98] =	sst lr;
	_ =	strace $0xD0000000  }
0x3: {  	_ = 	snop  }
0x4: {  	_ = 	snop  }
0x5: {  	_ = 	snop  }
0x6: {  	_ = 	snop  }
0x7: {  	_ = 	snop  }
__scs_overlays_trampoline_lowered:
0x8: {  	[smem:$0x3FA7] =	sst s0  }
0x9: {  	[smem:$0x3FA8] =	sst s1  }
0xa: {  	[smem:$0x3FA9] =	sst s2  }
0xb: {  	[smem:$0x3FAA] =	sst s3  }
0xc: {  	[smem:$0x3FAB] =	sst s4  }
0xd: {  	[smem:$0x3FAC] =	sst s5  }
0xe: {  	[smem:$0x3FAD] =	sst s6  }
0xf: {  	[smem:$0x3FAE] =	sst s7  }
0x10: {  	[smem:$0x3FAF] =	sst s8  }
0x11: {  	[smem:$0x3FB0] =	sst s9;
	s0 =	simm.s32 @!p0 $0x0  }
0x12: {  	s1 =	sld [smem:$0x3F96];
	s0 =	simm.s32 @p0 $0x1  }
0x13: {  	[smem:$0x3FB1] =	sst s0;
	s0 =	simm.s32 @!p1 $0x0  }
0x14: {  	s2 =	sld [smem:$0x3F95];
	s0 =	simm.s32 @p1 $0x1  }
0x15: {  	[smem:$0x3FB2] =	sst s0;
	s0 =	simm.s32 @!p2 $0x0  }
0x16: {  	s3 =	sld [smem:$0x3FDB];
	s0 =	simm.s32 @p2 $0x1  }
0x17: {  	s4 =	simm.s32 $0x1BF5;
	[smem:$0x3FB4] =	sst s0  }
0x18: {  	s0 =	sld [smem:$0x3F97];
	_ =	swait.ge [sflag:s4], $0x0  }
0x19: {  	s7 =	sld [smem:$0x3F98]  }
0x1a: {  	s8 =	sadd.s32 $0xFFFFE003, lr  }
0x1b: {  	s9 =	sadd.s32 $0xFFFFFEF7, lr;
	s5 =	simm.s32 $0xFFFFFFFF;
	p2 =	slt.u32 s8, $0xFFFFF086  }
0x1c: {  	p1 =	slt.u32 s9, $0xF7A;
	s5 =	simm.s32 @!p2 $0x0  }
0x1d: {  	s5 =	simm.s32 @p1 $0x1;
	p0 =	seq.s32 s7, s2  }
0x1e: {  	s7 =	smul.u32 @!p0 $0xF7A, s2;
	p2 =	seq.s32 @!p0 s5, $0x0  }
0x1f: {  	s9 =	smul.u32 $0xF7A, s1;
	s8 =	simm.s32 @!p0 $0x1BF5;
	p2 =	por !p2, p0  }
0x20: {  	[sflag:s8] =	ssyncset.s32 @!p0 $0xFFFFF086;
	s6 =	sadd.s32 @!p0 s3, s7;
	s7 =	simm.s32 @!p0 $0x108  }
0x21: {  	s3 =	sadd.s32 s3, s9;
	s6 =	sadd.s32 @!p0 $0x88, s6;
	s7 =	simm.s32 @p2 $0x1082  }
0x22: {  	[simem:s7], [sflag:s8] =	dma.local @!p0 [hbm:s6], $0xF7A  }
0x23: {  	s9 =	sor.u32 $0xD0000000, s2;
	s6 =	simm.s32 $0x108;
	_ =	swait.ge @!p0 [sflag:s8], $0x0  }
0x24: {  	s3 =	sadd.s32 $0x88, s3;
	s6 =	simm.s32 @!p1 $0x1082;
	[sflag:s4] =	ssyncset.s32 $0xFFFFF086  }
0x25: {  	[simem:s6], [sflag:s4] =	dma.local [hbm:s3], $0xF7A  }
0x26: {  	[smem:$0x3F98] =	sst s1;
	(tag) =	ssettag s2;
	_ =	strace s9  }
0x27: {  	s1 =	sld [smem:$0x3FA8]  }
0x28: {  	s2 =	sld [smem:$0x3FA9]  }
0x29: {  	s4 =	sld [smem:$0x3FAB]  }
0x2a: {  	p0 =	seq.s32 s5, $0x0;
	s5 =	sld [smem:$0x3FAC]  }
0x2b: {  	s6 =	sld [smem:$0x3FAD]  }
0x2c: {  	s7 =	sld [smem:$0x3FAE]  }
0x2d: {  	s3 =	simm.s32 $0x108;
	s8 =	sld [smem:$0x3FAF]  }
0x2e: {  	s3 =	simm.s32 @!p0 $0x1082;
	s9 =	sld [smem:$0x3FB0]  }
0x2f: {  	lr =	sadd.s32 s0, s3;
	s0 =	sld [smem:$0x3FA7]  }
0x30: {  	s3 =	sld [smem:$0x3FAA]  }
0x31: {  	[smem:$0x3FB3] =	sst s10  }
0x32: {  	s10 =	sld [smem:$0x3FB1];
	_ =	sdelay $0x3  }
0x33: {  	p0 =	seq.s32 s10, $0x1;
	s10 =	sld [smem:$0x3FB3];
	_ =	sdelay $0x3  }
0x34: {  	[smem:$0x3FB3] =	sst s10  }
0x35: {  	s10 =	sld [smem:$0x3FB2];
	_ =	sdelay $0x3  }
0x36: {  	p1 =	seq.s32 s10, $0x1;
	s10 =	sld [smem:$0x3FB3];
	_ =	sdelay $0x3  }
0x37: {  	[smem:$0x3FB3] =	sst s10  }
0x38: {  	s10 =	sld [smem:$0x3FB4]  }
0x39: {  	_ = 	snop;
	(pc) =	sbr.ind lr, $3  }
0x3a: {  	_ = 	snop  }
0x3b: {  	_ = 	snop  }
0x3c: {  	p2 =	seq.s32 s10, $0x1;
	s10 =	sld [smem:$0x3FB3]  }
0x3d: {  	_ =	shalt  }
0x3e: {  	_ =	shalt  }
0x3f: {  	_ =	shalt  }
0x40: {  	_ =	shalt  }
0x41: {  	_ =	shalt  }
0x42: {  	_ =	shalt  }
0x43: {  	_ =	shalt  }
0x44: {  	_ =	shalt  }
0x45: {  	_ =	shalt  }
0x46: {  	_ =	shalt  }
0x47: {  	_ =	shalt  }
0x48: {  	_ =	shalt  }
0x49: {  	_ =	shalt  }
0x4a: {  	_ =	shalt  }
0x4b: {  	_ =	shalt  }
0x4c: {  	_ =	shalt  }
0x4d: {  	_ =	shalt  }
0x4e: {  	_ =	shalt  }
0x4f: {  	_ =	shalt  }
0x50: {  	_ =	shalt  }
0x51: {  	_ =	shalt  }
0x52: {  	_ =	shalt  }
0x53: {  	_ =	shalt  }
0x54: {  	_ =	shalt  }
0x55: {  	_ =	shalt  }
0x56: {  	_ =	shalt  }
0x57: {  	_ =	shalt  }
0x58: {  	_ =	shalt  }
0x59: {  	_ =	shalt  }
0x5a: {  	_ =	shalt  }
0x5b: {  	_ =	shalt  }
0x5c: {  	_ =	shalt  }
0x5d: {  	_ =	shalt  }
0x5e: {  	_ =	shalt  }
0x5f: {  	_ =	shalt  }
0x60: {  	_ =	shalt  }
0x61: {  	_ =	shalt  }
0x62: {  	_ =	shalt  }
0x63: {  	_ =	shalt  }
0x64: {  	_ =	shalt  }
0x65: {  	_ =	shalt  }
0x66: {  	_ =	shalt  }
0x67: {  	_ =	shalt  }
0x68: {  	_ =	shalt  }
0x69: {  	_ =	shalt  }
0x6a: {  	_ =	shalt  }
0x6b: {  	_ =	shalt  }
0x6c: {  	_ =	shalt  }
0x6d: {  	_ =	shalt  }
0x6e: {  	_ =	shalt  }
0x6f: {  	_ =	shalt  }
0x70: {  	_ =	shalt  }
0x71: {  	_ =	shalt  }
0x72: {  	_ =	shalt  }
0x73: {  	_ =	shalt  }
0x74: {  	_ =	shalt  }
0x75: {  	_ =	shalt  }
0x76: {  	_ =	shalt  }
0x77: {  	_ =	shalt  }
0x78: {  	_ =	shalt  }
0x79: {  	_ =	shalt  }
0x7a: {  	_ =	shalt  }
0x7b: {  	_ =	shalt  }
0x7c: {  	_ =	shalt  }
0x7d: {  	_ =	shalt  }
0x7e: {  	_ =	shalt  }
0x7f: {  	_ =	shalt  }
0x80: {  	_ =	shalt  }
0x81: {  	_ =	shalt  }
0x82: {  	_ =	shalt  }
0x83: {  	_ =	shalt  }
0x84: {  	_ =	shalt  }
0x85: {  	_ =	shalt  }
0x86: {  	_ =	shalt  }
0x87: {  	_ =	shalt  }
.Lfunc_end0:
.L_simem_size_0:
called_computation.2_lowered:
.L_overlay_start_0:
0x88: {  	s2 =	sld [smem:$0x3FD9]  }
0x89: {  	s3 =	sld [smem:$0x3FFE];
	_ =	sdelay $0x1  }
0x8a: {  	s1 =	srdreg.scid  }
0x8b: {  	s0 =	sand.u32 $0x1, s1  }
0x8c: {  	s16 =	sshll.u32 s0, $0xA;
	s2 =	sadd.s32 s3, s2  }
0x8d: {  	s2 =	sadd.s32 s2, s16  }
0x8e: {  	[smem:$0x3FBF] =	sst s2  }
0x8f: {  	_ = 	snop  }
0x90: {  	(tm) =	ssettm $0x1  }
0x91: {  	s17 =	sld [smem:$0x3FFB];
	_ =	sdelay $0x3  }
0x92: {  	_ =	strace s17  }
0x93: {  	s2 =	sld [smem:$0x3FFC];
	_ =	sdelay $0x3  }
0x94: {  	_ =	strace s2  }
0x95: {  	s2 =	sld [smem:$0x3FFD];
	_ =	sdelay $0x3  }
0x96: {  	_ =	strace s2  }
0x97: {  	_ =	strace $0x8FFFFFFF  }
0x98: {  	s18 =	sld [smem:$0x3FDB];
	_ =	sdelay $0x1  }
0x99: {  	s19 =	simm.s32 $_scs_section_size  }
0x9a: {  	s4 =	simm.s32 $_size__tile_overlayer_lowered;
	s5 =	simm.s32 $_tile_overlayer_lowered  }
0x9b: {  	s22 =	simm.s32 $0x1BFF;
	s21 =	sshll.u32 s5, $0x1;
	s2 =	sadd.s32 s19, s18  }
0x9c: {  	s6 =	simm.s32 $0x0;
	s20 =	sshll.u32 s4, $0x1;
	s4 =	sadd.s32 s21, s2  }
0x9d: {  	[timem:s6], [sflag:s22] =	dma.local [hbm:s4], s20  }
0x9e: {  	_ =	swait.ge [sflag:s22], s20  }
0x9f: {  	s3 =	ssub.s32 $0x0, s20;
	[sflag:s22] =	ssyncset.done $0x0  }
0xa0: {  	[sflag:s22] =	ssyncadd.s32 s3;
	_ =	sdelay $0x1  }
0xa1: {  	s23 =	simm.s32 $0x1B8B  }
0xa2: {  	_ =	swait.ge [sflag:s23], $0x1  }
0xa3: {  	[sflag:s23] =	ssyncset.done $0x0  }
0xa4: {  	s25 =	simm.s32 $0x1B8E;
	s24 =	sld [smem:$0x3FFE];
	[sflag:s23] =	ssyncadd.s32 $0xFFFFFFFF  }
0xa5: {  	s26 =	simm.s32 $execute0_lowered;
	[smem:$0x3FD2] =	sst s25  }
0xa6: {  	s4 =	sshll.u32 s26, $0x1;
	_ =	strace $0x8000004C;
	[dreg:$0x1] =	wrdreg $0xFFFFFFFF  }
0xa7: {  	s28 =	simm.s32 $_size_execute0_lowered;
	s2 =	sadd.s32 s2, s4;
	[dreg:$0x0] =	wrdreg $0x0  }
0xa8: {  	s4 =	sshll.u32 s28, $0x1;
	[dreg:$0x2] =	wrdreg s2  }
0xa9: {  	[dreg:$0x3] =	wrdreg s4  }
0xaa: {  	[dreg:$0x4] =	wrdreg $0xC0  }
0xab: {  	_ =	task [dreg:s6], $0x5FFFF  }
0xac: {  	[dreg:$0x1] =	wrdreg $0xFFFFFFFF  }
0xad: {  	[dreg:$0x0] =	wrdreg $0x60  }
0xae: {  	[dreg:$0x2] =	wrdreg s24  }
0xaf: {  	[dreg:$0x3] =	wrdreg $0x90000  }
0xb0: {  	[dreg:$0x4] =	wrdreg $0x9  }
0xb1: {  	_ =	task.clear_ibuf [dreg:s6], $0x5FFFF;
	_ =	strace $0x9000004C  }
0xb2: {  	s29 =	simm.s32 $0x9;
	_ =	strace $0x8000004E  }
0xb3: {  	_ =	swait.ge [sflag:s29], $0x1  }
0xb4: {  	[sflag:s29] =	ssyncadd.s32 $0xFFFFFFFF  }
0xb5: {  	_ =	strace $0x9000004E  }
0xb6: {  	_ =	sfence  }
0xb7: {  	s30 =	sld [smem:$0x0];
	_ =	sdelay $0x2  }
0xb8: {  	s31 =	sshll.u32 s1, $0xD;
	s1 =	sshrl.u32 s1, $0x2  }
0xb9: {  	s3 =	sand.u32 $0x4000, s31;
	s1 =	sadd.s32 s1, s30  }
0xba: {  	s0 =	sor.u32 s3, s0;
	s1 =	sshll.u32 s1, $0x11  }
0xbb: {  	s0 =	sor.u32 s1, s0  }
0xbc: {  	s0 =	sadd.s32 $0x8F2B, s0  }
0xbd: {  	[sflag:s0] =	ssyncadd.remote.s32 $0x1  }
0xbe: {  	_ =	sfence.sel $0xFFFF  }
0xbf: {  	[dreg:$0x0] =	wrdreg $0xFFFFFFFF;
	(pc) =	sbr.abs _section_cstart, $3  }
0xc0: {  	[dreg:$0x1] =	wrdreg $0xFFFFFFFF  }
0xc1: {  	_ =	task.clear_ibuf [dreg:s6], $0x2FFFF;
	_ =	strace $0x9FFFFFFF  }
0xc2: {  	(tm) =	ssettm $0x7FFFFFFF  }
0xc3: {  	_ =	shalt  }
tec
execute0_lowered:
.L_overlay_start_1:
0x0: {  	(tag) =	ssettag $0x1  }
0x1: {  	s1 =	srdreg.scid  }
0x2: {  	s0 =	stileid.u32;
	s6 =	rddreg [dreg:$0x0];
	s12 =	simm.s32 $0x5  }
0x3: {  	s13 =	simm.s32 $0x2800;
	s14 =	simm.s32 $0x80;
	s15 =	simm.s32 $0x5000  }
0x4: {  	s16 =	simm.s32 $0x5800;
	s17 =	simm.s32 $0x6000;
	s18 =	simm.s32 $0x6800  }
0x5: {  	s19 =	simm.s32 $0x7000;
	s20 =	simm.s32 $0x7800;
	s21 =	simm.s32 $0x8000  }
0x6: {  	s22 =	simm.s32 $0x8800;
	s23 =	simm.s32 $0x1;
	s24 =	simm.s32 $0x2  }
0x7: {  	s25 =	simm.s32 $0x3;
	s26 =	simm.s32 $0x4;
	s28 =	simm.s32 $0x0  }
0x8: {  	s1 =	sand.u32 $0x1, s1;
	s2 =	sshll.u32 s0, $0x1;
	s7 =	smul.u32 $0x2780, s0  }
0x9: {  	s4 =	sadd.s32 $0xC200, s6;
	s31 =	sshll.u32 s0, $0x6;
	s3 =	sor.u32 s1, s2  }
0xa: {  	s2 =	rddreg [dreg:$0x1];
	s8 =	smul.u32 $0x27800, s1;
	s1 =	ssub.s32 $0x2, s1  }
0xb: {  	s5 =	smul.u32 $0x500, s3;
	s3 =	simm.s32 $0x0;
	s30 =	sshrl.u32 s1, $0x1  }
0xc: {  	s11 =	sadd.s32 s7, s2;
	[smem:$0x7FF] =	sst s3;
	s8 =	sadd.s32 s7, s8  }
0xd: {  	s1 =	ssub.s32 s1, s30;
	s11 =	sshrl.u32 s11, $0x3;
	_ =	strace $0x8000004D  }
0xe: {  	s9 =	sadd.s32 s5, s6;
	s5 =	sadd.s32 $0xBC00, s6;
	s8 =	sshrl.u32 s8, $0x3  }
0xf: {  	s10 =	sadd.s32 s8, s6;
	s6 =	sor.u32 $0x1C05, s31;
	s7 =	sadd.s32 $0x16200, s9  }
0x10: {  	s8 =	sadd.s32 $0x1C00, s9;
	s9 =	sadd.s32 $0x20200, s10;
	s10 =	smax.u32 s1, $0x1  }
.LBB2_1:
0x11: {  	[spmem:s11], [sflag:s6] =	dma.local [hbm:s5], $0x4F0  }
0x12: {  	_ =	swait.ge [sflag:s12], $0x4F0  }
0x13: {  	[sflag:s12] =	ssyncset.done $0x0  }
0x14: {  	[sflag:s12] =	ssyncadd.s32 $0xFFFFFB10  }
0x15: {  	[tilespmem:s3], [sflag:$0x5] =	stream.linear.gather [hbm4b:s7+s3], $0x2800, $0x38;
	[tilespmem:$0xB780] =	vst v63  }
0x16: {  	_ =	swait.ge [sflag:s12], $0x2800  }
0x17: {  	[sflag:s12] =	ssyncset.done $0x0  }
0x18: {  	[sflag:s12] =	ssyncadd.s32 $0xFFFFD800  }
0x19: {  	[tilespmem:s13], [sflag:$0x5] =	stream.linear.gather [hbm4b:s8+s3], $0x2800, $0x38;
	[tilespmem:$0xB780] =	vst v63  }
0x1a: {  	_ =	swait.ge [sflag:s12], $0x2800  }
0x1b: {  	[sflag:s12] =	ssyncset.done $0x0  }
0x1c: {  	[sflag:s12] =	ssyncadd.s32 $0xFFFFD800  }
0x1d: {  	s1 =	simm.s32 $0x0;
	[bflag:$0x0] =	sbarrier.arrive $0xFFFF  }
0x1e: {  	[tilespmem:s15], [sflag:$0x1] =	stream.indirect.gather [hbm4b:s4+s14], $0x10, s1, s14, $0xb8;
	[tilespmem:$0xB780] =	vst v63  }
0x1f: {  	s31 =	simm.s32 $0x80  }
0x20: {  	[tilespmem:s16], [sflag:$0x1] =	stream.indirect.gather [hbm4b:s4+s14], $0x10, s31, s14, $0xb8;
	[tilespmem:$0xB780] =	vst v63  }
0x21: {  	s31 =	simm.s32 $0x100  }
0x22: {  	[tilespmem:s17], [sflag:$0x1] =	stream.indirect.gather [hbm4b:s4+s14], $0x10, s31, s14, $0xb8;
	[tilespmem:$0xB780] =	vst v63  }
0x23: {  	s31 =	simm.s32 $0x180  }
0x24: {  	[tilespmem:s18], [sflag:$0x1] =	stream.indirect.gather [hbm4b:s4+s14], $0x10, s31, s14, $0xb8;
	[tilespmem:$0xB780] =	vst v63  }
0x25: {  	s31 =	simm.s32 $0x200  }
0x26: {  	[tilespmem:s19], [sflag:$0x2] =	stream.indirect.gather [hbm4b:s4+s14], $0x10, s31, s14, $0xb8;
	[tilespmem:$0xB780] =	vst v63  }
0x27: {  	s31 =	simm.s32 $0x280  }
0x28: {  	[tilespmem:s20], [sflag:$0x2] =	stream.indirect.gather [hbm4b:s4+s14], $0x10, s31, s14, $0xb8;
	[tilespmem:$0xB780] =	vst v63  }
0x29: {  	s31 =	simm.s32 $0x300  }
0x2a: {  	[tilespmem:s21], [sflag:$0x2] =	stream.indirect.gather [hbm4b:s4+s14], $0x10, s31, s14, $0xb8;
	[tilespmem:$0xB780] =	vst v63  }
0x2b: {  	s31 =	simm.s32 $0x380  }
0x2c: {  	[tilespmem:s22], [sflag:$0x2] =	stream.indirect.gather [hbm4b:s4+s14], $0x10, s31, s14, $0xb8;
	[tilespmem:$0xB780] =	vst v63  }
0x2d: {  	_ =	swait.ge [sflag:s23], $0x800  }
0x2e: {  	[sflag:s23] =	ssyncset.done $0x0  }
0x2f: {  	[sflag:s23] =	ssyncadd.s32 $0xFFFFF800  }
0x30: {  	_ =	swait.ge [sflag:s23], $0x800  }
0x31: {  	[sflag:s23] =	ssyncset.done $0x0  }
0x32: {  	[sflag:s23] =	ssyncadd.s32 $0xFFFFF800  }
0x33: {  	_ =	swait.ge [sflag:s23], $0x800  }
0x34: {  	[sflag:s23] =	ssyncset.done $0x0  }
0x35: {  	[sflag:s23] =	ssyncadd.s32 $0xFFFFF800  }
0x36: {  	_ =	swait.ge [sflag:s23], $0x800  }
0x37: {  	[sflag:s23] =	ssyncset.done $0x0  }
0x38: {  	s31 =	simm.s32 $0x2800;
	[sflag:s23] =	ssyncadd.s32 $0xFFFFF800  }
0x39: {  	[spmem:s2] =	stream.indirect.scatter.add.f32 [tilespmem:s15], [sflag:$0x3], $0x10, s31, s14, $0xb8;
	[tilespmem:$0xB780] =	vst v63  }
0x3a: {  	s31 =	simm.s32 $0x2880  }
0x3b: {  	[spmem:s2] =	stream.indirect.scatter.add.f32 [tilespmem:s16], [sflag:$0x3], $0x10, s31, s14, $0xb8;
	[tilespmem:$0xB780] =	vst v63  }
0x3c: {  	s31 =	simm.s32 $0x2900  }
0x3d: {  	[spmem:s2] =	stream.indirect.scatter.add.f32 [tilespmem:s17], [sflag:$0x3], $0x10, s31, s14, $0xb8;
	[tilespmem:$0xB780] =	vst v63  }
0x3e: {  	s31 =	simm.s32 $0x2980  }
0x3f: {  	[spmem:s2] =	stream.indirect.scatter.add.f32 [tilespmem:s18], [sflag:$0x3], $0x10, s31, s14, $0xb8;
	[tilespmem:$0xB780] =	vst v63  }
0x40: {  	_ =	swait.ge [sflag:s24], $0x800  }
0x41: {  	[sflag:s24] =	ssyncset.done $0x0  }
0x42: {  	[sflag:s24] =	ssyncadd.s32 $0xFFFFF800  }
0x43: {  	_ =	swait.ge [sflag:s24], $0x800  }
0x44: {  	[sflag:s24] =	ssyncset.done $0x0  }
0x45: {  	[sflag:s24] =	ssyncadd.s32 $0xFFFFF800  }
0x46: {  	_ =	swait.ge [sflag:s24], $0x800  }
0x47: {  	[sflag:s24] =	ssyncset.done $0x0  }
0x48: {  	[sflag:s24] =	ssyncadd.s32 $0xFFFFF800  }
0x49: {  	_ =	swait.ge [sflag:s24], $0x800  }
0x4a: {  	[sflag:s24] =	ssyncset.done $0x0  }
0x4b: {  	s31 =	simm.s32 $0x2A00;
	[sflag:s24] =	ssyncadd.s32 $0xFFFFF800  }
0x4c: {  	[spmem:s2] =	stream.indirect.scatter.add.f32 [tilespmem:s19], [sflag:$0x4], $0x10, s31, s14, $0xb8;
	[tilespmem:$0xB780] =	vst v63  }
0x4d: {  	s31 =	simm.s32 $0x2A80  }
0x4e: {  	[spmem:s2] =	stream.indirect.scatter.add.f32 [tilespmem:s20], [sflag:$0x4], $0x10, s31, s14, $0xb8;
	[tilespmem:$0xB780] =	vst v63  }
0x4f: {  	s31 =	simm.s32 $0x2B00  }
0x50: {  	[spmem:s2] =	stream.indirect.scatter.add.f32 [tilespmem:s21], [sflag:$0x4], $0x10, s31, s14, $0xb8;
	[tilespmem:$0xB780] =	vst v63  }
0x51: {  	s31 =	simm.s32 $0x2B80  }
0x52: {  	[spmem:s2] =	stream.indirect.scatter.add.f32 [tilespmem:s22], [sflag:$0x4], $0x10, s31, s14, $0xb8;
	[tilespmem:$0xB780] =	vst v63  }
0x53: {  	_ =	swait.ge [sflag:s25], $0x800  }
0x54: {  	[sflag:s25] =	ssyncset.done $0x0  }
0x55: {  	[sflag:s25] =	ssyncadd.s32 $0xFFFFF800  }
0x56: {  	_ =	swait.ge [sflag:s25], $0x800  }
0x57: {  	[sflag:s25] =	ssyncset.done $0x0  }
0x58: {  	[sflag:s25] =	ssyncadd.s32 $0xFFFFF800  }
0x59: {  	_ =	swait.ge [sflag:s25], $0x800  }
0x5a: {  	[sflag:s25] =	ssyncset.done $0x0  }
0x5b: {  	[sflag:s25] =	ssyncadd.s32 $0xFFFFF800  }
0x5c: {  	_ =	swait.ge [sflag:s25], $0x800  }
0x5d: {  	[sflag:s25] =	ssyncset.done $0x0  }
0x5e: {  	[sflag:s25] =	ssyncadd.s32 $0xFFFFF800  }
0x5f: {  	_ =	swait.ge [sflag:s26], $0x800  }
0x60: {  	[sflag:s26] =	ssyncset.done $0x0  }
0x61: {  	[sflag:s26] =	ssyncadd.s32 $0xFFFFF800  }
0x62: {  	_ =	swait.ge [sflag:s26], $0x800  }
0x63: {  	[sflag:s26] =	ssyncset.done $0x0  }
0x64: {  	[sflag:s26] =	ssyncadd.s32 $0xFFFFF800  }
0x65: {  	_ =	swait.ge [sflag:s26], $0x800  }
0x66: {  	[sflag:s26] =	ssyncset.done $0x0  }
0x67: {  	[sflag:s26] =	ssyncadd.s32 $0xFFFFF800  }
0x68: {  	_ =	swait.ge [sflag:s26], $0x800  }
0x69: {  	s29 =	simm.s32 $0x1000;
	s30 =	simm.s32 $0x2000;
	[sflag:s26] =	ssyncset.done $0x0  }
.LBB2_2:
0x6a: {  	s31 =	sshra.s32 s29, $0x2  }
0x6b: {  	[sflag:s26] =	ssyncadd.s32 $0xFFFFF800;
	s29 =	smov.u32 s30;
	s1 =	sadd.s32 $0x1000, s30  }
0x6c: {  	[tilespmem:s15], [sflag:$0x1] =	stream.indirect.gather [hbm4b:s4+s14], $0x10, s31, s14, $0xb8;
	[tilespmem:$0xB780] =	vst v63  }
0x6d: {  	p0 =	sne.s32 s30, $0x9000;
	s30 =	sadd.s32 $0x80, s31  }
0x6e: {  	[tilespmem:s16], [sflag:$0x1] =	stream.indirect.gather [hbm4b:s4+s14], $0x10, s30, s14, $0xb8;
	[tilespmem:$0xB780] =	vst v63  }
0x6f: {  	s30 =	sadd.s32 $0x100, s31  }
0x70: {  	[tilespmem:s17], [sflag:$0x1] =	stream.indirect.gather [hbm4b:s4+s14], $0x10, s30, s14, $0xb8;
	[tilespmem:$0xB780] =	vst v63  }
0x71: {  	s30 =	sadd.s32 $0x180, s31  }
0x72: {  	[tilespmem:s18], [sflag:$0x1] =	stream.indirect.gather [hbm4b:s4+s14], $0x10, s30, s14, $0xb8;
	[tilespmem:$0xB780] =	vst v63  }
0x73: {  	s30 =	sadd.s32 $0x200, s31  }
0x74: {  	[tilespmem:s19], [sflag:$0x2] =	stream.indirect.gather [hbm4b:s4+s14], $0x10, s30, s14, $0xb8;
	[tilespmem:$0xB780] =	vst v63  }
0x75: {  	s30 =	sadd.s32 $0x280, s31  }
0x76: {  	[tilespmem:s20], [sflag:$0x2] =	stream.indirect.gather [hbm4b:s4+s14], $0x10, s30, s14, $0xb8;
	[tilespmem:$0xB780] =	vst v63  }
0x77: {  	s30 =	sadd.s32 $0x300, s31  }
0x78: {  	[tilespmem:s21], [sflag:$0x2] =	stream.indirect.gather [hbm4b:s4+s14], $0x10, s30, s14, $0xb8;
	[tilespmem:$0xB780] =	vst v63  }
0x79: {  	s30 =	sadd.s32 $0x380, s31  }
0x7a: {  	[tilespmem:s22], [sflag:$0x2] =	stream.indirect.gather [hbm4b:s4+s14], $0x10, s30, s14, $0xb8;
	[tilespmem:$0xB780] =	vst v63  }
0x7b: {  	_ =	swait.ge [sflag:s23], $0x800  }
0x7c: {  	[sflag:s23] =	ssyncset.done $0x0  }
0x7d: {  	[sflag:s23] =	ssyncadd.s32 $0xFFFFF800  }
0x7e: {  	_ =	swait.ge [sflag:s23], $0x800  }
0x7f: {  	[sflag:s23] =	ssyncset.done $0x0  }
0x80: {  	[sflag:s23] =	ssyncadd.s32 $0xFFFFF800  }
0x81: {  	_ =	swait.ge [sflag:s23], $0x800  }
0x82: {  	[sflag:s23] =	ssyncset.done $0x0  }
0x83: {  	[sflag:s23] =	ssyncadd.s32 $0xFFFFF800  }
0x84: {  	_ =	swait.ge [sflag:s23], $0x800  }
0x85: {  	[sflag:s23] =	ssyncset.done $0x0  }
0x86: {  	s30 =	sadd.s32 $0x2800, s31;
	[sflag:s23] =	ssyncadd.s32 $0xFFFFF800  }
0x87: {  	[spmem:s2] =	stream.indirect.scatter.add.f32 [tilespmem:s15], [sflag:$0x3], $0x10, s30, s14, $0xb8;
	[tilespmem:$0xB780] =	vst v63  }
0x88: {  	s30 =	sadd.s32 $0x2880, s31  }
0x89: {  	[spmem:s2] =	stream.indirect.scatter.add.f32 [tilespmem:s16], [sflag:$0x3], $0x10, s30, s14, $0xb8;
	[tilespmem:$0xB780] =	vst v63  }
0x8a: {  	s30 =	sadd.s32 $0x2900, s31  }
0x8b: {  	[spmem:s2] =	stream.indirect.scatter.add.f32 [tilespmem:s17], [sflag:$0x3], $0x10, s30, s14, $0xb8;
	[tilespmem:$0xB780] =	vst v63  }
0x8c: {  	s30 =	sadd.s32 $0x2980, s31  }
0x8d: {  	[spmem:s2] =	stream.indirect.scatter.add.f32 [tilespmem:s18], [sflag:$0x3], $0x10, s30, s14, $0xb8;
	[tilespmem:$0xB780] =	vst v63  }
0x8e: {  	_ =	swait.ge [sflag:s24], $0x800  }
0x8f: {  	[sflag:s24] =	ssyncset.done $0x0  }
0x90: {  	[sflag:s24] =	ssyncadd.s32 $0xFFFFF800  }
0x91: {  	_ =	swait.ge [sflag:s24], $0x800  }
0x92: {  	[sflag:s24] =	ssyncset.done $0x0  }
0x93: {  	[sflag:s24] =	ssyncadd.s32 $0xFFFFF800  }
0x94: {  	_ =	swait.ge [sflag:s24], $0x800  }
0x95: {  	[sflag:s24] =	ssyncset.done $0x0  }
0x96: {  	[sflag:s24] =	ssyncadd.s32 $0xFFFFF800  }
0x97: {  	_ =	swait.ge [sflag:s24], $0x800  }
0x98: {  	[sflag:s24] =	ssyncset.done $0x0  }
0x99: {  	s30 =	sadd.s32 $0x2A00, s31;
	[sflag:s24] =	ssyncadd.s32 $0xFFFFF800  }
0x9a: {  	[spmem:s2] =	stream.indirect.scatter.add.f32 [tilespmem:s19], [sflag:$0x4], $0x10, s30, s14, $0xb8;
	[tilespmem:$0xB780] =	vst v63  }
0x9b: {  	s30 =	sadd.s32 $0x2A80, s31  }
0x9c: {  	[spmem:s2] =	stream.indirect.scatter.add.f32 [tilespmem:s20], [sflag:$0x4], $0x10, s30, s14, $0xb8;
	[tilespmem:$0xB780] =	vst v63  }
0x9d: {  	s30 =	sadd.s32 $0x2B00, s31  }
0x9e: {  	[spmem:s2] =	stream.indirect.scatter.add.f32 [tilespmem:s21], [sflag:$0x4], $0x10, s30, s14, $0xb8;
	[tilespmem:$0xB780] =	vst v63  }
0x9f: {  	s30 =	sadd.s32 $0x2B80, s31  }
0xa0: {  	[spmem:s2] =	stream.indirect.scatter.add.f32 [tilespmem:s22], [sflag:$0x4], $0x10, s30, s14, $0xb8;
	[tilespmem:$0xB780] =	vst v63  }
0xa1: {  	_ =	swait.ge [sflag:s25], $0x800  }
0xa2: {  	[sflag:s25] =	ssyncset.done $0x0  }
0xa3: {  	[sflag:s25] =	ssyncadd.s32 $0xFFFFF800  }
0xa4: {  	_ =	swait.ge [sflag:s25], $0x800  }
0xa5: {  	[sflag:s25] =	ssyncset.done $0x0  }
0xa6: {  	[sflag:s25] =	ssyncadd.s32 $0xFFFFF800  }
0xa7: {  	_ =	swait.ge [sflag:s25], $0x800  }
0xa8: {  	[sflag:s25] =	ssyncset.done $0x0  }
0xa9: {  	[sflag:s25] =	ssyncadd.s32 $0xFFFFF800  }
0xaa: {  	_ =	swait.ge [sflag:s25], $0x800  }
0xab: {  	[sflag:s25] =	ssyncset.done $0x0  }
0xac: {  	[sflag:s25] =	ssyncadd.s32 $0xFFFFF800  }
0xad: {  	_ =	swait.ge [sflag:s26], $0x800  }
0xae: {  	[sflag:s26] =	ssyncset.done $0x0  }
0xaf: {  	[sflag:s26] =	ssyncadd.s32 $0xFFFFF800  }
0xb0: {  	_ =	swait.ge [sflag:s26], $0x800  }
0xb1: {  	[sflag:s26] =	ssyncset.done $0x0  }
0xb2: {  	[sflag:s26] =	ssyncadd.s32 $0xFFFFF800  }
.Ltmp0:
0xb3: {  	_ =	swait.ge [sflag:s26], $0x800;
	(pc) =	sbr.rel @p0 .LBB2_2-.Ltmp0, $4  }
0xb4: {  	[sflag:s26] =	ssyncset.done $0x0  }
0xb5: {  	[sflag:s26] =	ssyncadd.s32 $0xFFFFF800  }
0xb6: {  	_ =	swait.ge [sflag:s26], $0x800  }
0xb7: {  	s30 =	smov.u32 s1;
	[sflag:s26] =	ssyncset.done $0x0  }
0xb8: {  	s1 =	sshra.s32 s29, $0x2;
	[sflag:s26] =	ssyncadd.s32 $0xFFFFF800  }
0xb9: {  	[tilespmem:s15], [sflag:$0x1] =	stream.indirect.gather [hbm4b:s4+s14], $0x10, s1, s14, $0xb8;
	[tilespmem:$0xB780] =	vst v63  }
0xba: {  	s29 =	sadd.s32 $0x80, s1  }
0xbb: {  	[tilespmem:s16], [sflag:$0x1] =	stream.indirect.gather [hbm4b:s4+s14], $0x10, s29, s14, $0xb8;
	[tilespmem:$0xB780] =	vst v63  }
0xbc: {  	s31 =	sadd.s32 $0x100, s1  }
0xbd: {  	[tilespmem:s17], [sflag:$0x1] =	stream.indirect.gather [hbm4b:s4+s14], $0x10, s31, s14, $0xb8;
	[tilespmem:$0xB780] =	vst v63  }
0xbe: {  	s30 =	sadd.s32 $0x180, s1  }
0xbf: {  	[tilespmem:s18], [sflag:$0x1] =	stream.indirect.gather [hbm4b:s4+s14], $0x10, s30, s14, $0xb8;
	[tilespmem:$0xB780] =	vst v63  }
0xc0: {  	s31 =	sadd.s32 $0x200, s1  }
0xc1: {  	[tilespmem:s19], [sflag:$0x2] =	stream.indirect.gather [hbm4b:s4+s14], $0x10, s31, s14, $0xb8;
	[tilespmem:$0xB780] =	vst v63  }
0xc2: {  	s30 =	sadd.s32 $0x280, s1  }
0xc3: {  	[tilespmem:s20], [sflag:$0x2] =	stream.indirect.gather [hbm4b:s4+s14], $0x10, s30, s14, $0xb8;
	[tilespmem:$0xB780] =	vst v63  }
0xc4: {  	s31 =	sadd.s32 $0x300, s1  }
0xc5: {  	[tilespmem:s21], [sflag:$0x2] =	stream.indirect.gather [hbm4b:s4+s14], $0x10, s31, s14, $0xb8;
	[tilespmem:$0xB780] =	vst v63  }
0xc6: {  	s30 =	sadd.s32 $0x380, s1  }
0xc7: {  	[tilespmem:s22], [sflag:$0x2] =	stream.indirect.gather [hbm4b:s4+s14], $0x10, s30, s14, $0xb8;
	[tilespmem:$0xB780] =	vst v63  }
0xc8: {  	_ =	swait.ge [sflag:s23], $0x800  }
0xc9: {  	[sflag:s23] =	ssyncset.done $0x0  }
0xca: {  	[sflag:s23] =	ssyncadd.s32 $0xFFFFF800  }
0xcb: {  	_ =	swait.ge [sflag:s23], $0x800  }
0xcc: {  	[sflag:s23] =	ssyncset.done $0x0  }
0xcd: {  	[sflag:s23] =	ssyncadd.s32 $0xFFFFF800  }
0xce: {  	_ =	swait.ge [sflag:s23], $0x800  }
0xcf: {  	[sflag:s23] =	ssyncset.done $0x0  }
0xd0: {  	[sflag:s23] =	ssyncadd.s32 $0xFFFFF800  }
0xd1: {  	_ =	swait.ge [sflag:s23], $0x800  }
0xd2: {  	[sflag:s23] =	ssyncset.done $0x0  }
0xd3: {  	s31 =	sadd.s32 $0x2800, s1;
	[sflag:s23] =	ssyncadd.s32 $0xFFFFF800  }
0xd4: {  	[spmem:s2] =	stream.indirect.scatter.add.f32 [tilespmem:s15], [sflag:$0x3], $0x10, s31, s14, $0xb8;
	[tilespmem:$0xB780] =	vst v63  }
0xd5: {  	s30 =	sadd.s32 $0x2880, s1  }
0xd6: {  	[spmem:s2] =	stream.indirect.scatter.add.f32 [tilespmem:s16], [sflag:$0x3], $0x10, s30, s14, $0xb8;
	[tilespmem:$0xB780] =	vst v63  }
0xd7: {  	s31 =	sadd.s32 $0x2900, s1  }
0xd8: {  	[spmem:s2] =	stream.indirect.scatter.add.f32 [tilespmem:s17], [sflag:$0x3], $0x10, s31, s14, $0xb8;
	[tilespmem:$0xB780] =	vst v63  }
0xd9: {  	s30 =	sadd.s32 $0x2980, s1  }
0xda: {  	[spmem:s2] =	stream.indirect.scatter.add.f32 [tilespmem:s18], [sflag:$0x3], $0x10, s30, s14, $0xb8;
	[tilespmem:$0xB780] =	vst v63  }
0xdb: {  	_ =	swait.ge [sflag:s24], $0x800  }
0xdc: {  	[sflag:s24] =	ssyncset.done $0x0  }
0xdd: {  	[sflag:s24] =	ssyncadd.s32 $0xFFFFF800  }
0xde: {  	_ =	swait.ge [sflag:s24], $0x800  }
0xdf: {  	[sflag:s24] =	ssyncset.done $0x0  }
0xe0: {  	[sflag:s24] =	ssyncadd.s32 $0xFFFFF800  }
0xe1: {  	_ =	swait.ge [sflag:s24], $0x800  }
0xe2: {  	[sflag:s24] =	ssyncset.done $0x0  }
0xe3: {  	[sflag:s24] =	ssyncadd.s32 $0xFFFFF800  }
0xe4: {  	_ =	swait.ge [sflag:s24], $0x800  }
0xe5: {  	[sflag:s24] =	ssyncset.done $0x0  }
0xe6: {  	s31 =	sadd.s32 $0x2A00, s1;
	[sflag:s24] =	ssyncadd.s32 $0xFFFFF800  }
0xe7: {  	[spmem:s2] =	stream.indirect.scatter.add.f32 [tilespmem:s19], [sflag:$0x4], $0x10, s31, s14, $0xb8;
	[tilespmem:$0xB780] =	vst v63  }
0xe8: {  	s30 =	sadd.s32 $0x2A80, s1  }
0xe9: {  	[spmem:s2] =	stream.indirect.scatter.add.f32 [tilespmem:s20], [sflag:$0x4], $0x10, s30, s14, $0xb8;
	[tilespmem:$0xB780] =	vst v63  }
0xea: {  	s31 =	sadd.s32 $0x2B00, s1  }
0xeb: {  	[spmem:s2] =	stream.indirect.scatter.add.f32 [tilespmem:s21], [sflag:$0x4], $0x10, s31, s14, $0xb8;
	[tilespmem:$0xB780] =	vst v63  }
0xec: {  	s1 =	sadd.s32 $0x2B80, s1  }
0xed: {  	[spmem:s2] =	stream.indirect.scatter.add.f32 [tilespmem:s22], [sflag:$0x4], $0x10, s1, s14, $0xb8;
	[tilespmem:$0xB780] =	vst v63  }
0xee: {  	_ =	swait.ge [sflag:s25], $0x800  }
0xef: {  	[sflag:s25] =	ssyncset.done $0x0  }
0xf0: {  	[sflag:s25] =	ssyncadd.s32 $0xFFFFF800  }
0xf1: {  	_ =	swait.ge [sflag:s25], $0x800  }
0xf2: {  	[sflag:s25] =	ssyncset.done $0x0  }
0xf3: {  	[sflag:s25] =	ssyncadd.s32 $0xFFFFF800  }
0xf4: {  	_ =	swait.ge [sflag:s25], $0x800  }
0xf5: {  	[sflag:s25] =	ssyncset.done $0x0  }
0xf6: {  	[sflag:s25] =	ssyncadd.s32 $0xFFFFF800  }
0xf7: {  	_ =	swait.ge [sflag:s25], $0x800  }
0xf8: {  	[sflag:s25] =	ssyncset.done $0x0  }
0xf9: {  	[sflag:s25] =	ssyncadd.s32 $0xFFFFF800  }
0xfa: {  	_ =	swait.ge [sflag:s26], $0x800  }
0xfb: {  	[sflag:s26] =	ssyncset.done $0x0  }
0xfc: {  	[sflag:s26] =	ssyncadd.s32 $0xFFFFF800  }
0xfd: {  	_ =	swait.ge [sflag:s26], $0x800  }
0xfe: {  	[sflag:s26] =	ssyncset.done $0x0  }
0xff: {  	[sflag:s26] =	ssyncadd.s32 $0xFFFFF800  }
0x100: {  	_ =	swait.ge [sflag:s26], $0x800  }
0x101: {  	[sflag:s26] =	ssyncset.done $0x0  }
0x102: {  	[sflag:s26] =	ssyncadd.s32 $0xFFFFF800  }
0x103: {  	_ =	swait.ge [sflag:s26], $0x800  }
0x104: {  	s28 =	sadd.s32 $0x1, s28;
	[sflag:s26] =	ssyncset.done $0x0  }
0x105: {  	p0 =	sne.s32 s28, s10;
	[sflag:s26] =	ssyncadd.s32 $0xFFFFF800  }
.Ltmp1:
0x106: {  	[bflag:$0x0] =	sbarrier.arrive $0xFFFF;
	(pc) =	sbr.rel @p0 .LBB2_1-.Ltmp1, $4  }
0x107: {  	[hbm:s9], [sflag:s6] =	dma.local [spmem:s11], $0x4F0  }
0x108: {  	_ =	swait.ge [sflag:s12], $0x4F0  }
0x109: {  	[sflag:s12] =	ssyncset.done $0x0  }
0x10a: {  	[sflag:s12] =	ssyncadd.s32 $0xFFFFFB10  }
0x10b: {  	_ =	sfence.sel $0x180000  }
0x10c: {  	[bflag:$0x0] =	sbarrier.arrive $0xFFFF  }
0x10d: {  	_ =	strace $0x9000004D  }
0x10e: {  	[bflag:$0x2] =	sbarrier.arrive $0xFFFF  }
0x10f: {  	p0 =	sne.s32 s0, $0x0;
	s0 =	rddreg [dreg:$0x2]  }
0x110: {  	s0 =	sadd.s32 @!p0 $0x100000, s0  }
0x111: {  	[sflag:s0] =	ssyncadd.tile.s32 @!p0 $0x1;
	_ =	shalt  }
.Lfunc_end2:
_tile_overlayer_lowered:
.L_overlay_start_2:
0x112: {  	(tag) =	ssettag $0x2  }
0x113: {  	s0 =	rddreg [dreg:$0x0];
	s2 =	stileid.u32  }
0x114: {  	s1 =	rddreg [dreg:$0x1];
	p0 =	sne.s32 s2, $0x0  }
0x115: {  	s3 =	rddreg [dreg:$0x2];
	[bflag:$0x3] =	sbarrier.arrive $0xFFFF;
	s2 =	simm.s32 @!p0 $0x1C05  }
0x116: {  	[timem:s3], [sflag:s2] =	dma.local @!p0 [hbm:s0], s1  }
0x117: {  	s0 =	simm.s32 @!p0 $0x5  }
0x118: {  	_ =	swait.ge @!p0 [sflag:s0], s1  }
0x119: {  	s1 =	ssub.s32 @!p0 $0x0, s1;
	[sflag:s0] =	ssyncset.done @!p0 $0x0  }
0x11a: {  	[sflag:s0] =	ssyncadd.s32 @!p0 s1  }
0x11b: {  	[bflag:$0x3] =	sbarrier.arrive $0xFFFF  }
0x11c: {  	_ =	shalt  }

// kernel: kernel.8.cloned.1.call-start
scs
__scs_entry_jumppad:
0x0: {  	(pc) =	sbr.rel $0x88, $3  }
0x1: {  	(tag) =	ssettag $0x0;
	lr =	simm.s32 $0x1  }
0x2: {  	[smem:$0x3F98] =	sst lr;
	_ =	strace $0xD0000000  }
0x3: {  	_ = 	snop  }
0x4: {  	_ = 	snop  }
0x5: {  	_ = 	snop  }
0x6: {  	_ = 	snop  }
0x7: {  	_ = 	snop  }
__scs_overlays_trampoline_lowered:
0x8: {  	[smem:$0x3FA7] =	sst s0  }
0x9: {  	[smem:$0x3FA8] =	sst s1  }
0xa: {  	[smem:$0x3FA9] =	sst s2  }
0xb: {  	[smem:$0x3FAA] =	sst s3  }
0xc: {  	[smem:$0x3FAB] =	sst s4  }
0xd: {  	[smem:$0x3FAC] =	sst s5  }
0xe: {  	[smem:$0x3FAD] =	sst s6  }
0xf: {  	[smem:$0x3FAE] =	sst s7  }
0x10: {  	[smem:$0x3FAF] =	sst s8  }
0x11: {  	[smem:$0x3FB0] =	sst s9;
	s0 =	simm.s32 @!p0 $0x0  }
0x12: {  	s1 =	sld [smem:$0x3F96];
	s0 =	simm.s32 @p0 $0x1  }
0x13: {  	[smem:$0x3FB1] =	sst s0;
	s0 =	simm.s32 @!p1 $0x0  }
0x14: {  	s2 =	sld [smem:$0x3F95];
	s0 =	simm.s32 @p1 $0x1  }
0x15: {  	[smem:$0x3FB2] =	sst s0;
	s0 =	simm.s32 @!p2 $0x0  }
0x16: {  	s3 =	sld [smem:$0x3FDB];
	s0 =	simm.s32 @p2 $0x1  }
0x17: {  	s4 =	simm.s32 $0x1BF5;
	[smem:$0x3FB4] =	sst s0  }
0x18: {  	s0 =	sld [smem:$0x3F97];
	_ =	swait.ge [sflag:s4], $0x0  }
0x19: {  	s7 =	sld [smem:$0x3F98]  }
0x1a: {  	s8 =	sadd.s32 $0xFFFFE003, lr  }
0x1b: {  	s9 =	sadd.s32 $0xFFFFFEF7, lr;
	s5 =	simm.s32 $0xFFFFFFFF;
	p2 =	slt.u32 s8, $0xFFFFF086  }
0x1c: {  	p1 =	slt.u32 s9, $0xF7A;
	s5 =	simm.s32 @!p2 $0x0  }
0x1d: {  	s5 =	simm.s32 @p1 $0x1;
	p0 =	seq.s32 s7, s2  }
0x1e: {  	s7 =	smul.u32 @!p0 $0xF7A, s2;
	p2 =	seq.s32 @!p0 s5, $0x0  }
0x1f: {  	s9 =	smul.u32 $0xF7A, s1;
	s8 =	simm.s32 @!p0 $0x1BF5;
	p2 =	por !p2, p0  }
0x20: {  	[sflag:s8] =	ssyncset.s32 @!p0 $0xFFFFF086;
	s6 =	sadd.s32 @!p0 s3, s7;
	s7 =	simm.s32 @!p0 $0x108  }
0x21: {  	s3 =	sadd.s32 s3, s9;
	s6 =	sadd.s32 @!p0 $0x88, s6;
	s7 =	simm.s32 @p2 $0x1082  }
0x22: {  	[simem:s7], [sflag:s8] =	dma.local @!p0 [hbm:s6], $0xF7A  }
0x23: {  	s9 =	sor.u32 $0xD0000000, s2;
	s6 =	simm.s32 $0x108;
	_ =	swait.ge @!p0 [sflag:s8], $0x0  }
0x24: {  	s3 =	sadd.s32 $0x88, s3;
	s6 =	simm.s32 @!p1 $0x1082;
	[sflag:s4] =	ssyncset.s32 $0xFFFFF086  }
0x25: {  	[simem:s6], [sflag:s4] =	dma.local [hbm:s3], $0xF7A  }
0x26: {  	[smem:$0x3F98] =	sst s1;
	(tag) =	ssettag s2;
	_ =	strace s9  }
0x27: {  	s1 =	sld [smem:$0x3FA8]  }
0x28: {  	s2 =	sld [smem:$0x3FA9]  }
0x29: {  	s4 =	sld [smem:$0x3FAB]  }
0x2a: {  	p0 =	seq.s32 s5, $0x0;
	s5 =	sld [smem:$0x3FAC]  }
0x2b: {  	s6 =	sld [smem:$0x3FAD]  }
0x2c: {  	s7 =	sld [smem:$0x3FAE]  }
0x2d: {  	s3 =	simm.s32 $0x108;
	s8 =	sld [smem:$0x3FAF]  }
0x2e: {  	s3 =	simm.s32 @!p0 $0x1082;
	s9 =	sld [smem:$0x3FB0]  }
0x2f: {  	lr =	sadd.s32 s0, s3;
	s0 =	sld [smem:$0x3FA7]  }
0x30: {  	s3 =	sld [smem:$0x3FAA]  }
0x31: {  	[smem:$0x3FB3] =	sst s10  }
0x32: {  	s10 =	sld [smem:$0x3FB1];
	_ =	sdelay $0x3  }
0x33: {  	p0 =	seq.s32 s10, $0x1;
	s10 =	sld [smem:$0x3FB3];
	_ =	sdelay $0x3  }
0x34: {  	[smem:$0x3FB3] =	sst s10  }
0x35: {  	s10 =	sld [smem:$0x3FB2];
	_ =	sdelay $0x3  }
0x36: {  	p1 =	seq.s32 s10, $0x1;
	s10 =	sld [smem:$0x3FB3];
	_ =	sdelay $0x3  }
0x37: {  	[smem:$0x3FB3] =	sst s10  }
0x38: {  	s10 =	sld [smem:$0x3FB4]  }
0x39: {  	_ = 	snop;
	(pc) =	sbr.ind lr, $3  }
0x3a: {  	_ = 	snop  }
0x3b: {  	_ = 	snop  }
0x3c: {  	p2 =	seq.s32 s10, $0x1;
	s10 =	sld [smem:$0x3FB3]  }
0x3d: {  	_ =	shalt  }
0x3e: {  	_ =	shalt  }
0x3f: {  	_ =	shalt  }
0x40: {  	_ =	shalt  }
0x41: {  	_ =	shalt  }
0x42: {  	_ =	shalt  }
0x43: {  	_ =	shalt  }
0x44: {  	_ =	shalt  }
0x45: {  	_ =	shalt  }
0x46: {  	_ =	shalt  }
0x47: {  	_ =	shalt  }
0x48: {  	_ =	shalt  }
0x49: {  	_ =	shalt  }
0x4a: {  	_ =	shalt  }
0x4b: {  	_ =	shalt  }
0x4c: {  	_ =	shalt  }
0x4d: {  	_ =	shalt  }
0x4e: {  	_ =	shalt  }
0x4f: {  	_ =	shalt  }
0x50: {  	_ =	shalt  }
0x51: {  	_ =	shalt  }
0x52: {  	_ =	shalt  }
0x53: {  	_ =	shalt  }
0x54: {  	_ =	shalt  }
0x55: {  	_ =	shalt  }
0x56: {  	_ =	shalt  }
0x57: {  	_ =	shalt  }
0x58: {  	_ =	shalt  }
0x59: {  	_ =	shalt  }
0x5a: {  	_ =	shalt  }
0x5b: {  	_ =	shalt  }
0x5c: {  	_ =	shalt  }
0x5d: {  	_ =	shalt  }
0x5e: {  	_ =	shalt  }
0x5f: {  	_ =	shalt  }
0x60: {  	_ =	shalt  }
0x61: {  	_ =	shalt  }
0x62: {  	_ =	shalt  }
0x63: {  	_ =	shalt  }
0x64: {  	_ =	shalt  }
0x65: {  	_ =	shalt  }
0x66: {  	_ =	shalt  }
0x67: {  	_ =	shalt  }
0x68: {  	_ =	shalt  }
0x69: {  	_ =	shalt  }
0x6a: {  	_ =	shalt  }
0x6b: {  	_ =	shalt  }
0x6c: {  	_ =	shalt  }
0x6d: {  	_ =	shalt  }
0x6e: {  	_ =	shalt  }
0x6f: {  	_ =	shalt  }
0x70: {  	_ =	shalt  }
0x71: {  	_ =	shalt  }
0x72: {  	_ =	shalt  }
0x73: {  	_ =	shalt  }
0x74: {  	_ =	shalt  }
0x75: {  	_ =	shalt  }
0x76: {  	_ =	shalt  }
0x77: {  	_ =	shalt  }
0x78: {  	_ =	shalt  }
0x79: {  	_ =	shalt  }
0x7a: {  	_ =	shalt  }
0x7b: {  	_ =	shalt  }
0x7c: {  	_ =	shalt  }
0x7d: {  	_ =	shalt  }
0x7e: {  	_ =	shalt  }
0x7f: {  	_ =	shalt  }
0x80: {  	_ =	shalt  }
0x81: {  	_ =	shalt  }
0x82: {  	_ =	shalt  }
0x83: {  	_ =	shalt  }
0x84: {  	_ =	shalt  }
0x85: {  	_ =	shalt  }
0x86: {  	_ =	shalt  }
0x87: {  	_ =	shalt  }
.Lfunc_end0:
.L_simem_size_0:
called_computation_lowered:
.L_overlay_start_0:
0x88: {  	s2 =	sld [smem:$0x3FD9]  }
0x89: {  	s3 =	sld [smem:$0x3FFE];
	_ =	sdelay $0x1  }
0x8a: {  	s1 =	srdreg.scid  }
0x8b: {  	s0 =	sand.u32 $0x1, s1  }
0x8c: {  	s16 =	sshll.u32 s0, $0xA;
	s2 =	sadd.s32 s3, s2  }
0x8d: {  	s2 =	sadd.s32 s2, s16  }
0x8e: {  	[smem:$0x3FBF] =	sst s2  }
0x8f: {  	_ = 	snop  }
0x90: {  	(tm) =	ssettm $0x1  }
0x91: {  	s17 =	sld [smem:$0x3FFB];
	_ =	sdelay $0x3  }
0x92: {  	_ =	strace s17  }
0x93: {  	s2 =	sld [smem:$0x3FFC];
	_ =	sdelay $0x3  }
0x94: {  	_ =	strace s2  }
0x95: {  	s2 =	sld [smem:$0x3FFD];
	_ =	sdelay $0x3  }
0x96: {  	_ =	strace s2  }
0x97: {  	_ =	strace $0x8FFFFFFF  }
0x98: {  	s18 =	sld [smem:$0x3FDB];
	_ =	sdelay $0x1  }
0x99: {  	s19 =	simm.s32 $_scs_section_size  }
0x9a: {  	s4 =	simm.s32 $_size__tile_overlayer_lowered;
	s5 =	simm.s32 $_tile_overlayer_lowered  }
0x9b: {  	s22 =	simm.s32 $0x1BFF;
	s21 =	sshll.u32 s5, $0x1;
	s2 =	sadd.s32 s19, s18  }
0x9c: {  	s6 =	simm.s32 $0x0;
	s20 =	sshll.u32 s4, $0x1;
	s4 =	sadd.s32 s21, s2  }
0x9d: {  	[timem:s6], [sflag:s22] =	dma.local [hbm:s4], s20  }
0x9e: {  	_ =	swait.ge [sflag:s22], s20  }
0x9f: {  	s3 =	ssub.s32 $0x0, s20;
	[sflag:s22] =	ssyncset.done $0x0  }
0xa0: {  	[sflag:s22] =	ssyncadd.s32 s3;
	_ =	sdelay $0x1  }
0xa1: {  	s23 =	simm.s32 $0x1B8B  }
0xa2: {  	_ =	swait.ge [sflag:s23], $0x1  }
0xa3: {  	[sflag:s23] =	ssyncset.done $0x0  }
0xa4: {  	s25 =	simm.s32 $0x1B8E;
	s24 =	sld [smem:$0x3FFE];
	[sflag:s23] =	ssyncadd.s32 $0xFFFFFFFF  }
0xa5: {  	s26 =	simm.s32 $execute0_lowered;
	[smem:$0x3FD2] =	sst s25  }
0xa6: {  	s4 =	sshll.u32 s26, $0x1;
	_ =	strace $0x80000046;
	[dreg:$0x1] =	wrdreg $0xFFFFFFFF  }
0xa7: {  	s28 =	simm.s32 $_size_execute0_lowered;
	s2 =	sadd.s32 s2, s4;
	[dreg:$0x0] =	wrdreg $0x0  }
0xa8: {  	s4 =	sshll.u32 s28, $0x1;
	[dreg:$0x2] =	wrdreg s2  }
0xa9: {  	[dreg:$0x3] =	wrdreg s4  }
0xaa: {  	[dreg:$0x4] =	wrdreg $0xC0  }
0xab: {  	_ =	task [dreg:s6], $0x5FFFF  }
0xac: {  	[dreg:$0x1] =	wrdreg $0xFFFFFFFF  }
0xad: {  	[dreg:$0x0] =	wrdreg $0x60  }
0xae: {  	[dreg:$0x2] =	wrdreg s24  }
0xaf: {  	[dreg:$0x3] =	wrdreg $0x30000  }
0xb0: {  	[dreg:$0x4] =	wrdreg $0x9  }
0xb1: {  	_ =	task.clear_ibuf [dreg:s6], $0x5FFFF;
	_ =	strace $0x90000046  }
0xb2: {  	s29 =	simm.s32 $0x9;
	_ =	strace $0x80000048  }
0xb3: {  	_ =	swait.ge [sflag:s29], $0x1  }
0xb4: {  	[sflag:s29] =	ssyncadd.s32 $0xFFFFFFFF  }
0xb5: {  	_ =	strace $0x90000048  }
0xb6: {  	_ =	sfence  }
0xb7: {  	s30 =	sld [smem:$0x0];
	_ =	sdelay $0x2  }
0xb8: {  	s31 =	sshll.u32 s1, $0xD;
	s1 =	sshrl.u32 s1, $0x2  }
0xb9: {  	s3 =	sand.u32 $0x4000, s31;
	s1 =	sadd.s32 s1, s30  }
0xba: {  	s0 =	sor.u32 s3, s0;
	s1 =	sshll.u32 s1, $0x11  }
0xbb: {  	s0 =	sor.u32 s1, s0  }
0xbc: {  	s0 =	sadd.s32 $0x8F2B, s0  }
0xbd: {  	[sflag:s0] =	ssyncadd.remote.s32 $0x1  }
0xbe: {  	_ =	sfence.sel $0xFFFF  }
0xbf: {  	[dreg:$0x0] =	wrdreg $0xFFFFFFFF;
	(pc) =	sbr.abs _section_cstart, $3  }
0xc0: {  	[dreg:$0x1] =	wrdreg $0xFFFFFFFF  }
0xc1: {  	_ =	task.clear_ibuf [dreg:s6], $0x2FFFF;
	_ =	strace $0x9FFFFFFF  }
0xc2: {  	(tm) =	ssettm $0x7FFFFFFF  }
0xc3: {  	_ =	shalt  }
tec
execute0_lowered:
.L_overlay_start_1:
0x0: {  	(tag) =	ssettag $0x1  }
0x1: {  	s1 =	srdreg.scid;
	s7 =	rddreg [dreg:$0x0]  }
0x2: {  	s0 =	stileid.u32;
	s2 =	rddreg [dreg:$0x1];
	s3 =	simm.s32 $0x0  }
0x3: {  	s14 =	simm.s32 $0x1;
	s15 =	simm.s32 $0x0;
	s6 =	sand.u32 $0x1, s1  }
0x4: {  	s30 =	sshll.u32 s0, $0x1;
	s8 =	smul.u32 $0x2780, s0;
	[smem:$0x7FF] =	sst s3  }
0x5: {  	s11 =	sshll.u32 s0, $0x6;
	s1 =	sor.u32 s6, s30;
	s5 =	smul.u32 $0x27800, s6  }
0x6: {  	s6 =	ssub.s32 $0x2, s6;
	s4 =	smul.u32 $0x500, s1;
	s1 =	rddreg [dreg:$0x2]  }
0x7: {  	_ =	strace $0x80000047;
	s31 =	sshrl.u32 s6, $0x1;
	s13 =	sadd.s32 s8, s2  }
0x8: {  	s10 =	sadd.s32 s8, s5;
	s5 =	sadd.s32 $0xBC00, s7;
	s12 =	ssub.s32 s6, s31  }
0x9: {  	s6 =	sor.u32 $0x1C02, s11;
	s11 =	simm.s32 $0x2;
	s10 =	sshrl.u32 s10, $0x3  }
0xa: {  	s9 =	sadd.s32 s4, s7;
	s4 =	sadd.s32 $0xC200, s7;
	s10 =	sadd.s32 s10, s7  }
0xb: {  	s7 =	sadd.s32 $0x1C00, s9;
	s9 =	smax.u32 s12, $0x1;
	s12 =	simm.s32 $0x2800  }
0xc: {  	s8 =	sadd.s32 $0xC400, s10;
	s10 =	sshrl.u32 s13, $0x3;
	s13 =	simm.s32 $0x80  }
.LBB2_1:
0xd: {  	[spmem:s10], [sflag:s6] =	dma.local [hbm:s5], $0x4F0  }
0xe: {  	_ =	swait.ge [sflag:s11], $0x4F0  }
0xf: {  	[sflag:s11] =	ssyncset.done $0x0  }
0x10: {  	[sflag:s11] =	ssyncadd.s32 $0xFFFFFB10  }
0x11: {  	[tilespmem:s12], [sflag:$0x2] =	stream.linear.gather [hbm4b:s4+s3], $0x800, $0x38;
	[tilespmem:$0x5780] =	vst v63  }
0x12: {  	_ =	swait.ge [sflag:s11], $0x800  }
0x13: {  	[sflag:s11] =	ssyncset.done $0x0  }
0x14: {  	[sflag:s11] =	ssyncadd.s32 $0xFFFFF800  }
0x15: {  	[tilespmem:s3], [sflag:$0x2] =	stream.linear.gather [hbm4b:s7+s3], $0x2800, $0x38;
	[tilespmem:$0x5780] =	vst v63  }
0x16: {  	_ =	swait.ge [sflag:s11], $0x2800  }
0x17: {  	[sflag:s11] =	ssyncset.done $0x0  }
0x18: {  	[sflag:s11] =	ssyncadd.s32 $0xFFFFD800  }
0x19: {  	s16 =	simm.s32 $0x0;
	[bflag:$0x0] =	sbarrier.arrive $0xFFFF  }
0x1a: {  	[spmem:s2] =	stream.indirect.scatter.add.f32 [tilespmem:s12], [sflag:$0x1], $0x10, s16, s13, $0xb8;
	[tilespmem:$0x5780] =	vst v63  }
0x1b: {  	s24 =	simm.s32 $0x80  }
0x1c: {  	[spmem:s2] =	stream.indirect.scatter.add.f32 [tilespmem:s12], [sflag:$0x1], $0x10, s24, s13, $0xb8;
	[tilespmem:$0x5780] =	vst v63  }
0x1d: {  	s25 =	simm.s32 $0x100  }
0x1e: {  	[spmem:s2] =	stream.indirect.scatter.add.f32 [tilespmem:s12], [sflag:$0x1], $0x10, s25, s13, $0xb8;
	[tilespmem:$0x5780] =	vst v63  }
0x1f: {  	s26 =	simm.s32 $0x180  }
0x20: {  	[spmem:s2] =	stream.indirect.scatter.add.f32 [tilespmem:s12], [sflag:$0x1], $0x10, s26, s13, $0xb8;
	[tilespmem:$0x5780] =	vst v63  }
0x21: {  	s28 =	simm.s32 $0x200  }
0x22: {  	[spmem:s2] =	stream.indirect.scatter.add.f32 [tilespmem:s12], [sflag:$0x1], $0x10, s28, s13, $0xb8;
	[tilespmem:$0x5780] =	vst v63  }
0x23: {  	s29 =	simm.s32 $0x280  }
0x24: {  	[spmem:s2] =	stream.indirect.scatter.add.f32 [tilespmem:s12], [sflag:$0x1], $0x10, s29, s13, $0xb8;
	[tilespmem:$0x5780] =	vst v63  }
0x25: {  	s30 =	simm.s32 $0x300  }
0x26: {  	[spmem:s2] =	stream.indirect.scatter.add.f32 [tilespmem:s12], [sflag:$0x1], $0x10, s30, s13, $0xb8;
	[tilespmem:$0x5780] =	vst v63  }
0x27: {  	s31 =	simm.s32 $0x380  }
0x28: {  	[spmem:s2] =	stream.indirect.scatter.add.f32 [tilespmem:s12], [sflag:$0x1], $0x10, s31, s13, $0xb8;
	[tilespmem:$0x5780] =	vst v63  }
0x29: {  	_ =	swait.ge [sflag:s14], $0x800  }
0x2a: {  	[sflag:s14] =	ssyncset.done $0x0  }
0x2b: {  	[sflag:s14] =	ssyncadd.s32 $0xFFFFF800  }
0x2c: {  	_ =	swait.ge [sflag:s14], $0x800  }
0x2d: {  	[sflag:s14] =	ssyncset.done $0x0  }
0x2e: {  	[sflag:s14] =	ssyncadd.s32 $0xFFFFF800  }
0x2f: {  	_ =	swait.ge [sflag:s14], $0x800  }
0x30: {  	[sflag:s14] =	ssyncset.done $0x0  }
0x31: {  	[sflag:s14] =	ssyncadd.s32 $0xFFFFF800  }
0x32: {  	_ =	swait.ge [sflag:s14], $0x800  }
0x33: {  	[sflag:s14] =	ssyncset.done $0x0  }
0x34: {  	[sflag:s14] =	ssyncadd.s32 $0xFFFFF800  }
0x35: {  	_ =	swait.ge [sflag:s14], $0x800  }
0x36: {  	[sflag:s14] =	ssyncset.done $0x0  }
0x37: {  	[sflag:s14] =	ssyncadd.s32 $0xFFFFF800  }
0x38: {  	_ =	swait.ge [sflag:s14], $0x800  }
0x39: {  	[sflag:s14] =	ssyncset.done $0x0  }
0x3a: {  	[sflag:s14] =	ssyncadd.s32 $0xFFFFF800  }
0x3b: {  	_ =	swait.ge [sflag:s14], $0x800  }
0x3c: {  	[sflag:s14] =	ssyncset.done $0x0  }
0x3d: {  	[sflag:s14] =	ssyncadd.s32 $0xFFFFF800  }
0x3e: {  	_ =	swait.ge [sflag:s14], $0x800  }
0x3f: {  	s18 =	simm.s32 $0x2000;
	s16 =	simm.s32 $0x1000;
	[sflag:s14] =	ssyncset.done $0x0  }
.LBB2_2:
0x40: {  	s19 =	sshra.s32 s16, $0x2  }
0x41: {  	[sflag:s14] =	ssyncadd.s32 $0xFFFFF800;
	s16 =	smov.u32 s18;
	s17 =	sadd.s32 $0x1000, s18  }
0x42: {  	[spmem:s2] =	stream.indirect.scatter.add.f32 [tilespmem:s12], [sflag:$0x1], $0x10, s19, s13, $0xb8;
	[tilespmem:$0x5780] =	vst v63  }
0x43: {  	p0 =	sne.s32 s18, $0x9000;
	s18 =	sadd.s32 $0x80, s19  }
0x44: {  	[spmem:s2] =	stream.indirect.scatter.add.f32 [tilespmem:s12], [sflag:$0x1], $0x10, s18, s13, $0xb8;
	[tilespmem:$0x5780] =	vst v63  }
0x45: {  	s18 =	sadd.s32 $0x100, s19  }
0x46: {  	[spmem:s2] =	stream.indirect.scatter.add.f32 [tilespmem:s12], [sflag:$0x1], $0x10, s18, s13, $0xb8;
	[tilespmem:$0x5780] =	vst v63  }
0x47: {  	s18 =	sadd.s32 $0x180, s19  }
0x48: {  	[spmem:s2] =	stream.indirect.scatter.add.f32 [tilespmem:s12], [sflag:$0x1], $0x10, s18, s13, $0xb8;
	[tilespmem:$0x5780] =	vst v63  }
0x49: {  	s18 =	sadd.s32 $0x200, s19  }
0x4a: {  	[spmem:s2] =	stream.indirect.scatter.add.f32 [tilespmem:s12], [sflag:$0x1], $0x10, s18, s13, $0xb8;
	[tilespmem:$0x5780] =	vst v63  }
0x4b: {  	s18 =	sadd.s32 $0x280, s19  }
0x4c: {  	[spmem:s2] =	stream.indirect.scatter.add.f32 [tilespmem:s12], [sflag:$0x1], $0x10, s18, s13, $0xb8;
	[tilespmem:$0x5780] =	vst v63  }
0x4d: {  	s18 =	sadd.s32 $0x300, s19  }
0x4e: {  	[spmem:s2] =	stream.indirect.scatter.add.f32 [tilespmem:s12], [sflag:$0x1], $0x10, s18, s13, $0xb8;
	[tilespmem:$0x5780] =	vst v63  }
0x4f: {  	s18 =	sadd.s32 $0x380, s19  }
0x50: {  	[spmem:s2] =	stream.indirect.scatter.add.f32 [tilespmem:s12], [sflag:$0x1], $0x10, s18, s13, $0xb8;
	[tilespmem:$0x5780] =	vst v63  }
0x51: {  	_ =	swait.ge [sflag:s14], $0x800  }
0x52: {  	[sflag:s14] =	ssyncset.done $0x0  }
0x53: {  	[sflag:s14] =	ssyncadd.s32 $0xFFFFF800  }
0x54: {  	_ =	swait.ge [sflag:s14], $0x800  }
0x55: {  	[sflag:s14] =	ssyncset.done $0x0  }
0x56: {  	[sflag:s14] =	ssyncadd.s32 $0xFFFFF800  }
0x57: {  	_ =	swait.ge [sflag:s14], $0x800  }
0x58: {  	[sflag:s14] =	ssyncset.done $0x0  }
0x59: {  	[sflag:s14] =	ssyncadd.s32 $0xFFFFF800  }
0x5a: {  	_ =	swait.ge [sflag:s14], $0x800  }
0x5b: {  	[sflag:s14] =	ssyncset.done $0x0  }
0x5c: {  	[sflag:s14] =	ssyncadd.s32 $0xFFFFF800  }
0x5d: {  	_ =	swait.ge [sflag:s14], $0x800  }
0x5e: {  	[sflag:s14] =	ssyncset.done $0x0  }
0x5f: {  	[sflag:s14] =	ssyncadd.s32 $0xFFFFF800  }
0x60: {  	_ =	swait.ge [sflag:s14], $0x800  }
0x61: {  	[sflag:s14] =	ssyncset.done $0x0  }
0x62: {  	[sflag:s14] =	ssyncadd.s32 $0xFFFFF800  }
.Ltmp0:
0x63: {  	_ =	swait.ge [sflag:s14], $0x800;
	(pc) =	sbr.rel @p0 .LBB2_2-.Ltmp0, $4  }
0x64: {  	[sflag:s14] =	ssyncset.done $0x0  }
0x65: {  	[sflag:s14] =	ssyncadd.s32 $0xFFFFF800  }
0x66: {  	_ =	swait.ge [sflag:s14], $0x800  }
0x67: {  	s18 =	smov.u32 s17;
	[sflag:s14] =	ssyncset.done $0x0  }
0x68: {  	s16 =	sshra.s32 s16, $0x2;
	[sflag:s14] =	ssyncadd.s32 $0xFFFFF800  }
0x69: {  	[spmem:s2] =	stream.indirect.scatter.add.f32 [tilespmem:s12], [sflag:$0x1], $0x10, s16, s13, $0xb8;
	[tilespmem:$0x5780] =	vst v63  }
0x6a: {  	s17 =	sadd.s32 $0x80, s16  }
0x6b: {  	[spmem:s2] =	stream.indirect.scatter.add.f32 [tilespmem:s12], [sflag:$0x1], $0x10, s17, s13, $0xb8;
	[tilespmem:$0x5780] =	vst v63  }
0x6c: {  	s26 =	sadd.s32 $0x100, s16  }
0x6d: {  	[spmem:s2] =	stream.indirect.scatter.add.f32 [tilespmem:s12], [sflag:$0x1], $0x10, s26, s13, $0xb8;
	[tilespmem:$0x5780] =	vst v63  }
0x6e: {  	s28 =	sadd.s32 $0x180, s16  }
0x6f: {  	[spmem:s2] =	stream.indirect.scatter.add.f32 [tilespmem:s12], [sflag:$0x1], $0x10, s28, s13, $0xb8;
	[tilespmem:$0x5780] =	vst v63  }
0x70: {  	s29 =	sadd.s32 $0x200, s16  }
0x71: {  	[spmem:s2] =	stream.indirect.scatter.add.f32 [tilespmem:s12], [sflag:$0x1], $0x10, s29, s13, $0xb8;
	[tilespmem:$0x5780] =	vst v63  }
0x72: {  	s30 =	sadd.s32 $0x280, s16  }
0x73: {  	[spmem:s2] =	stream.indirect.scatter.add.f32 [tilespmem:s12], [sflag:$0x1], $0x10, s30, s13, $0xb8;
	[tilespmem:$0x5780] =	vst v63  }
0x74: {  	s31 =	sadd.s32 $0x300, s16  }
0x75: {  	[spmem:s2] =	stream.indirect.scatter.add.f32 [tilespmem:s12], [sflag:$0x1], $0x10, s31, s13, $0xb8;
	[tilespmem:$0x5780] =	vst v63  }
0x76: {  	s16 =	sadd.s32 $0x380, s16  }
0x77: {  	[spmem:s2] =	stream.indirect.scatter.add.f32 [tilespmem:s12], [sflag:$0x1], $0x10, s16, s13, $0xb8;
	[tilespmem:$0x5780] =	vst v63  }
0x78: {  	_ =	swait.ge [sflag:s14], $0x800  }
0x79: {  	[sflag:s14] =	ssyncset.done $0x0  }
0x7a: {  	[sflag:s14] =	ssyncadd.s32 $0xFFFFF800  }
0x7b: {  	_ =	swait.ge [sflag:s14], $0x800  }
0x7c: {  	[sflag:s14] =	ssyncset.done $0x0  }
0x7d: {  	[sflag:s14] =	ssyncadd.s32 $0xFFFFF800  }
0x7e: {  	_ =	swait.ge [sflag:s14], $0x800  }
0x7f: {  	[sflag:s14] =	ssyncset.done $0x0  }
0x80: {  	[sflag:s14] =	ssyncadd.s32 $0xFFFFF800  }
0x81: {  	_ =	swait.ge [sflag:s14], $0x800  }
0x82: {  	[sflag:s14] =	ssyncset.done $0x0  }
0x83: {  	[sflag:s14] =	ssyncadd.s32 $0xFFFFF800  }
0x84: {  	_ =	swait.ge [sflag:s14], $0x800  }
0x85: {  	[sflag:s14] =	ssyncset.done $0x0  }
0x86: {  	[sflag:s14] =	ssyncadd.s32 $0xFFFFF800  }
0x87: {  	_ =	swait.ge [sflag:s14], $0x800  }
0x88: {  	[sflag:s14] =	ssyncset.done $0x0  }
0x89: {  	[sflag:s14] =	ssyncadd.s32 $0xFFFFF800  }
0x8a: {  	_ =	swait.ge [sflag:s14], $0x800  }
0x8b: {  	[sflag:s14] =	ssyncset.done $0x0  }
0x8c: {  	[sflag:s14] =	ssyncadd.s32 $0xFFFFF800  }
0x8d: {  	_ =	swait.ge [sflag:s14], $0x800  }
0x8e: {  	s15 =	sadd.s32 $0x1, s15;
	[sflag:s14] =	ssyncset.done $0x0  }
0x8f: {  	p0 =	sne.s32 s15, s9;
	[sflag:s14] =	ssyncadd.s32 $0xFFFFF800  }
.Ltmp1:
0x90: {  	[bflag:$0x0] =	sbarrier.arrive $0xFFFF;
	(pc) =	sbr.rel @p0 .LBB2_1-.Ltmp1, $4  }
0x91: {  	[hbm:s8], [sflag:s6] =	dma.local [spmem:s10], $0x4F0  }
0x92: {  	_ =	swait.ge [sflag:s11], $0x4F0  }
0x93: {  	[sflag:s11] =	ssyncset.done $0x0  }
0x94: {  	[sflag:s11] =	ssyncadd.s32 $0xFFFFFB10  }
0x95: {  	_ =	sfence.sel $0x180000  }
0x96: {  	[bflag:$0x0] =	sbarrier.arrive $0xFFFF  }
0x97: {  	p0 =	sne.s32 s0, $0x0;
	_ =	strace $0x90000047  }
0x98: {  	s0 =	sadd.s32 @!p0 $0x100000, s1;
	[bflag:$0x2] =	sbarrier.arrive $0xFFFF  }
0x99: {  	[sflag:s0] =	ssyncadd.tile.s32 @!p0 $0x1;
	_ =	shalt  }
.Lfunc_end2:
_tile_overlayer_lowered:
.L_overlay_start_2:
0x9a: {  	(tag) =	ssettag $0x2  }
0x9b: {  	s0 =	rddreg [dreg:$0x0];
	s2 =	stileid.u32  }
0x9c: {  	s1 =	rddreg [dreg:$0x1];
	p0 =	sne.s32 s2, $0x0  }
0x9d: {  	s3 =	rddreg [dreg:$0x2];
	[bflag:$0x3] =	sbarrier.arrive $0xFFFF;
	s2 =	simm.s32 @!p0 $0x1C02  }
0x9e: {  	[timem:s3], [sflag:s2] =	dma.local @!p0 [hbm:s0], s1  }
0x9f: {  	s0 =	simm.s32 @!p0 $0x2  }
0xa0: {  	_ =	swait.ge @!p0 [sflag:s0], s1  }
0xa1: {  	s1 =	ssub.s32 @!p0 $0x0, s1;
	[sflag:s0] =	ssyncset.done @!p0 $0x0  }
0xa2: {  	[sflag:s0] =	ssyncadd.s32 @!p0 s1  }
0xa3: {  	[bflag:$0x3] =	sbarrier.arrive $0xFFFF  }
0xa4: {  	_ =	shalt  }

</sc_bundles>
